<compile_context>
chip_gen: v7x
topology: tpu7x:2x2x1
jax: 0.10.2.dev20260603
libtpu: 0.0.44.dev20260713+nightly
codegen_flags: <defaults>
</compile_context>

<pallas_src>
import jax
import jax.numpy as jnp
from jax import lax
from jax.experimental import pallas as pl
from jax.experimental.pallas import tpu as pltpu
from jax.experimental.pallas import tpu_sc as plsc

D = 128
NC, NS = 2, 16
NW = NC * NS
NBUF = 6
OB = 2
ROWS = 64


def _embed_kernel(x_hbm, tok_hbm, pos_hbm, out_hbm,
                  idx_v, b0, b1, b2, b3, b4, b5, pos_s, ostage_s,
                  isem, psems, gsems, csems, ssems, stsem):
    batch, seq_len = x_hbm.shape
    s_per_w = seq_len // NW
    c_per_w = s_per_w // ROWS
    n_tasks = batch * c_per_w

    sid = lax.axis_index("s")
    wid = sid * NC + lax.axis_index("c")
    s0 = wid * s_per_w
    p0 = sid * s_per_w
    o0 = sid * OB * ROWS
    bufs = [b0, b1, b2, b3, b4, b5]

    hidx = pltpu.async_copy(
        x_hbm.at[pl.ds(0, batch), pl.ds(s0, s_per_w)],
        idx_v, isem)

    pltpu.async_copy(pos_hbm.at[pl.ds(s0, s_per_w)],
                     pos_s.at[pl.ds(p0, s_per_w)], stsem).wait()

    def prefill(t):
        _, h = divmod(t, c_per_w)
        return pltpu.async_copy(pos_s.at[pl.ds(p0 + h * ROWS, ROWS)],
                                bufs[t % NBUF], psems.at[t % NBUF])

    def copy_out(t):
        return pltpu.async_copy(bufs[t % NBUF],
                                ostage_s.at[pl.ds(o0 + (t % OB) * ROWS, ROWS)],
                                csems.at[t % OB])

    def store(t):
        b, h = divmod(t, c_per_w)
        return pltpu.async_copy(ostage_s.at[pl.ds(o0 + (t % OB) * ROWS, ROWS)],
                                out_hbm.at[b, pl.ds(s0 + h * ROWS, ROWS)],
                                ssems.at[t % OB])

    hpre = {t: prefill(t) for t in range(NBUF)}
    hidx.wait()

    hg, hcp, hst = {}, {}, {}
    for t in range(n_tasks):
        hpre[t].wait()
        b, h = divmod(t, c_per_w)
        hg[t] = pltpu.async_copy(
            tok_hbm.at[idx_v.at[b, pl.ds(h * ROWS, ROWS)]],
            bufs[t % NBUF], gsems.at[t % NBUF], add=True)
        if t >= 1:
            hg[t - 1].wait()
            if t >= 3:
                hst[t - 3].wait()
            hcp[t - 1] = copy_out(t - 1)
        if t >= 2:
            hcp[t - 2].wait()
            hst[t - 2] = store(t - 2)
            if NBUF <= t + 4 < n_tasks:
                hpre[t + 4] = prefill(t + 4)
    t = n_tasks - 1
    hg[t].wait()
    hst[t - 2].wait()
    hcp[t] = copy_out(t)
    hcp[t - 1].wait()
    hst[t - 1] = store(t - 1)
    hcp[t].wait()
    hst[t] = store(t)
    hst[t - 1].wait()
    hst[t].wait()


def kernel(x, token_table, pos_table):
    batch, seq_len = x.shape

    mesh = plsc.VectorSubcoreMesh(core_axis_name="c", subcore_axis_name="s")
    run = pl.kernel(
        _embed_kernel,
        mesh=mesh,
        out_type=jax.ShapeDtypeStruct((batch, seq_len, D), jnp.float32),
        scratch_types=[
            pltpu.VMEM((batch, seq_len // NW), jnp.int32),
            pltpu.VMEM((ROWS, D), jnp.float32),
            pltpu.VMEM((ROWS, D), jnp.float32),
            pltpu.VMEM((ROWS, D), jnp.float32),
            pltpu.VMEM((ROWS, D), jnp.float32),
            pltpu.VMEM((ROWS, D), jnp.float32),
            pltpu.VMEM((ROWS, D), jnp.float32),
            pltpu.VMEM_SHARED((NS * (seq_len // NW), D),
                              jnp.float32),
            pltpu.VMEM_SHARED((NS * OB * ROWS, D), jnp.float32),
            pltpu.SemaphoreType.DMA,
            pltpu.SemaphoreType.DMA((NBUF,)),
            pltpu.SemaphoreType.DMA((NBUF,)),
            pltpu.SemaphoreType.DMA((OB,)),
            pltpu.SemaphoreType.DMA((OB,)),
            pltpu.SemaphoreType.DMA,
        ],
    )
    return run(x.astype(jnp.int32), token_table, pos_table)

# --- scband reference (transcript-rebuilt; emitter-appended) ---
"""Pipeline reference for scband-input-embedding-3496103379155 (READ-ONLY COPY).

The authoritative reference and input builder live on the scoring server;
editing this copy changes nothing except your own understanding.
"""

import jax, jax.numpy as jnp
import numpy as np

VOCAB_SIZE = 100000
D_MODEL = 128
MAX_SEQ_LEN = 8192
BATCH = 4
SEQ_LEN = 8192


def setup_inputs(seed: int = 0) -> dict:
    key = jax.random.key(seed)
    k1, k2, k3 = jax.random.split(key, 3)
    x = jax.random.randint(k1, (BATCH, SEQ_LEN), 0, VOCAB_SIZE, dtype=jnp.int64 if jax.config.jax_enable_x64 else jnp.int32)
    token_table = jax.random.normal(k2, (VOCAB_SIZE, D_MODEL), dtype=jnp.float32) * 0.02
    pos_table = jax.random.normal(k3, (MAX_SEQ_LEN, D_MODEL), dtype=jnp.float32) * 0.02
    return {"x": x, "token_table": token_table, "pos_table": pos_table}


def reference(x, token_table, pos_table):
    batch_size, seq_len = x.shape
    pos_ids = jnp.broadcast_to(jnp.arange(seq_len)[None, :], (batch_size, seq_len))
    token_embd = jnp.take(token_table, x, axis=0)
    pos_embd = jnp.take(pos_table, pos_ids, axis=0)
    # dropout is identity in eval/deterministic mode
    return token_embd + pos_embd

if __name__ == "__main__":
    import jax
    _d = setup_inputs()
    print(jax.jit(kernel)(*tuple(_d.values())))

</pallas_src>

<mosaic_0001>
#map = affine_map<(d0, d1) -> (0, 0)>
#map1 = affine_map<(d0, d1) -> (0, 0, 0)>
module attributes {stable_mosaic.version = 14 : i64} {
  func.func @_embed_kernel(%arg0: i32, %arg1: i32, %arg2: memref<4x8192xi32, #tpu.memory_space<hbm>>, %arg3: memref<100000x128xf32, #tpu.memory_space<hbm>>, %arg4: memref<8192x128xf32, #tpu.memory_space<hbm>>, %arg5: memref<4x8192x128xf32, #tpu.memory_space<hbm>>, %arg6: memref<4x256xi32, #tpu.memory_space<vmem>>, %arg7: memref<64x128xf32, #tpu.memory_space<vmem>>, %arg8: memref<64x128xf32, #tpu.memory_space<vmem>>, %arg9: memref<64x128xf32, #tpu.memory_space<vmem>>, %arg10: memref<64x128xf32, #tpu.memory_space<vmem>>, %arg11: memref<64x128xf32, #tpu.memory_space<vmem>>, %arg12: memref<64x128xf32, #tpu.memory_space<vmem>>, %arg13: memref<4096x128xf32, #tpu.memory_space<vmem_shared>>, %arg14: memref<2048x128xf32, #tpu.memory_space<vmem_shared>>, %arg15: memref<!tpu.dma_semaphore, #tpu.memory_space<semaphore_mem>>, %arg16: memref<6x!tpu.dma_semaphore, #tpu.memory_space<semaphore_mem>>, %arg17: memref<6x!tpu.dma_semaphore, #tpu.memory_space<semaphore_mem>>, %arg18: memref<2x!tpu.dma_semaphore, #tpu.memory_space<semaphore_mem>>, %arg19: memref<2x!tpu.dma_semaphore, #tpu.memory_space<semaphore_mem>>, %arg20: memref<!tpu.dma_semaphore, #tpu.memory_space<semaphore_mem>>) attributes {dimension_semantics = [#tpu.dimension_semantics<core_parallel>, #tpu.dimension_semantics<subcore_parallel>], iteration_bounds = array<i64: 2, 16>, scalar_prefetch = 0 : i64, scratch_operands = 15 : i64, tpu.core_type = #tpu.core_type<sc_vector_subcore>, window_params = [{transform_indices = #map}, {transform_indices = #map}, {transform_indices = #map}, {transform_indices = #map1}]} {
    %mul3A = arith.constant 2 : i32
    %mul3A_0 = arith.muli %arg1, %mul3A : i32
    %add3A = arith.addi %mul3A_0, %arg0 : i32
    %mul3A_1 = arith.constant 256 : i32
    %mul3A_2 = arith.muli %add3A, %mul3A_1 : i32
    %mul3A_3 = arith.constant 256 : i32
    %mul3A_4 = arith.muli %arg1, %mul3A_3 : i32
    %mul3A_5 = arith.constant 2 : i32
    %mul3A_6 = arith.muli %arg1, %mul3A_5 : i32
    %mul3A_7 = arith.constant 64 : i32
    %mul3A_8 = arith.muli %mul3A_6, %mul3A_7 : i32
    %dma_start3A = arith.constant 0 : i32
    %dma_start3A_9 = tpu.memref_slice %arg2[%dma_start3A, %mul3A_2] : memref<4x8192xi32, #tpu.memory_space<hbm>> -> memref<4x256xi32, #tpu.memory_space<hbm>>
    %dma_start3A_10 = arith.constant 0 : i32
    %dma_start3A_11 = tpu.memref_slice %arg2[%dma_start3A_10, %mul3A_2] : memref<4x8192xi32, #tpu.memory_space<hbm>> -> memref<4x256xi32, #tpu.memory_space<hbm>>
    tpu.enqueue_dma source(%dma_start3A_11 : memref<4x256xi32, #tpu.memory_space<hbm>>) target(%arg6 : memref<4x256xi32, #tpu.memory_space<vmem>>) target_semaphore(%arg15 : memref<!tpu.dma_semaphore, #tpu.memory_space<semaphore_mem>>)
    %dma_start3A_12 = arith.constant 0 : i32
    %dma_start3A_13 = tpu.memref_slice %arg13[%mul3A_4, %dma_start3A_12] : memref<4096x128xf32, #tpu.memory_space<vmem_shared>> -> memref<256x128xf32, #tpu.memory_space<vmem_shared>>
    %dma_start3A_14 = arith.constant 0 : i32
    %dma_start3A_15 = tpu.memref_slice %arg4[%mul3A_2, %dma_start3A_14] : memref<8192x128xf32, #tpu.memory_space<hbm>> -> memref<256x128xf32, #tpu.memory_space<hbm>>
    tpu.enqueue_dma source(%dma_start3A_15 : memref<256x128xf32, #tpu.memory_space<hbm>>) target(%dma_start3A_13 : memref<256x128xf32, #tpu.memory_space<vmem_shared>>) target_semaphore(%arg20 : memref<!tpu.dma_semaphore, #tpu.memory_space<semaphore_mem>>)
    %dma_wait3A = arith.constant 0 : i32
    %dma_wait3A_16 = tpu.memref_slice %arg13[%mul3A_4, %dma_wait3A] : memref<4096x128xf32, #tpu.memory_space<vmem_shared>> -> memref<256x128xf32, #tpu.memory_space<vmem_shared>>
    %dma_wait3A_17 = arith.constant 0 : i32
    %dma_wait3A_18 = tpu.memref_slice %arg4[%mul3A_2, %dma_wait3A_17] : memref<8192x128xf32, #tpu.memory_space<hbm>> -> memref<256x128xf32, #tpu.memory_space<hbm>>
    tpu.wait_dma2 semaphore(%arg20 : memref<!tpu.dma_semaphore, #tpu.memory_space<semaphore_mem>>) src(%dma_wait3A_18 : memref<256x128xf32, #tpu.memory_space<hbm>>) dst(%dma_wait3A_16 : memref<256x128xf32, #tpu.memory_space<vmem_shared>>)
    %add3A_19 = arith.constant 0 : i32
    %add3A_20 = arith.addi %mul3A_4, %add3A_19 : i32
    %dma_start3A_21 = arith.constant 0 : i32
    %dma_start3A_22 = arith.constant 0 : i32
    %dma_start3A_23 = tpu.memref_slice %arg13[%add3A_20, %dma_start3A_22] : memref<4096x128xf32, #tpu.memory_space<vmem_shared>> -> memref<64x128xf32, #tpu.memory_space<vmem_shared>>
    %dma_start3A_24 = tpu.memref_slice %arg16[%dma_start3A_21] : memref<6x!tpu.dma_semaphore, #tpu.memory_space<semaphore_mem>> -> memref<1x!tpu.dma_semaphore, #tpu.memory_space<semaphore_mem>>
    %dma_start3A_25 = tpu.memref_squeeze %dma_start3A_24 : memref<1x!tpu.dma_semaphore, #tpu.memory_space<semaphore_mem>> -> memref<!tpu.dma_semaphore, #tpu.memory_space<semaphore_mem>>
    %dma_start3A_26 = arith.constant 0 : i32
    %dma_start3A_27 = tpu.memref_slice %arg13[%add3A_20, %dma_start3A_26] : memref<4096x128xf32, #tpu.memory_space<vmem_shared>> -> memref<64x128xf32, #tpu.memory_space<vmem_shared>>
    tpu.enqueue_dma source(%dma_start3A_27 : memref<64x128xf32, #tpu.memory_space<vmem_shared>>) target(%arg7 : memref<64x128xf32, #tpu.memory_space<vmem>>) target_semaphore(%dma_start3A_25 : memref<!tpu.dma_semaphore, #tpu.memory_space<semaphore_mem>>)
    %add3A_28 = arith.constant 64 : i32
    %add3A_29 = arith.addi %mul3A_4, %add3A_28 : i32
    %dma_start3A_30 = arith.constant 1 : i32
    %dma_start3A_31 = arith.constant 0 : i32
    %dma_start3A_32 = tpu.memref_slice %arg13[%add3A_29, %dma_start3A_31] : memref<4096x128xf32, #tpu.memory_space<vmem_shared>> -> memref<64x128xf32, #tpu.memory_space<vmem_shared>>
    %dma_start3A_33 = tpu.memref_slice %arg16[%dma_start3A_30] : memref<6x!tpu.dma_semaphore, #tpu.memory_space<semaphore_mem>> -> memref<1x!tpu.dma_semaphore, #tpu.memory_space<semaphore_mem>>
    %dma_start3A_34 = tpu.memref_squeeze %dma_start3A_33 : memref<1x!tpu.dma_semaphore, #tpu.memory_space<semaphore_mem>> -> memref<!tpu.dma_semaphore, #tpu.memory_space<semaphore_mem>>
    %dma_start3A_35 = arith.constant 0 : i32
    %dma_start3A_36 = tpu.memref_slice %arg13[%add3A_29, %dma_start3A_35] : memref<4096x128xf32, #tpu.memory_space<vmem_shared>> -> memref<64x128xf32, #tpu.memory_space<vmem_shared>>
    tpu.enqueue_dma source(%dma_start3A_36 : memref<64x128xf32, #tpu.memory_space<vmem_shared>>) target(%arg8 : memref<64x128xf32, #tpu.memory_space<vmem>>) target_semaphore(%dma_start3A_34 : memref<!tpu.dma_semaphore, #tpu.memory_space<semaphore_mem>>)
    %add3A_37 = arith.constant 128 : i32
    %add3A_38 = arith.addi %mul3A_4, %add3A_37 : i32
    %dma_start3A_39 = arith.constant 2 : i32
    %dma_start3A_40 = arith.constant 0 : i32
    %dma_start3A_41 = tpu.memref_slice %arg13[%add3A_38, %dma_start3A_40] : memref<4096x128xf32, #tpu.memory_space<vmem_shared>> -> memref<64x128xf32, #tpu.memory_space<vmem_shared>>
    %dma_start3A_42 = tpu.memref_slice %arg16[%dma_start3A_39] : memref<6x!tpu.dma_semaphore, #tpu.memory_space<semaphore_mem>> -> memref<1x!tpu.dma_semaphore, #tpu.memory_space<semaphore_mem>>
    %dma_start3A_43 = tpu.memref_squeeze %dma_start3A_42 : memref<1x!tpu.dma_semaphore, #tpu.memory_space<semaphore_mem>> -> memref<!tpu.dma_semaphore, #tpu.memory_space<semaphore_mem>>
    %dma_start3A_44 = arith.constant 0 : i32
    %dma_start3A_45 = tpu.memref_slice %arg13[%add3A_38, %dma_start3A_44] : memref<4096x128xf32, #tpu.memory_space<vmem_shared>> -> memref<64x128xf32, #tpu.memory_space<vmem_shared>>
    tpu.enqueue_dma source(%dma_start3A_45 : memref<64x128xf32, #tpu.memory_space<vmem_shared>>) target(%arg9 : memref<64x128xf32, #tpu.memory_space<vmem>>) target_semaphore(%dma_start3A_43 : memref<!tpu.dma_semaphore, #tpu.memory_space<semaphore_mem>>)
    %add3A_46 = arith.constant 192 : i32
    %add3A_47 = arith.addi %mul3A_4, %add3A_46 : i32
    %dma_start3A_48 = arith.constant 3 : i32
    %dma_start3A_49 = arith.constant 0 : i32
    %dma_start3A_50 = tpu.memref_slice %arg13[%add3A_47, %dma_start3A_49] : memref<4096x128xf32, #tpu.memory_space<vmem_shared>> -> memref<64x128xf32, #tpu.memory_space<vmem_shared>>
    %dma_start3A_51 = tpu.memref_slice %arg16[%dma_start3A_48] : memref<6x!tpu.dma_semaphore, #tpu.memory_space<semaphore_mem>> -> memref<1x!tpu.dma_semaphore, #tpu.memory_space<semaphore_mem>>
    %dma_start3A_52 = tpu.memref_squeeze %dma_start3A_51 : memref<1x!tpu.dma_semaphore, #tpu.memory_space<semaphore_mem>> -> memref<!tpu.dma_semaphore, #tpu.memory_space<semaphore_mem>>
    %dma_start3A_53 = arith.constant 0 : i32
    %dma_start3A_54 = tpu.memref_slice %arg13[%add3A_47, %dma_start3A_53] : memref<4096x128xf32, #tpu.memory_space<vmem_shared>> -> memref<64x128xf32, #tpu.memory_space<vmem_shared>>
    tpu.enqueue_dma source(%dma_start3A_54 : memref<64x128xf32, #tpu.memory_space<vmem_shared>>) target(%arg10 : memref<64x128xf32, #tpu.memory_space<vmem>>) target_semaphore(%dma_start3A_52 : memref<!tpu.dma_semaphore, #tpu.memory_space<semaphore_mem>>)
    %add3A_55 = arith.constant 0 : i32
    %add3A_56 = arith.addi %mul3A_4, %add3A_55 : i32
    %dma_start3A_57 = arith.constant 4 : i32
    %dma_start3A_58 = arith.constant 0 : i32
    %dma_start3A_59 = tpu.memref_slice %arg13[%add3A_56, %dma_start3A_58] : memref<4096x128xf32, #tpu.memory_space<vmem_shared>> -> memref<64x128xf32, #tpu.memory_space<vmem_shared>>
    %dma_start3A_60 = tpu.memref_slice %arg16[%dma_start3A_57] : memref<6x!tpu.dma_semaphore, #tpu.memory_space<semaphore_mem>> -> memref<1x!tpu.dma_semaphore, #tpu.memory_space<semaphore_mem>>
    %dma_start3A_61 = tpu.memref_squeeze %dma_start3A_60 : memref<1x!tpu.dma_semaphore, #tpu.memory_space<semaphore_mem>> -> memref<!tpu.dma_semaphore, #tpu.memory_space<semaphore_mem>>
    %dma_start3A_62 = arith.constant 0 : i32
    %dma_start3A_63 = tpu.memref_slice %arg13[%add3A_56, %dma_start3A_62] : memref<4096x128xf32, #tpu.memory_space<vmem_shared>> -> memref<64x128xf32, #tpu.memory_space<vmem_shared>>
    tpu.enqueue_dma source(%dma_start3A_63 : memref<64x128xf32, #tpu.memory_space<vmem_shared>>) target(%arg11 : memref<64x128xf32, #tpu.memory_space<vmem>>) target_semaphore(%dma_start3A_61 : memref<!tpu.dma_semaphore, #tpu.memory_space<semaphore_mem>>)
    %add3A_64 = arith.constant 64 : i32
    %add3A_65 = arith.addi %mul3A_4, %add3A_64 : i32
    %dma_start3A_66 = arith.constant 5 : i32
    %dma_start3A_67 = arith.constant 0 : i32
    %dma_start3A_68 = tpu.memref_slice %arg13[%add3A_65, %dma_start3A_67] : memref<4096x128xf32, #tpu.memory_space<vmem_shared>> -> memref<64x128xf32, #tpu.memory_space<vmem_shared>>
    %dma_start3A_69 = tpu.memref_slice %arg16[%dma_start3A_66] : memref<6x!tpu.dma_semaphore, #tpu.memory_space<semaphore_mem>> -> memref<1x!tpu.dma_semaphore, #tpu.memory_space<semaphore_mem>>
    %dma_start3A_70 = tpu.memref_squeeze %dma_start3A_69 : memref<1x!tpu.dma_semaphore, #tpu.memory_space<semaphore_mem>> -> memref<!tpu.dma_semaphore, #tpu.memory_space<semaphore_mem>>
    %dma_start3A_71 = arith.constant 0 : i32
    %dma_start3A_72 = tpu.memref_slice %arg13[%add3A_65, %dma_start3A_71] : memref<4096x128xf32, #tpu.memory_space<vmem_shared>> -> memref<64x128xf32, #tpu.memory_space<vmem_shared>>
    tpu.enqueue_dma source(%dma_start3A_72 : memref<64x128xf32, #tpu.memory_space<vmem_shared>>) target(%arg12 : memref<64x128xf32, #tpu.memory_space<vmem>>) target_semaphore(%dma_start3A_70 : memref<!tpu.dma_semaphore, #tpu.memory_space<semaphore_mem>>)
    %dma_wait3A_73 = arith.constant 0 : i32
    %dma_wait3A_74 = tpu.memref_slice %arg2[%dma_wait3A_73, %mul3A_2] : memref<4x8192xi32, #tpu.memory_space<hbm>> -> memref<4x256xi32, #tpu.memory_space<hbm>>
    %dma_wait3A_75 = arith.constant 0 : i32
    %dma_wait3A_76 = tpu.memref_slice %arg2[%dma_wait3A_75, %mul3A_2] : memref<4x8192xi32, #tpu.memory_space<hbm>> -> memref<4x256xi32, #tpu.memory_space<hbm>>
    tpu.wait_dma2 semaphore(%arg15 : memref<!tpu.dma_semaphore, #tpu.memory_space<semaphore_mem>>) src(%dma_wait3A_76 : memref<4x256xi32, #tpu.memory_space<hbm>>) dst(%arg6 : memref<4x256xi32, #tpu.memory_space<vmem>>)
    %dma_wait3A_77 = arith.constant 0 : i32
    %dma_wait3A_78 = arith.constant 0 : i32
    %dma_wait3A_79 = tpu.memref_slice %arg13[%add3A_20, %dma_wait3A_78] : memref<4096x128xf32, #tpu.memory_space<vmem_shared>> -> memref<64x128xf32, #tpu.memory_space<vmem_shared>>
    %dma_wait3A_80 = tpu.memref_slice %arg16[%dma_wait3A_77] : memref<6x!tpu.dma_semaphore, #tpu.memory_space<semaphore_mem>> -> memref<1x!tpu.dma_semaphore, #tpu.memory_space<semaphore_mem>>
    %dma_wait3A_81 = tpu.memref_squeeze %dma_wait3A_80 : memref<1x!tpu.dma_semaphore, #tpu.memory_space<semaphore_mem>> -> memref<!tpu.dma_semaphore, #tpu.memory_space<semaphore_mem>>
    %dma_wait3A_82 = arith.constant 0 : i32
    %dma_wait3A_83 = tpu.memref_slice %arg13[%add3A_20, %dma_wait3A_82] : memref<4096x128xf32, #tpu.memory_space<vmem_shared>> -> memref<64x128xf32, #tpu.memory_space<vmem_shared>>
    tpu.wait_dma2 semaphore(%dma_wait3A_81 : memref<!tpu.dma_semaphore, #tpu.memory_space<semaphore_mem>>) src(%dma_wait3A_83 : memref<64x128xf32, #tpu.memory_space<vmem_shared>>) dst(%arg7 : memref<64x128xf32, #tpu.memory_space<vmem>>)
    %dma_start3A_84 = arith.constant 0 : i32
    %dma_start3A_85 = arith.constant 0 : i32
    %dma_start3A_86 = arith.constant 0 : i32
    %dma_start3A_87 = tpu.memref_slice %arg6[%dma_start3A_84, %dma_start3A_86] : memref<4x256xi32, #tpu.memory_space<vmem>> -> memref<1x64xi32, #tpu.memory_space<vmem>>
    %dma_start3A_88 = tpu.memref_squeeze %dma_start3A_87 : memref<1x64xi32, #tpu.memory_space<vmem>> -> memref<64xi32, #tpu.memory_space<vmem>>
    %dma_start3A_89 = arith.constant 0 : i32
    %dma_start3A_90 = arith.constant 0 : i32
    %dma_start3A_91 = tpu.memref_slice %arg3[%dma_start3A_89, %dma_start3A_90] : memref<100000x128xf32, #tpu.memory_space<hbm>> -> memref<100000x128xf32, #tpu.memory_space<hbm>>
    %dma_start3A_92 = tpu.memref_slice %arg17[%dma_start3A_85] : memref<6x!tpu.dma_semaphore, #tpu.memory_space<semaphore_mem>> -> memref<1x!tpu.dma_semaphore, #tpu.memory_space<semaphore_mem>>
    %dma_start3A_93 = tpu.memref_squeeze %dma_start3A_92 : memref<1x!tpu.dma_semaphore, #tpu.memory_space<semaphore_mem>> -> memref<!tpu.dma_semaphore, #tpu.memory_space<semaphore_mem>>
    tpu.enqueue_indirect_dma source(%dma_start3A_91 : memref<100000x128xf32, #tpu.memory_space<hbm>>) target(%arg7 : memref<64x128xf32, #tpu.memory_space<vmem>>) offsets(%dma_start3A_88 : memref<64xi32, #tpu.memory_space<vmem>>) semaphore(%dma_start3A_93 : memref<!tpu.dma_semaphore, #tpu.memory_space<semaphore_mem>>) {add = true}
    %dma_wait3A_94 = arith.constant 1 : i32
    %dma_wait3A_95 = arith.constant 0 : i32
    %dma_wait3A_96 = tpu.memref_slice %arg13[%add3A_29, %dma_wait3A_95] : memref<4096x128xf32, #tpu.memory_space<vmem_shared>> -> memref<64x128xf32, #tpu.memory_space<vmem_shared>>
    %dma_wait3A_97 = tpu.memref_slice %arg16[%dma_wait3A_94] : memref<6x!tpu.dma_semaphore, #tpu.memory_space<semaphore_mem>> -> memref<1x!tpu.dma_semaphore, #tpu.memory_space<semaphore_mem>>
    %dma_wait3A_98 = tpu.memref_squeeze %dma_wait3A_97 : memref<1x!tpu.dma_semaphore, #tpu.memory_space<semaphore_mem>> -> memref<!tpu.dma_semaphore, #tpu.memory_space<semaphore_mem>>
    %dma_wait3A_99 = arith.constant 0 : i32
    %dma_wait3A_100 = tpu.memref_slice %arg13[%add3A_29, %dma_wait3A_99] : memref<4096x128xf32, #tpu.memory_space<vmem_shared>> -> memref<64x128xf32, #tpu.memory_space<vmem_shared>>
    tpu.wait_dma2 semaphore(%dma_wait3A_98 : memref<!tpu.dma_semaphore, #tpu.memory_space<semaphore_mem>>) src(%dma_wait3A_100 : memref<64x128xf32, #tpu.memory_space<vmem_shared>>) dst(%arg8 : memref<64x128xf32, #tpu.memory_space<vmem>>)
    %dma_start3A_101 = arith.constant 0 : i32
    %dma_start3A_102 = arith.constant 1 : i32
    %dma_start3A_103 = arith.constant 64 : i32
    %dma_start3A_104 = tpu.memref_slice %arg6[%dma_start3A_101, %dma_start3A_103] : memref<4x256xi32, #tpu.memory_space<vmem>> -> memref<1x64xi32, #tpu.memory_space<vmem>>
    %dma_start3A_105 = tpu.memref_squeeze %dma_start3A_104 : memref<1x64xi32, #tpu.memory_space<vmem>> -> memref<64xi32, #tpu.memory_space<vmem>>
    %dma_start3A_106 = arith.constant 0 : i32
    %dma_start3A_107 = arith.constant 0 : i32
    %dma_start3A_108 = tpu.memref_slice %arg3[%dma_start3A_106, %dma_start3A_107] : memref<100000x128xf32, #tpu.memory_space<hbm>> -> memref<100000x128xf32, #tpu.memory_space<hbm>>
    %dma_start3A_109 = tpu.memref_slice %arg17[%dma_start3A_102] : memref<6x!tpu.dma_semaphore, #tpu.memory_space<semaphore_mem>> -> memref<1x!tpu.dma_semaphore, #tpu.memory_space<semaphore_mem>>
    %dma_start3A_110 = tpu.memref_squeeze %dma_start3A_109 : memref<1x!tpu.dma_semaphore, #tpu.memory_space<semaphore_mem>> -> memref<!tpu.dma_semaphore, #tpu.memory_space<semaphore_mem>>
    tpu.enqueue_indirect_dma source(%dma_start3A_108 : memref<100000x128xf32, #tpu.memory_space<hbm>>) target(%arg8 : memref<64x128xf32, #tpu.memory_space<vmem>>) offsets(%dma_start3A_105 : memref<64xi32, #tpu.memory_space<vmem>>) semaphore(%dma_start3A_110 : memref<!tpu.dma_semaphore, #tpu.memory_space<semaphore_mem>>) {add = true}
    %dma_wait3A_111 = arith.constant 0 : i32
    %dma_wait3A_112 = arith.constant 0 : i32
    %dma_wait3A_113 = arith.constant 0 : i32
    %dma_wait3A_114 = tpu.memref_slice %arg6[%dma_wait3A_111, %dma_wait3A_113] : memref<4x256xi32, #tpu.memory_space<vmem>> -> memref<1x64xi32, #tpu.memory_space<vmem>>
    %dma_wait3A_115 = tpu.memref_squeeze %dma_wait3A_114 : memref<1x64xi32, #tpu.memory_space<vmem>> -> memref<64xi32, #tpu.memory_space<vmem>>
    %dma_wait3A_116 = arith.constant 0 : i32
    %dma_wait3A_117 = arith.constant 0 : i32
    %dma_wait3A_118 = tpu.memref_slice %arg3[%dma_wait3A_116, %dma_wait3A_117] : memref<100000x128xf32, #tpu.memory_space<hbm>> -> memref<100000x128xf32, #tpu.memory_space<hbm>>
    %dma_wait3A_119 = tpu.memref_slice %arg17[%dma_wait3A_112] : memref<6x!tpu.dma_semaphore, #tpu.memory_space<semaphore_mem>> -> memref<1x!tpu.dma_semaphore, #tpu.memory_space<semaphore_mem>>
    %dma_wait3A_120 = tpu.memref_squeeze %dma_wait3A_119 : memref<1x!tpu.dma_semaphore, #tpu.memory_space<semaphore_mem>> -> memref<!tpu.dma_semaphore, #tpu.memory_space<semaphore_mem>>
    tpu.wait_indirect_dma semaphore(%dma_wait3A_120 : memref<!tpu.dma_semaphore, #tpu.memory_space<semaphore_mem>>) src(%dma_wait3A_118 : memref<100000x128xf32, #tpu.memory_space<hbm>>) dst(%arg7 : memref<64x128xf32, #tpu.memory_space<vmem>>)
    %add3A_121 = arith.constant 0 : i32
    %add3A_122 = arith.addi %mul3A_8, %add3A_121 : i32
    %dma_start3A_123 = arith.constant 0 : i32
    %dma_start3A_124 = arith.constant 0 : i32
    %dma_start3A_125 = tpu.memref_slice %arg14[%add3A_122, %dma_start3A_124] : memref<2048x128xf32, #tpu.memory_space<vmem_shared>> -> memref<64x128xf32, #tpu.memory_space<vmem_shared>>
    %dma_start3A_126 = tpu.memref_slice %arg18[%dma_start3A_123] : memref<2x!tpu.dma_semaphore, #tpu.memory_space<semaphore_mem>> -> memref<1x!tpu.dma_semaphore, #tpu.memory_space<semaphore_mem>>
    %dma_start3A_127 = tpu.memref_squeeze %dma_start3A_126 : memref<1x!tpu.dma_semaphore, #tpu.memory_space<semaphore_mem>> -> memref<!tpu.dma_semaphore, #tpu.memory_space<semaphore_mem>>
    %dma_start3A_128 = arith.constant 0 : i32
    %dma_start3A_129 = tpu.memref_slice %arg14[%add3A_122, %dma_start3A_128] : memref<2048x128xf32, #tpu.memory_space<vmem_shared>> -> memref<64x128xf32, #tpu.memory_space<vmem_shared>>
    tpu.enqueue_dma source(%arg7 : memref<64x128xf32, #tpu.memory_space<vmem>>) target(%dma_start3A_129 : memref<64x128xf32, #tpu.memory_space<vmem_shared>>) target_semaphore(%dma_start3A_127 : memref<!tpu.dma_semaphore, #tpu.memory_space<semaphore_mem>>)
    %dma_wait3A_130 = arith.constant 2 : i32
    %dma_wait3A_131 = arith.constant 0 : i32
    %dma_wait3A_132 = tpu.memref_slice %arg13[%add3A_38, %dma_wait3A_131] : memref<4096x128xf32, #tpu.memory_space<vmem_shared>> -> memref<64x128xf32, #tpu.memory_space<vmem_shared>>
    %dma_wait3A_133 = tpu.memref_slice %arg16[%dma_wait3A_130] : memref<6x!tpu.dma_semaphore, #tpu.memory_space<semaphore_mem>> -> memref<1x!tpu.dma_semaphore, #tpu.memory_space<semaphore_mem>>
    %dma_wait3A_134 = tpu.memref_squeeze %dma_wait3A_133 : memref<1x!tpu.dma_semaphore, #tpu.memory_space<semaphore_mem>> -> memref<!tpu.dma_semaphore, #tpu.memory_space<semaphore_mem>>
    %dma_wait3A_135 = arith.constant 0 : i32
    %dma_wait3A_136 = tpu.memref_slice %arg13[%add3A_38, %dma_wait3A_135] : memref<4096x128xf32, #tpu.memory_space<vmem_shared>> -> memref<64x128xf32, #tpu.memory_space<vmem_shared>>
    tpu.wait_dma2 semaphore(%dma_wait3A_134 : memref<!tpu.dma_semaphore, #tpu.memory_space<semaphore_mem>>) src(%dma_wait3A_136 : memref<64x128xf32, #tpu.memory_space<vmem_shared>>) dst(%arg9 : memref<64x128xf32, #tpu.memory_space<vmem>>)
    %dma_start3A_137 = arith.constant 0 : i32
    %dma_start3A_138 = arith.constant 2 : i32
    %dma_start3A_139 = arith.constant 128 : i32
    %dma_start3A_140 = tpu.memref_slice %arg6[%dma_start3A_137, %dma_start3A_139] : memref<4x256xi32, #tpu.memory_space<vmem>> -> memref<1x64xi32, #tpu.memory_space<vmem>>
    %dma_start3A_141 = tpu.memref_squeeze %dma_start3A_140 : memref<1x64xi32, #tpu.memory_space<vmem>> -> memref<64xi32, #tpu.memory_space<vmem>>
    %dma_start3A_142 = arith.constant 0 : i32
    %dma_start3A_143 = arith.constant 0 : i32
    %dma_start3A_144 = tpu.memref_slice %arg3[%dma_start3A_142, %dma_start3A_143] : memref<100000x128xf32, #tpu.memory_space<hbm>> -> memref<100000x128xf32, #tpu.memory_space<hbm>>
    %dma_start3A_145 = tpu.memref_slice %arg17[%dma_start3A_138] : memref<6x!tpu.dma_semaphore, #tpu.memory_space<semaphore_mem>> -> memref<1x!tpu.dma_semaphore, #tpu.memory_space<semaphore_mem>>
    %dma_start3A_146 = tpu.memref_squeeze %dma_start3A_145 : memref<1x!tpu.dma_semaphore, #tpu.memory_space<semaphore_mem>> -> memref<!tpu.dma_semaphore, #tpu.memory_space<semaphore_mem>>
    tpu.enqueue_indirect_dma source(%dma_start3A_144 : memref<100000x128xf32, #tpu.memory_space<hbm>>) target(%arg9 : memref<64x128xf32, #tpu.memory_space<vmem>>) offsets(%dma_start3A_141 : memref<64xi32, #tpu.memory_space<vmem>>) semaphore(%dma_start3A_146 : memref<!tpu.dma_semaphore, #tpu.memory_space<semaphore_mem>>) {add = true}
    %dma_wait3A_147 = arith.constant 0 : i32
    %dma_wait3A_148 = arith.constant 1 : i32
    %dma_wait3A_149 = arith.constant 64 : i32
    %dma_wait3A_150 = tpu.memref_slice %arg6[%dma_wait3A_147, %dma_wait3A_149] : memref<4x256xi32, #tpu.memory_space<vmem>> -> memref<1x64xi32, #tpu.memory_space<vmem>>
    %dma_wait3A_151 = tpu.memref_squeeze %dma_wait3A_150 : memref<1x64xi32, #tpu.memory_space<vmem>> -> memref<64xi32, #tpu.memory_space<vmem>>
    %dma_wait3A_152 = arith.constant 0 : i32
    %dma_wait3A_153 = arith.constant 0 : i32
    %dma_wait3A_154 = tpu.memref_slice %arg3[%dma_wait3A_152, %dma_wait3A_153] : memref<100000x128xf32, #tpu.memory_space<hbm>> -> memref<100000x128xf32, #tpu.memory_space<hbm>>
    %dma_wait3A_155 = tpu.memref_slice %arg17[%dma_wait3A_148] : memref<6x!tpu.dma_semaphore, #tpu.memory_space<semaphore_mem>> -> memref<1x!tpu.dma_semaphore, #tpu.memory_space<semaphore_mem>>
    %dma_wait3A_156 = tpu.memref_squeeze %dma_wait3A_155 : memref<1x!tpu.dma_semaphore, #tpu.memory_space<semaphore_mem>> -> memref<!tpu.dma_semaphore, #tpu.memory_space<semaphore_mem>>
    tpu.wait_indirect_dma semaphore(%dma_wait3A_156 : memref<!tpu.dma_semaphore, #tpu.memory_space<semaphore_mem>>) src(%dma_wait3A_154 : memref<100000x128xf32, #tpu.memory_space<hbm>>) dst(%arg8 : memref<64x128xf32, #tpu.memory_space<vmem>>)
    %add3A_157 = arith.constant 64 : i32
    %add3A_158 = arith.addi %mul3A_8, %add3A_157 : i32
    %dma_start3A_159 = arith.constant 1 : i32
    %dma_start3A_160 = arith.constant 0 : i32
    %dma_start3A_161 = tpu.memref_slice %arg14[%add3A_158, %dma_start3A_160] : memref<2048x128xf32, #tpu.memory_space<vmem_shared>> -> memref<64x128xf32, #tpu.memory_space<vmem_shared>>
    %dma_start3A_162 = tpu.memref_slice %arg18[%dma_start3A_159] : memref<2x!tpu.dma_semaphore, #tpu.memory_space<semaphore_mem>> -> memref<1x!tpu.dma_semaphore, #tpu.memory_space<semaphore_mem>>
    %dma_start3A_163 = tpu.memref_squeeze %dma_start3A_162 : memref<1x!tpu.dma_semaphore, #tpu.memory_space<semaphore_mem>> -> memref<!tpu.dma_semaphore, #tpu.memory_space<semaphore_mem>>
    %dma_start3A_164 = arith.constant 0 : i32
    %dma_start3A_165 = tpu.memref_slice %arg14[%add3A_158, %dma_start3A_164] : memref<2048x128xf32, #tpu.memory_space<vmem_shared>> -> memref<64x128xf32, #tpu.memory_space<vmem_shared>>
    tpu.enqueue_dma source(%arg8 : memref<64x128xf32, #tpu.memory_space<vmem>>) target(%dma_start3A_165 : memref<64x128xf32, #tpu.memory_space<vmem_shared>>) target_semaphore(%dma_start3A_163 : memref<!tpu.dma_semaphore, #tpu.memory_space<semaphore_mem>>)
    %dma_wait3A_166 = arith.constant 0 : i32
    %dma_wait3A_167 = arith.constant 0 : i32
    %dma_wait3A_168 = tpu.memref_slice %arg14[%add3A_122, %dma_wait3A_167] : memref<2048x128xf32, #tpu.memory_space<vmem_shared>> -> memref<64x128xf32, #tpu.memory_space<vmem_shared>>
    %dma_wait3A_169 = tpu.memref_slice %arg18[%dma_wait3A_166] : memref<2x!tpu.dma_semaphore, #tpu.memory_space<semaphore_mem>> -> memref<1x!tpu.dma_semaphore, #tpu.memory_space<semaphore_mem>>
    %dma_wait3A_170 = tpu.memref_squeeze %dma_wait3A_169 : memref<1x!tpu.dma_semaphore, #tpu.memory_space<semaphore_mem>> -> memref<!tpu.dma_semaphore, #tpu.memory_space<semaphore_mem>>
    %dma_wait3A_171 = arith.constant 0 : i32
    %dma_wait3A_172 = tpu.memref_slice %arg14[%add3A_122, %dma_wait3A_171] : memref<2048x128xf32, #tpu.memory_space<vmem_shared>> -> memref<64x128xf32, #tpu.memory_space<vmem_shared>>
    tpu.wait_dma2 semaphore(%dma_wait3A_170 : memref<!tpu.dma_semaphore, #tpu.memory_space<semaphore_mem>>) src(%arg7 : memref<64x128xf32, #tpu.memory_space<vmem>>) dst(%dma_wait3A_172 : memref<64x128xf32, #tpu.memory_space<vmem_shared>>)
    %add3A_173 = arith.constant 0 : i32
    %add3A_174 = arith.addi %mul3A_8, %add3A_173 : i32
    %add3A_175 = arith.constant 0 : i32
    %add3A_176 = arith.addi %mul3A_2, %add3A_175 : i32
    %dma_start3A_177 = arith.constant 0 : i32
    %dma_start3A_178 = arith.constant 0 : i32
    %dma_start3A_179 = tpu.memref_slice %arg19[%dma_start3A_178] : memref<2x!tpu.dma_semaphore, #tpu.memory_space<semaphore_mem>> -> memref<1x!tpu.dma_semaphore, #tpu.memory_space<semaphore_mem>>
    %dma_start3A_180 = tpu.memref_squeeze %dma_start3A_179 : memref<1x!tpu.dma_semaphore, #tpu.memory_space<semaphore_mem>> -> memref<!tpu.dma_semaphore, #tpu.memory_space<semaphore_mem>>
    %dma_start3A_181 = arith.constant 0 : i32
    %dma_start3A_182 = tpu.memref_slice %arg5[%dma_start3A_177, %add3A_176, %dma_start3A_181] : memref<4x8192x128xf32, #tpu.memory_space<hbm>> -> memref<1x64x128xf32, #tpu.memory_space<hbm>>
    %dma_start3A_183 = tpu.memref_squeeze %dma_start3A_182 : memref<1x64x128xf32, #tpu.memory_space<hbm>> -> memref<64x128xf32, #tpu.memory_space<hbm>>
    %dma_start3A_184 = arith.constant 0 : i32
    %dma_start3A_185 = tpu.memref_slice %arg14[%add3A_174, %dma_start3A_184] : memref<2048x128xf32, #tpu.memory_space<vmem_shared>> -> memref<64x128xf32, #tpu.memory_space<vmem_shared>>
    tpu.enqueue_dma source(%dma_start3A_185 : memref<64x128xf32, #tpu.memory_space<vmem_shared>>) target(%dma_start3A_183 : memref<64x128xf32, #tpu.memory_space<hbm>>) target_semaphore(%dma_start3A_180 : memref<!tpu.dma_semaphore, #tpu.memory_space<semaphore_mem>>)
    %add3A_186 = arith.constant 128 : i32
    %add3A_187 = arith.addi %mul3A_4, %add3A_186 : i32
    %dma_start3A_188 = arith.constant 0 : i32
    %dma_start3A_189 = arith.constant 0 : i32
    %dma_start3A_190 = tpu.memref_slice %arg13[%add3A_187, %dma_start3A_189] : memref<4096x128xf32, #tpu.memory_space<vmem_shared>> -> memref<64x128xf32, #tpu.memory_space<vmem_shared>>
    %dma_start3A_191 = tpu.memref_slice %arg16[%dma_start3A_188] : memref<6x!tpu.dma_semaphore, #tpu.memory_space<semaphore_mem>> -> memref<1x!tpu.dma_semaphore, #tpu.memory_space<semaphore_mem>>
    %dma_start3A_192 = tpu.memref_squeeze %dma_start3A_191 : memref<1x!tpu.dma_semaphore, #tpu.memory_space<semaphore_mem>> -> memref<!tpu.dma_semaphore, #tpu.memory_space<semaphore_mem>>
    %dma_start3A_193 = arith.constant 0 : i32
    %dma_start3A_194 = tpu.memref_slice %arg13[%add3A_187, %dma_start3A_193] : memref<4096x128xf32, #tpu.memory_space<vmem_shared>> -> memref<64x128xf32, #tpu.memory_space<vmem_shared>>
    tpu.enqueue_dma source(%dma_start3A_194 : memref<64x128xf32, #tpu.memory_space<vmem_shared>>) target(%arg7 : memref<64x128xf32, #tpu.memory_space<vmem>>) target_semaphore(%dma_start3A_192 : memref<!tpu.dma_semaphore, #tpu.memory_space<semaphore_mem>>)
    %dma_wait3A_195 = arith.constant 3 : i32
    %dma_wait3A_196 = arith.constant 0 : i32
    %dma_wait3A_197 = tpu.memref_slice %arg13[%add3A_47, %dma_wait3A_196] : memref<4096x128xf32, #tpu.memory_space<vmem_shared>> -> memref<64x128xf32, #tpu.memory_space<vmem_shared>>
    %dma_wait3A_198 = tpu.memref_slice %arg16[%dma_wait3A_195] : memref<6x!tpu.dma_semaphore, #tpu.memory_space<semaphore_mem>> -> memref<1x!tpu.dma_semaphore, #tpu.memory_space<semaphore_mem>>
    %dma_wait3A_199 = tpu.memref_squeeze %dma_wait3A_198 : memref<1x!tpu.dma_semaphore, #tpu.memory_space<semaphore_mem>> -> memref<!tpu.dma_semaphore, #tpu.memory_space<semaphore_mem>>
    %dma_wait3A_200 = arith.constant 0 : i32
    %dma_wait3A_201 = tpu.memref_slice %arg13[%add3A_47, %dma_wait3A_200] : memref<4096x128xf32, #tpu.memory_space<vmem_shared>> -> memref<64x128xf32, #tpu.memory_space<vmem_shared>>
    tpu.wait_dma2 semaphore(%dma_wait3A_199 : memref<!tpu.dma_semaphore, #tpu.memory_space<semaphore_mem>>) src(%dma_wait3A_201 : memref<64x128xf32, #tpu.memory_space<vmem_shared>>) dst(%arg10 : memref<64x128xf32, #tpu.memory_space<vmem>>)
    %dma_start3A_202 = arith.constant 0 : i32
    %dma_start3A_203 = arith.constant 3 : i32
    %dma_start3A_204 = arith.constant 192 : i32
    %dma_start3A_205 = tpu.memref_slice %arg6[%dma_start3A_202, %dma_start3A_204] : memref<4x256xi32, #tpu.memory_space<vmem>> -> memref<1x64xi32, #tpu.memory_space<vmem>>
    %dma_start3A_206 = tpu.memref_squeeze %dma_start3A_205 : memref<1x64xi32, #tpu.memory_space<vmem>> -> memref<64xi32, #tpu.memory_space<vmem>>
    %dma_start3A_207 = arith.constant 0 : i32
    %dma_start3A_208 = arith.constant 0 : i32
    %dma_start3A_209 = tpu.memref_slice %arg3[%dma_start3A_207, %dma_start3A_208] : memref<100000x128xf32, #tpu.memory_space<hbm>> -> memref<100000x128xf32, #tpu.memory_space<hbm>>
    %dma_start3A_210 = tpu.memref_slice %arg17[%dma_start3A_203] : memref<6x!tpu.dma_semaphore, #tpu.memory_space<semaphore_mem>> -> memref<1x!tpu.dma_semaphore, #tpu.memory_space<semaphore_mem>>
    %dma_start3A_211 = tpu.memref_squeeze %dma_start3A_210 : memref<1x!tpu.dma_semaphore, #tpu.memory_space<semaphore_mem>> -> memref<!tpu.dma_semaphore, #tpu.memory_space<semaphore_mem>>
    tpu.enqueue_indirect_dma source(%dma_start3A_209 : memref<100000x128xf32, #tpu.memory_space<hbm>>) target(%arg10 : memref<64x128xf32, #tpu.memory_space<vmem>>) offsets(%dma_start3A_206 : memref<64xi32, #tpu.memory_space<vmem>>) semaphore(%dma_start3A_211 : memref<!tpu.dma_semaphore, #tpu.memory_space<semaphore_mem>>) {add = true}
    %dma_wait3A_212 = arith.constant 0 : i32
    %dma_wait3A_213 = arith.constant 2 : i32
    %dma_wait3A_214 = arith.constant 128 : i32
    %dma_wait3A_215 = tpu.memref_slice %arg6[%dma_wait3A_212, %dma_wait3A_214] : memref<4x256xi32, #tpu.memory_space<vmem>> -> memref<1x64xi32, #tpu.memory_space<vmem>>
    %dma_wait3A_216 = tpu.memref_squeeze %dma_wait3A_215 : memref<1x64xi32, #tpu.memory_space<vmem>> -> memref<64xi32, #tpu.memory_space<vmem>>
    %dma_wait3A_217 = arith.constant 0 : i32
    %dma_wait3A_218 = arith.constant 0 : i32
    %dma_wait3A_219 = tpu.memref_slice %arg3[%dma_wait3A_217, %dma_wait3A_218] : memref<100000x128xf32, #tpu.memory_space<hbm>> -> memref<100000x128xf32, #tpu.memory_space<hbm>>
    %dma_wait3A_220 = tpu.memref_slice %arg17[%dma_wait3A_213] : memref<6x!tpu.dma_semaphore, #tpu.memory_space<semaphore_mem>> -> memref<1x!tpu.dma_semaphore, #tpu.memory_space<semaphore_mem>>
    %dma_wait3A_221 = tpu.memref_squeeze %dma_wait3A_220 : memref<1x!tpu.dma_semaphore, #tpu.memory_space<semaphore_mem>> -> memref<!tpu.dma_semaphore, #tpu.memory_space<semaphore_mem>>
    tpu.wait_indirect_dma semaphore(%dma_wait3A_221 : memref<!tpu.dma_semaphore, #tpu.memory_space<semaphore_mem>>) src(%dma_wait3A_219 : memref<100000x128xf32, #tpu.memory_space<hbm>>) dst(%arg9 : memref<64x128xf32, #tpu.memory_space<vmem>>)
    %dma_wait3A_222 = arith.constant 0 : i32
    %dma_wait3A_223 = arith.constant 0 : i32
    %dma_wait3A_224 = tpu.memref_slice %arg19[%dma_wait3A_223] : memref<2x!tpu.dma_semaphore, #tpu.memory_space<semaphore_mem>> -> memref<1x!tpu.dma_semaphore, #tpu.memory_space<semaphore_mem>>
    %dma_wait3A_225 = tpu.memref_squeeze %dma_wait3A_224 : memref<1x!tpu.dma_semaphore, #tpu.memory_space<semaphore_mem>> -> memref<!tpu.dma_semaphore, #tpu.memory_space<semaphore_mem>>
    %dma_wait3A_226 = arith.constant 0 : i32
    %dma_wait3A_227 = tpu.memref_slice %arg5[%dma_wait3A_222, %add3A_176, %dma_wait3A_226] : memref<4x8192x128xf32, #tpu.memory_space<hbm>> -> memref<1x64x128xf32, #tpu.memory_space<hbm>>
    %dma_wait3A_228 = tpu.memref_squeeze %dma_wait3A_227 : memref<1x64x128xf32, #tpu.memory_space<hbm>> -> memref<64x128xf32, #tpu.memory_space<hbm>>
    %dma_wait3A_229 = arith.constant 0 : i32
    %dma_wait3A_230 = tpu.memref_slice %arg14[%add3A_174, %dma_wait3A_229] : memref<2048x128xf32, #tpu.memory_space<vmem_shared>> -> memref<64x128xf32, #tpu.memory_space<vmem_shared>>
    tpu.wait_dma2 semaphore(%dma_wait3A_225 : memref<!tpu.dma_semaphore, #tpu.memory_space<semaphore_mem>>) src(%dma_wait3A_230 : memref<64x128xf32, #tpu.memory_space<vmem_shared>>) dst(%dma_wait3A_228 : memref<64x128xf32, #tpu.memory_space<hbm>>)
    %add3A_231 = arith.constant 0 : i32
    %add3A_232 = arith.addi %mul3A_8, %add3A_231 : i32
    %dma_start3A_233 = arith.constant 0 : i32
    %dma_start3A_234 = arith.constant 0 : i32
    %dma_start3A_235 = tpu.memref_slice %arg14[%add3A_232, %dma_start3A_234] : memref<2048x128xf32, #tpu.memory_space<vmem_shared>> -> memref<64x128xf32, #tpu.memory_space<vmem_shared>>
    %dma_start3A_236 = tpu.memref_slice %arg18[%dma_start3A_233] : memref<2x!tpu.dma_semaphore, #tpu.memory_space<semaphore_mem>> -> memref<1x!tpu.dma_semaphore, #tpu.memory_space<semaphore_mem>>
    %dma_start3A_237 = tpu.memref_squeeze %dma_start3A_236 : memref<1x!tpu.dma_semaphore, #tpu.memory_space<semaphore_mem>> -> memref<!tpu.dma_semaphore, #tpu.memory_space<semaphore_mem>>
    %dma_start3A_238 = arith.constant 0 : i32
    %dma_start3A_239 = tpu.memref_slice %arg14[%add3A_232, %dma_start3A_238] : memref<2048x128xf32, #tpu.memory_space<vmem_shared>> -> memref<64x128xf32, #tpu.memory_space<vmem_shared>>
    tpu.enqueue_dma source(%arg9 : memref<64x128xf32, #tpu.memory_space<vmem>>) target(%dma_start3A_239 : memref<64x128xf32, #tpu.memory_space<vmem_shared>>) target_semaphore(%dma_start3A_237 : memref<!tpu.dma_semaphore, #tpu.memory_space<semaphore_mem>>)
    %dma_wait3A_240 = arith.constant 1 : i32
    %dma_wait3A_241 = arith.constant 0 : i32
    %dma_wait3A_242 = tpu.memref_slice %arg14[%add3A_158, %dma_wait3A_241] : memref<2048x128xf32, #tpu.memory_space<vmem_shared>> -> memref<64x128xf32, #tpu.memory_space<vmem_shared>>
    %dma_wait3A_243 = tpu.memref_slice %arg18[%dma_wait3A_240] : memref<2x!tpu.dma_semaphore, #tpu.memory_space<semaphore_mem>> -> memref<1x!tpu.dma_semaphore, #tpu.memory_space<semaphore_mem>>
    %dma_wait3A_244 = tpu.memref_squeeze %dma_wait3A_243 : memref<1x!tpu.dma_semaphore, #tpu.memory_space<semaphore_mem>> -> memref<!tpu.dma_semaphore, #tpu.memory_space<semaphore_mem>>
    %dma_wait3A_245 = arith.constant 0 : i32
    %dma_wait3A_246 = tpu.memref_slice %arg14[%add3A_158, %dma_wait3A_245] : memref<2048x128xf32, #tpu.memory_space<vmem_shared>> -> memref<64x128xf32, #tpu.memory_space<vmem_shared>>
    tpu.wait_dma2 semaphore(%dma_wait3A_244 : memref<!tpu.dma_semaphore, #tpu.memory_space<semaphore_mem>>) src(%arg8 : memref<64x128xf32, #tpu.memory_space<vmem>>) dst(%dma_wait3A_246 : memref<64x128xf32, #tpu.memory_space<vmem_shared>>)
    %add3A_247 = arith.constant 64 : i32
    %add3A_248 = arith.addi %mul3A_8, %add3A_247 : i32
    %add3A_249 = arith.constant 64 : i32
    %add3A_250 = arith.addi %mul3A_2, %add3A_249 : i32
    %dma_start3A_251 = arith.constant 0 : i32
    %dma_start3A_252 = arith.constant 1 : i32
    %dma_start3A_253 = tpu.memref_slice %arg19[%dma_start3A_252] : memref<2x!tpu.dma_semaphore, #tpu.memory_space<semaphore_mem>> -> memref<1x!tpu.dma_semaphore, #tpu.memory_space<semaphore_mem>>
    %dma_start3A_254 = tpu.memref_squeeze %dma_start3A_253 : memref<1x!tpu.dma_semaphore, #tpu.memory_space<semaphore_mem>> -> memref<!tpu.dma_semaphore, #tpu.memory_space<semaphore_mem>>
    %dma_start3A_255 = arith.constant 0 : i32
    %dma_start3A_256 = tpu.memref_slice %arg5[%dma_start3A_251, %add3A_250, %dma_start3A_255] : memref<4x8192x128xf32, #tpu.memory_space<hbm>> -> memref<1x64x128xf32, #tpu.memory_space<hbm>>
    %dma_start3A_257 = tpu.memref_squeeze %dma_start3A_256 : memref<1x64x128xf32, #tpu.memory_space<hbm>> -> memref<64x128xf32, #tpu.memory_space<hbm>>
    %dma_start3A_258 = arith.constant 0 : i32
    %dma_start3A_259 = tpu.memref_slice %arg14[%add3A_248, %dma_start3A_258] : memref<2048x128xf32, #tpu.memory_space<vmem_shared>> -> memref<64x128xf32, #tpu.memory_space<vmem_shared>>
    tpu.enqueue_dma source(%dma_start3A_259 : memref<64x128xf32, #tpu.memory_space<vmem_shared>>) target(%dma_start3A_257 : memref<64x128xf32, #tpu.memory_space<hbm>>) target_semaphore(%dma_start3A_254 : memref<!tpu.dma_semaphore, #tpu.memory_space<semaphore_mem>>)
    %add3A_260 = arith.constant 192 : i32
    %add3A_261 = arith.addi %mul3A_4, %add3A_260 : i32
    %dma_start3A_262 = arith.constant 1 : i32
    %dma_start3A_263 = arith.constant 0 : i32
    %dma_start3A_264 = tpu.memref_slice %arg13[%add3A_261, %dma_start3A_263] : memref<4096x128xf32, #tpu.memory_space<vmem_shared>> -> memref<64x128xf32, #tpu.memory_space<vmem_shared>>
    %dma_start3A_265 = tpu.memref_slice %arg16[%dma_start3A_262] : memref<6x!tpu.dma_semaphore, #tpu.memory_space<semaphore_mem>> -> memref<1x!tpu.dma_semaphore, #tpu.memory_space<semaphore_mem>>
    %dma_start3A_266 = tpu.memref_squeeze %dma_start3A_265 : memref<1x!tpu.dma_semaphore, #tpu.memory_space<semaphore_mem>> -> memref<!tpu.dma_semaphore, #tpu.memory_space<semaphore_mem>>
    %dma_start3A_267 = arith.constant 0 : i32
    %dma_start3A_268 = tpu.memref_slice %arg13[%add3A_261, %dma_start3A_267] : memref<4096x128xf32, #tpu.memory_space<vmem_shared>> -> memref<64x128xf32, #tpu.memory_space<vmem_shared>>
    tpu.enqueue_dma source(%dma_start3A_268 : memref<64x128xf32, #tpu.memory_space<vmem_shared>>) target(%arg8 : memref<64x128xf32, #tpu.memory_space<vmem>>) target_semaphore(%dma_start3A_266 : memref<!tpu.dma_semaphore, #tpu.memory_space<semaphore_mem>>)
    %dma_wait3A_269 = arith.constant 4 : i32
    %dma_wait3A_270 = arith.constant 0 : i32
    %dma_wait3A_271 = tpu.memref_slice %arg13[%add3A_56, %dma_wait3A_270] : memref<4096x128xf32, #tpu.memory_space<vmem_shared>> -> memref<64x128xf32, #tpu.memory_space<vmem_shared>>
    %dma_wait3A_272 = tpu.memref_slice %arg16[%dma_wait3A_269] : memref<6x!tpu.dma_semaphore, #tpu.memory_space<semaphore_mem>> -> memref<1x!tpu.dma_semaphore, #tpu.memory_space<semaphore_mem>>
    %dma_wait3A_273 = tpu.memref_squeeze %dma_wait3A_272 : memref<1x!tpu.dma_semaphore, #tpu.memory_space<semaphore_mem>> -> memref<!tpu.dma_semaphore, #tpu.memory_space<semaphore_mem>>
    %dma_wait3A_274 = arith.constant 0 : i32
    %dma_wait3A_275 = tpu.memref_slice %arg13[%add3A_56, %dma_wait3A_274] : memref<4096x128xf32, #tpu.memory_space<vmem_shared>> -> memref<64x128xf32, #tpu.memory_space<vmem_shared>>
    tpu.wait_dma2 semaphore(%dma_wait3A_273 : memref<!tpu.dma_semaphore, #tpu.memory_space<semaphore_mem>>) src(%dma_wait3A_275 : memref<64x128xf32, #tpu.memory_space<vmem_shared>>) dst(%arg11 : memref<64x128xf32, #tpu.memory_space<vmem>>)
    %dma_start3A_276 = arith.constant 1 : i32
    %dma_start3A_277 = arith.constant 4 : i32
    %dma_start3A_278 = arith.constant 0 : i32
    %dma_start3A_279 = tpu.memref_slice %arg6[%dma_start3A_276, %dma_start3A_278] : memref<4x256xi32, #tpu.memory_space<vmem>> -> memref<1x64xi32, #tpu.memory_space<vmem>>
    %dma_start3A_280 = tpu.memref_squeeze %dma_start3A_279 : memref<1x64xi32, #tpu.memory_space<vmem>> -> memref<64xi32, #tpu.memory_space<vmem>>
    %dma_start3A_281 = arith.constant 0 : i32
    %dma_start3A_282 = arith.constant 0 : i32
    %dma_start3A_283 = tpu.memref_slice %arg3[%dma_start3A_281, %dma_start3A_282] : memref<100000x128xf32, #tpu.memory_space<hbm>> -> memref<100000x128xf32, #tpu.memory_space<hbm>>
    %dma_start3A_284 = tpu.memref_slice %arg17[%dma_start3A_277] : memref<6x!tpu.dma_semaphore, #tpu.memory_space<semaphore_mem>> -> memref<1x!tpu.dma_semaphore, #tpu.memory_space<semaphore_mem>>
    %dma_start3A_285 = tpu.memref_squeeze %dma_start3A_284 : memref<1x!tpu.dma_semaphore, #tpu.memory_space<semaphore_mem>> -> memref<!tpu.dma_semaphore, #tpu.memory_space<semaphore_mem>>
    tpu.enqueue_indirect_dma source(%dma_start3A_283 : memref<100000x128xf32, #tpu.memory_space<hbm>>) target(%arg11 : memref<64x128xf32, #tpu.memory_space<vmem>>) offsets(%dma_start3A_280 : memref<64xi32, #tpu.memory_space<vmem>>) semaphore(%dma_start3A_285 : memref<!tpu.dma_semaphore, #tpu.memory_space<semaphore_mem>>) {add = true}
    %dma_wait3A_286 = arith.constant 0 : i32
    %dma_wait3A_287 = arith.constant 3 : i32
    %dma_wait3A_288 = arith.constant 192 : i32
    %dma_wait3A_289 = tpu.memref_slice %arg6[%dma_wait3A_286, %dma_wait3A_288] : memref<4x256xi32, #tpu.memory_space<vmem>> -> memref<1x64xi32, #tpu.memory_space<vmem>>
    %dma_wait3A_290 = tpu.memref_squeeze %dma_wait3A_289 : memref<1x64xi32, #tpu.memory_space<vmem>> -> memref<64xi32, #tpu.memory_space<vmem>>
    %dma_wait3A_291 = arith.constant 0 : i32
    %dma_wait3A_292 = arith.constant 0 : i32
    %dma_wait3A_293 = tpu.memref_slice %arg3[%dma_wait3A_291, %dma_wait3A_292] : memref<100000x128xf32, #tpu.memory_space<hbm>> -> memref<100000x128xf32, #tpu.memory_space<hbm>>
    %dma_wait3A_294 = tpu.memref_slice %arg17[%dma_wait3A_287] : memref<6x!tpu.dma_semaphore, #tpu.memory_space<semaphore_mem>> -> memref<1x!tpu.dma_semaphore, #tpu.memory_space<semaphore_mem>>
    %dma_wait3A_295 = tpu.memref_squeeze %dma_wait3A_294 : memref<1x!tpu.dma_semaphore, #tpu.memory_space<semaphore_mem>> -> memref<!tpu.dma_semaphore, #tpu.memory_space<semaphore_mem>>
    tpu.wait_indirect_dma semaphore(%dma_wait3A_295 : memref<!tpu.dma_semaphore, #tpu.memory_space<semaphore_mem>>) src(%dma_wait3A_293 : memref<100000x128xf32, #tpu.memory_space<hbm>>) dst(%arg10 : memref<64x128xf32, #tpu.memory_space<vmem>>)
    %dma_wait3A_296 = arith.constant 0 : i32
    %dma_wait3A_297 = arith.constant 1 : i32
    %dma_wait3A_298 = tpu.memref_slice %arg19[%dma_wait3A_297] : memref<2x!tpu.dma_semaphore, #tpu.memory_space<semaphore_mem>> -> memref<1x!tpu.dma_semaphore, #tpu.memory_space<semaphore_mem>>
    %dma_wait3A_299 = tpu.memref_squeeze %dma_wait3A_298 : memref<1x!tpu.dma_semaphore, #tpu.memory_space<semaphore_mem>> -> memref<!tpu.dma_semaphore, #tpu.memory_space<semaphore_mem>>
    %dma_wait3A_300 = arith.constant 0 : i32
    %dma_wait3A_301 = tpu.memref_slice %arg5[%dma_wait3A_296, %add3A_250, %dma_wait3A_300] : memref<4x8192x128xf32, #tpu.memory_space<hbm>> -> memref<1x64x128xf32, #tpu.memory_space<hbm>>
    %dma_wait3A_302 = tpu.memref_squeeze %dma_wait3A_301 : memref<1x64x128xf32, #tpu.memory_space<hbm>> -> memref<64x128xf32, #tpu.memory_space<hbm>>
    %dma_wait3A_303 = arith.constant 0 : i32
    %dma_wait3A_304 = tpu.memref_slice %arg14[%add3A_248, %dma_wait3A_303] : memref<2048x128xf32, #tpu.memory_space<vmem_shared>> -> memref<64x128xf32, #tpu.memory_space<vmem_shared>>
    tpu.wait_dma2 semaphore(%dma_wait3A_299 : memref<!tpu.dma_semaphore, #tpu.memory_space<semaphore_mem>>) src(%dma_wait3A_304 : memref<64x128xf32, #tpu.memory_space<vmem_shared>>) dst(%dma_wait3A_302 : memref<64x128xf32, #tpu.memory_space<hbm>>)
    %add3A_305 = arith.constant 64 : i32
    %add3A_306 = arith.addi %mul3A_8, %add3A_305 : i32
    %dma_start3A_307 = arith.constant 1 : i32
    %dma_start3A_308 = arith.constant 0 : i32
    %dma_start3A_309 = tpu.memref_slice %arg14[%add3A_306, %dma_start3A_308] : memref<2048x128xf32, #tpu.memory_space<vmem_shared>> -> memref<64x128xf32, #tpu.memory_space<vmem_shared>>
    %dma_start3A_310 = tpu.memref_slice %arg18[%dma_start3A_307] : memref<2x!tpu.dma_semaphore, #tpu.memory_space<semaphore_mem>> -> memref<1x!tpu.dma_semaphore, #tpu.memory_space<semaphore_mem>>
    %dma_start3A_311 = tpu.memref_squeeze %dma_start3A_310 : memref<1x!tpu.dma_semaphore, #tpu.memory_space<semaphore_mem>> -> memref<!tpu.dma_semaphore, #tpu.memory_space<semaphore_mem>>
    %dma_start3A_312 = arith.constant 0 : i32
    %dma_start3A_313 = tpu.memref_slice %arg14[%add3A_306, %dma_start3A_312] : memref<2048x128xf32, #tpu.memory_space<vmem_shared>> -> memref<64x128xf32, #tpu.memory_space<vmem_shared>>
    tpu.enqueue_dma source(%arg10 : memref<64x128xf32, #tpu.memory_space<vmem>>) target(%dma_start3A_313 : memref<64x128xf32, #tpu.memory_space<vmem_shared>>) target_semaphore(%dma_start3A_311 : memref<!tpu.dma_semaphore, #tpu.memory_space<semaphore_mem>>)
    %dma_wait3A_314 = arith.constant 0 : i32
    %dma_wait3A_315 = arith.constant 0 : i32
    %dma_wait3A_316 = tpu.memref_slice %arg14[%add3A_232, %dma_wait3A_315] : memref<2048x128xf32, #tpu.memory_space<vmem_shared>> -> memref<64x128xf32, #tpu.memory_space<vmem_shared>>
    %dma_wait3A_317 = tpu.memref_slice %arg18[%dma_wait3A_314] : memref<2x!tpu.dma_semaphore, #tpu.memory_space<semaphore_mem>> -> memref<1x!tpu.dma_semaphore, #tpu.memory_space<semaphore_mem>>
    %dma_wait3A_318 = tpu.memref_squeeze %dma_wait3A_317 : memref<1x!tpu.dma_semaphore, #tpu.memory_space<semaphore_mem>> -> memref<!tpu.dma_semaphore, #tpu.memory_space<semaphore_mem>>
    %dma_wait3A_319 = arith.constant 0 : i32
    %dma_wait3A_320 = tpu.memref_slice %arg14[%add3A_232, %dma_wait3A_319] : memref<2048x128xf32, #tpu.memory_space<vmem_shared>> -> memref<64x128xf32, #tpu.memory_space<vmem_shared>>
    tpu.wait_dma2 semaphore(%dma_wait3A_318 : memref<!tpu.dma_semaphore, #tpu.memory_space<semaphore_mem>>) src(%arg9 : memref<64x128xf32, #tpu.memory_space<vmem>>) dst(%dma_wait3A_320 : memref<64x128xf32, #tpu.memory_space<vmem_shared>>)
    %add3A_321 = arith.constant 0 : i32
    %add3A_322 = arith.addi %mul3A_8, %add3A_321 : i32
    %add3A_323 = arith.constant 128 : i32
    %add3A_324 = arith.addi %mul3A_2, %add3A_323 : i32
    %dma_start3A_325 = arith.constant 0 : i32
    %dma_start3A_326 = arith.constant 0 : i32
    %dma_start3A_327 = tpu.memref_slice %arg19[%dma_start3A_326] : memref<2x!tpu.dma_semaphore, #tpu.memory_space<semaphore_mem>> -> memref<1x!tpu.dma_semaphore, #tpu.memory_space<semaphore_mem>>
    %dma_start3A_328 = tpu.memref_squeeze %dma_start3A_327 : memref<1x!tpu.dma_semaphore, #tpu.memory_space<semaphore_mem>> -> memref<!tpu.dma_semaphore, #tpu.memory_space<semaphore_mem>>
    %dma_start3A_329 = arith.constant 0 : i32
    %dma_start3A_330 = tpu.memref_slice %arg5[%dma_start3A_325, %add3A_324, %dma_start3A_329] : memref<4x8192x128xf32, #tpu.memory_space<hbm>> -> memref<1x64x128xf32, #tpu.memory_space<hbm>>
    %dma_start3A_331 = tpu.memref_squeeze %dma_start3A_330 : memref<1x64x128xf32, #tpu.memory_space<hbm>> -> memref<64x128xf32, #tpu.memory_space<hbm>>
    %dma_start3A_332 = arith.constant 0 : i32
    %dma_start3A_333 = tpu.memref_slice %arg14[%add3A_322, %dma_start3A_332] : memref<2048x128xf32, #tpu.memory_space<vmem_shared>> -> memref<64x128xf32, #tpu.memory_space<vmem_shared>>
    tpu.enqueue_dma source(%dma_start3A_333 : memref<64x128xf32, #tpu.memory_space<vmem_shared>>) target(%dma_start3A_331 : memref<64x128xf32, #tpu.memory_space<hbm>>) target_semaphore(%dma_start3A_328 : memref<!tpu.dma_semaphore, #tpu.memory_space<semaphore_mem>>)
    %add3A_334 = arith.constant 0 : i32
    %add3A_335 = arith.addi %mul3A_4, %add3A_334 : i32
    %dma_start3A_336 = arith.constant 2 : i32
    %dma_start3A_337 = arith.constant 0 : i32
    %dma_start3A_338 = tpu.memref_slice %arg13[%add3A_335, %dma_start3A_337] : memref<4096x128xf32, #tpu.memory_space<vmem_shared>> -> memref<64x128xf32, #tpu.memory_space<vmem_shared>>
    %dma_start3A_339 = tpu.memref_slice %arg16[%dma_start3A_336] : memref<6x!tpu.dma_semaphore, #tpu.memory_space<semaphore_mem>> -> memref<1x!tpu.dma_semaphore, #tpu.memory_space<semaphore_mem>>
    %dma_start3A_340 = tpu.memref_squeeze %dma_start3A_339 : memref<1x!tpu.dma_semaphore, #tpu.memory_space<semaphore_mem>> -> memref<!tpu.dma_semaphore, #tpu.memory_space<semaphore_mem>>
    %dma_start3A_341 = arith.constant 0 : i32
    %dma_start3A_342 = tpu.memref_slice %arg13[%add3A_335, %dma_start3A_341] : memref<4096x128xf32, #tpu.memory_space<vmem_shared>> -> memref<64x128xf32, #tpu.memory_space<vmem_shared>>
    tpu.enqueue_dma source(%dma_start3A_342 : memref<64x128xf32, #tpu.memory_space<vmem_shared>>) target(%arg9 : memref<64x128xf32, #tpu.memory_space<vmem>>) target_semaphore(%dma_start3A_340 : memref<!tpu.dma_semaphore, #tpu.memory_space<semaphore_mem>>)
    %dma_wait3A_343 = arith.constant 5 : i32
    %dma_wait3A_344 = arith.constant 0 : i32
    %dma_wait3A_345 = tpu.memref_slice %arg13[%add3A_65, %dma_wait3A_344] : memref<4096x128xf32, #tpu.memory_space<vmem_shared>> -> memref<64x128xf32, #tpu.memory_space<vmem_shared>>
    %dma_wait3A_346 = tpu.memref_slice %arg16[%dma_wait3A_343] : memref<6x!tpu.dma_semaphore, #tpu.memory_space<semaphore_mem>> -> memref<1x!tpu.dma_semaphore, #tpu.memory_space<semaphore_mem>>
    %dma_wait3A_347 = tpu.memref_squeeze %dma_wait3A_346 : memref<1x!tpu.dma_semaphore, #tpu.memory_space<semaphore_mem>> -> memref<!tpu.dma_semaphore, #tpu.memory_space<semaphore_mem>>
    %dma_wait3A_348 = arith.constant 0 : i32
    %dma_wait3A_349 = tpu.memref_slice %arg13[%add3A_65, %dma_wait3A_348] : memref<4096x128xf32, #tpu.memory_space<vmem_shared>> -> memref<64x128xf32, #tpu.memory_space<vmem_shared>>
    tpu.wait_dma2 semaphore(%dma_wait3A_347 : memref<!tpu.dma_semaphore, #tpu.memory_space<semaphore_mem>>) src(%dma_wait3A_349 : memref<64x128xf32, #tpu.memory_space<vmem_shared>>) dst(%arg12 : memref<64x128xf32, #tpu.memory_space<vmem>>)
    %dma_start3A_350 = arith.constant 1 : i32
    %dma_start3A_351 = arith.constant 5 : i32
    %dma_start3A_352 = arith.constant 64 : i32
    %dma_start3A_353 = tpu.memref_slice %arg6[%dma_start3A_350, %dma_start3A_352] : memref<4x256xi32, #tpu.memory_space<vmem>> -> memref<1x64xi32, #tpu.memory_space<vmem>>
    %dma_start3A_354 = tpu.memref_squeeze %dma_start3A_353 : memref<1x64xi32, #tpu.memory_space<vmem>> -> memref<64xi32, #tpu.memory_space<vmem>>
    %dma_start3A_355 = arith.constant 0 : i32
    %dma_start3A_356 = arith.constant 0 : i32
    %dma_start3A_357 = tpu.memref_slice %arg3[%dma_start3A_355, %dma_start3A_356] : memref<100000x128xf32, #tpu.memory_space<hbm>> -> memref<100000x128xf32, #tpu.memory_space<hbm>>
    %dma_start3A_358 = tpu.memref_slice %arg17[%dma_start3A_351] : memref<6x!tpu.dma_semaphore, #tpu.memory_space<semaphore_mem>> -> memref<1x!tpu.dma_semaphore, #tpu.memory_space<semaphore_mem>>
    %dma_start3A_359 = tpu.memref_squeeze %dma_start3A_358 : memref<1x!tpu.dma_semaphore, #tpu.memory_space<semaphore_mem>> -> memref<!tpu.dma_semaphore, #tpu.memory_space<semaphore_mem>>
    tpu.enqueue_indirect_dma source(%dma_start3A_357 : memref<100000x128xf32, #tpu.memory_space<hbm>>) target(%arg12 : memref<64x128xf32, #tpu.memory_space<vmem>>) offsets(%dma_start3A_354 : memref<64xi32, #tpu.memory_space<vmem>>) semaphore(%dma_start3A_359 : memref<!tpu.dma_semaphore, #tpu.memory_space<semaphore_mem>>) {add = true}
    %dma_wait3A_360 = arith.constant 1 : i32
    %dma_wait3A_361 = arith.constant 4 : i32
    %dma_wait3A_362 = arith.constant 0 : i32
    %dma_wait3A_363 = tpu.memref_slice %arg6[%dma_wait3A_360, %dma_wait3A_362] : memref<4x256xi32, #tpu.memory_space<vmem>> -> memref<1x64xi32, #tpu.memory_space<vmem>>
    %dma_wait3A_364 = tpu.memref_squeeze %dma_wait3A_363 : memref<1x64xi32, #tpu.memory_space<vmem>> -> memref<64xi32, #tpu.memory_space<vmem>>
    %dma_wait3A_365 = arith.constant 0 : i32
    %dma_wait3A_366 = arith.constant 0 : i32
    %dma_wait3A_367 = tpu.memref_slice %arg3[%dma_wait3A_365, %dma_wait3A_366] : memref<100000x128xf32, #tpu.memory_space<hbm>> -> memref<100000x128xf32, #tpu.memory_space<hbm>>
    %dma_wait3A_368 = tpu.memref_slice %arg17[%dma_wait3A_361] : memref<6x!tpu.dma_semaphore, #tpu.memory_space<semaphore_mem>> -> memref<1x!tpu.dma_semaphore, #tpu.memory_space<semaphore_mem>>
    %dma_wait3A_369 = tpu.memref_squeeze %dma_wait3A_368 : memref<1x!tpu.dma_semaphore, #tpu.memory_space<semaphore_mem>> -> memref<!tpu.dma_semaphore, #tpu.memory_space<semaphore_mem>>
    tpu.wait_indirect_dma semaphore(%dma_wait3A_369 : memref<!tpu.dma_semaphore, #tpu.memory_space<semaphore_mem>>) src(%dma_wait3A_367 : memref<100000x128xf32, #tpu.memory_space<hbm>>) dst(%arg11 : memref<64x128xf32, #tpu.memory_space<vmem>>)
    %dma_wait3A_370 = arith.constant 0 : i32
    %dma_wait3A_371 = arith.constant 0 : i32
    %dma_wait3A_372 = tpu.memref_slice %arg19[%dma_wait3A_371] : memref<2x!tpu.dma_semaphore, #tpu.memory_space<semaphore_mem>> -> memref<1x!tpu.dma_semaphore, #tpu.memory_space<semaphore_mem>>
    %dma_wait3A_373 = tpu.memref_squeeze %dma_wait3A_372 : memref<1x!tpu.dma_semaphore, #tpu.memory_space<semaphore_mem>> -> memref<!tpu.dma_semaphore, #tpu.memory_space<semaphore_mem>>
    %dma_wait3A_374 = arith.constant 0 : i32
    %dma_wait3A_375 = tpu.memref_slice %arg5[%dma_wait3A_370, %add3A_324, %dma_wait3A_374] : memref<4x8192x128xf32, #tpu.memory_space<hbm>> -> memref<1x64x128xf32, #tpu.memory_space<hbm>>
    %dma_wait3A_376 = tpu.memref_squeeze %dma_wait3A_375 : memref<1x64x128xf32, #tpu.memory_space<hbm>> -> memref<64x128xf32, #tpu.memory_space<hbm>>
    %dma_wait3A_377 = arith.constant 0 : i32
    %dma_wait3A_378 = tpu.memref_slice %arg14[%add3A_322, %dma_wait3A_377] : memref<2048x128xf32, #tpu.memory_space<vmem_shared>> -> memref<64x128xf32, #tpu.memory_space<vmem_shared>>
    tpu.wait_dma2 semaphore(%dma_wait3A_373 : memref<!tpu.dma_semaphore, #tpu.memory_space<semaphore_mem>>) src(%dma_wait3A_378 : memref<64x128xf32, #tpu.memory_space<vmem_shared>>) dst(%dma_wait3A_376 : memref<64x128xf32, #tpu.memory_space<hbm>>)
    %add3A_379 = arith.constant 0 : i32
    %add3A_380 = arith.addi %mul3A_8, %add3A_379 : i32
    %dma_start3A_381 = arith.constant 0 : i32
    %dma_start3A_382 = arith.constant 0 : i32
    %dma_start3A_383 = tpu.memref_slice %arg14[%add3A_380, %dma_start3A_382] : memref<2048x128xf32, #tpu.memory_space<vmem_shared>> -> memref<64x128xf32, #tpu.memory_space<vmem_shared>>
    %dma_start3A_384 = tpu.memref_slice %arg18[%dma_start3A_381] : memref<2x!tpu.dma_semaphore, #tpu.memory_space<semaphore_mem>> -> memref<1x!tpu.dma_semaphore, #tpu.memory_space<semaphore_mem>>
    %dma_start3A_385 = tpu.memref_squeeze %dma_start3A_384 : memref<1x!tpu.dma_semaphore, #tpu.memory_space<semaphore_mem>> -> memref<!tpu.dma_semaphore, #tpu.memory_space<semaphore_mem>>
    %dma_start3A_386 = arith.constant 0 : i32
    %dma_start3A_387 = tpu.memref_slice %arg14[%add3A_380, %dma_start3A_386] : memref<2048x128xf32, #tpu.memory_space<vmem_shared>> -> memref<64x128xf32, #tpu.memory_space<vmem_shared>>
    tpu.enqueue_dma source(%arg11 : memref<64x128xf32, #tpu.memory_space<vmem>>) target(%dma_start3A_387 : memref<64x128xf32, #tpu.memory_space<vmem_shared>>) target_semaphore(%dma_start3A_385 : memref<!tpu.dma_semaphore, #tpu.memory_space<semaphore_mem>>)
    %dma_wait3A_388 = arith.constant 1 : i32
    %dma_wait3A_389 = arith.constant 0 : i32
    %dma_wait3A_390 = tpu.memref_slice %arg14[%add3A_306, %dma_wait3A_389] : memref<2048x128xf32, #tpu.memory_space<vmem_shared>> -> memref<64x128xf32, #tpu.memory_space<vmem_shared>>
    %dma_wait3A_391 = tpu.memref_slice %arg18[%dma_wait3A_388] : memref<2x!tpu.dma_semaphore, #tpu.memory_space<semaphore_mem>> -> memref<1x!tpu.dma_semaphore, #tpu.memory_space<semaphore_mem>>
    %dma_wait3A_392 = tpu.memref_squeeze %dma_wait3A_391 : memref<1x!tpu.dma_semaphore, #tpu.memory_space<semaphore_mem>> -> memref<!tpu.dma_semaphore, #tpu.memory_space<semaphore_mem>>
    %dma_wait3A_393 = arith.constant 0 : i32
    %dma_wait3A_394 = tpu.memref_slice %arg14[%add3A_306, %dma_wait3A_393] : memref<2048x128xf32, #tpu.memory_space<vmem_shared>> -> memref<64x128xf32, #tpu.memory_space<vmem_shared>>
    tpu.wait_dma2 semaphore(%dma_wait3A_392 : memref<!tpu.dma_semaphore, #tpu.memory_space<semaphore_mem>>) src(%arg10 : memref<64x128xf32, #tpu.memory_space<vmem>>) dst(%dma_wait3A_394 : memref<64x128xf32, #tpu.memory_space<vmem_shared>>)
    %add3A_395 = arith.constant 64 : i32
    %add3A_396 = arith.addi %mul3A_8, %add3A_395 : i32
    %add3A_397 = arith.constant 192 : i32
    %add3A_398 = arith.addi %mul3A_2, %add3A_397 : i32
    %dma_start3A_399 = arith.constant 0 : i32
    %dma_start3A_400 = arith.constant 1 : i32
    %dma_start3A_401 = tpu.memref_slice %arg19[%dma_start3A_400] : memref<2x!tpu.dma_semaphore, #tpu.memory_space<semaphore_mem>> -> memref<1x!tpu.dma_semaphore, #tpu.memory_space<semaphore_mem>>
    %dma_start3A_402 = tpu.memref_squeeze %dma_start3A_401 : memref<1x!tpu.dma_semaphore, #tpu.memory_space<semaphore_mem>> -> memref<!tpu.dma_semaphore, #tpu.memory_space<semaphore_mem>>
    %dma_start3A_403 = arith.constant 0 : i32
    %dma_start3A_404 = tpu.memref_slice %arg5[%dma_start3A_399, %add3A_398, %dma_start3A_403] : memref<4x8192x128xf32, #tpu.memory_space<hbm>> -> memref<1x64x128xf32, #tpu.memory_space<hbm>>
    %dma_start3A_405 = tpu.memref_squeeze %dma_start3A_404 : memref<1x64x128xf32, #tpu.memory_space<hbm>> -> memref<64x128xf32, #tpu.memory_space<hbm>>
    %dma_start3A_406 = arith.constant 0 : i32
    %dma_start3A_407 = tpu.memref_slice %arg14[%add3A_396, %dma_start3A_406] : memref<2048x128xf32, #tpu.memory_space<vmem_shared>> -> memref<64x128xf32, #tpu.memory_space<vmem_shared>>
    tpu.enqueue_dma source(%dma_start3A_407 : memref<64x128xf32, #tpu.memory_space<vmem_shared>>) target(%dma_start3A_405 : memref<64x128xf32, #tpu.memory_space<hbm>>) target_semaphore(%dma_start3A_402 : memref<!tpu.dma_semaphore, #tpu.memory_space<semaphore_mem>>)
    %add3A_408 = arith.constant 64 : i32
    %add3A_409 = arith.addi %mul3A_4, %add3A_408 : i32
    %dma_start3A_410 = arith.constant 3 : i32
    %dma_start3A_411 = arith.constant 0 : i32
    %dma_start3A_412 = tpu.memref_slice %arg13[%add3A_409, %dma_start3A_411] : memref<4096x128xf32, #tpu.memory_space<vmem_shared>> -> memref<64x128xf32, #tpu.memory_space<vmem_shared>>
    %dma_start3A_413 = tpu.memref_slice %arg16[%dma_start3A_410] : memref<6x!tpu.dma_semaphore, #tpu.memory_space<semaphore_mem>> -> memref<1x!tpu.dma_semaphore, #tpu.memory_space<semaphore_mem>>
    %dma_start3A_414 = tpu.memref_squeeze %dma_start3A_413 : memref<1x!tpu.dma_semaphore, #tpu.memory_space<semaphore_mem>> -> memref<!tpu.dma_semaphore, #tpu.memory_space<semaphore_mem>>
    %dma_start3A_415 = arith.constant 0 : i32
    %dma_start3A_416 = tpu.memref_slice %arg13[%add3A_409, %dma_start3A_415] : memref<4096x128xf32, #tpu.memory_space<vmem_shared>> -> memref<64x128xf32, #tpu.memory_space<vmem_shared>>
    tpu.enqueue_dma source(%dma_start3A_416 : memref<64x128xf32, #tpu.memory_space<vmem_shared>>) target(%arg10 : memref<64x128xf32, #tpu.memory_space<vmem>>) target_semaphore(%dma_start3A_414 : memref<!tpu.dma_semaphore, #tpu.memory_space<semaphore_mem>>)
    %dma_wait3A_417 = arith.constant 0 : i32
    %dma_wait3A_418 = arith.constant 0 : i32
    %dma_wait3A_419 = tpu.memref_slice %arg13[%add3A_187, %dma_wait3A_418] : memref<4096x128xf32, #tpu.memory_space<vmem_shared>> -> memref<64x128xf32, #tpu.memory_space<vmem_shared>>
    %dma_wait3A_420 = tpu.memref_slice %arg16[%dma_wait3A_417] : memref<6x!tpu.dma_semaphore, #tpu.memory_space<semaphore_mem>> -> memref<1x!tpu.dma_semaphore, #tpu.memory_space<semaphore_mem>>
    %dma_wait3A_421 = tpu.memref_squeeze %dma_wait3A_420 : memref<1x!tpu.dma_semaphore, #tpu.memory_space<semaphore_mem>> -> memref<!tpu.dma_semaphore, #tpu.memory_space<semaphore_mem>>
    %dma_wait3A_422 = arith.constant 0 : i32
    %dma_wait3A_423 = tpu.memref_slice %arg13[%add3A_187, %dma_wait3A_422] : memref<4096x128xf32, #tpu.memory_space<vmem_shared>> -> memref<64x128xf32, #tpu.memory_space<vmem_shared>>
    tpu.wait_dma2 semaphore(%dma_wait3A_421 : memref<!tpu.dma_semaphore, #tpu.memory_space<semaphore_mem>>) src(%dma_wait3A_423 : memref<64x128xf32, #tpu.memory_space<vmem_shared>>) dst(%arg7 : memref<64x128xf32, #tpu.memory_space<vmem>>)
    %dma_start3A_424 = arith.constant 1 : i32
    %dma_start3A_425 = arith.constant 0 : i32
    %dma_start3A_426 = arith.constant 128 : i32
    %dma_start3A_427 = tpu.memref_slice %arg6[%dma_start3A_424, %dma_start3A_426] : memref<4x256xi32, #tpu.memory_space<vmem>> -> memref<1x64xi32, #tpu.memory_space<vmem>>
    %dma_start3A_428 = tpu.memref_squeeze %dma_start3A_427 : memref<1x64xi32, #tpu.memory_space<vmem>> -> memref<64xi32, #tpu.memory_space<vmem>>
    %dma_start3A_429 = arith.constant 0 : i32
    %dma_start3A_430 = arith.constant 0 : i32
    %dma_start3A_431 = tpu.memref_slice %arg3[%dma_start3A_429, %dma_start3A_430] : memref<100000x128xf32, #tpu.memory_space<hbm>> -> memref<100000x128xf32, #tpu.memory_space<hbm>>
    %dma_start3A_432 = tpu.memref_slice %arg17[%dma_start3A_425] : memref<6x!tpu.dma_semaphore, #tpu.memory_space<semaphore_mem>> -> memref<1x!tpu.dma_semaphore, #tpu.memory_space<semaphore_mem>>
    %dma_start3A_433 = tpu.memref_squeeze %dma_start3A_432 : memref<1x!tpu.dma_semaphore, #tpu.memory_space<semaphore_mem>> -> memref<!tpu.dma_semaphore, #tpu.memory_space<semaphore_mem>>
    tpu.enqueue_indirect_dma source(%dma_start3A_431 : memref<100000x128xf32, #tpu.memory_space<hbm>>) target(%arg7 : memref<64x128xf32, #tpu.memory_space<vmem>>) offsets(%dma_start3A_428 : memref<64xi32, #tpu.memory_space<vmem>>) semaphore(%dma_start3A_433 : memref<!tpu.dma_semaphore, #tpu.memory_space<semaphore_mem>>) {add = true}
    %dma_wait3A_434 = arith.constant 1 : i32
    %dma_wait3A_435 = arith.constant 5 : i32
    %dma_wait3A_436 = arith.constant 64 : i32
    %dma_wait3A_437 = tpu.memref_slice %arg6[%dma_wait3A_434, %dma_wait3A_436] : memref<4x256xi32, #tpu.memory_space<vmem>> -> memref<1x64xi32, #tpu.memory_space<vmem>>
    %dma_wait3A_438 = tpu.memref_squeeze %dma_wait3A_437 : memref<1x64xi32, #tpu.memory_space<vmem>> -> memref<64xi32, #tpu.memory_space<vmem>>
    %dma_wait3A_439 = arith.constant 0 : i32
    %dma_wait3A_440 = arith.constant 0 : i32
    %dma_wait3A_441 = tpu.memref_slice %arg3[%dma_wait3A_439, %dma_wait3A_440] : memref<100000x128xf32, #tpu.memory_space<hbm>> -> memref<100000x128xf32, #tpu.memory_space<hbm>>
    %dma_wait3A_442 = tpu.memref_slice %arg17[%dma_wait3A_435] : memref<6x!tpu.dma_semaphore, #tpu.memory_space<semaphore_mem>> -> memref<1x!tpu.dma_semaphore, #tpu.memory_space<semaphore_mem>>
    %dma_wait3A_443 = tpu.memref_squeeze %dma_wait3A_442 : memref<1x!tpu.dma_semaphore, #tpu.memory_space<semaphore_mem>> -> memref<!tpu.dma_semaphore, #tpu.memory_space<semaphore_mem>>
    tpu.wait_indirect_dma semaphore(%dma_wait3A_443 : memref<!tpu.dma_semaphore, #tpu.memory_space<semaphore_mem>>) src(%dma_wait3A_441 : memref<100000x128xf32, #tpu.memory_space<hbm>>) dst(%arg12 : memref<64x128xf32, #tpu.memory_space<vmem>>)
    %dma_wait3A_444 = arith.constant 0 : i32
    %dma_wait3A_445 = arith.constant 1 : i32
    %dma_wait3A_446 = tpu.memref_slice %arg19[%dma_wait3A_445] : memref<2x!tpu.dma_semaphore, #tpu.memory_space<semaphore_mem>> -> memref<1x!tpu.dma_semaphore, #tpu.memory_space<semaphore_mem>>
    %dma_wait3A_447 = tpu.memref_squeeze %dma_wait3A_446 : memref<1x!tpu.dma_semaphore, #tpu.memory_space<semaphore_mem>> -> memref<!tpu.dma_semaphore, #tpu.memory_space<semaphore_mem>>
    %dma_wait3A_448 = arith.constant 0 : i32
    %dma_wait3A_449 = tpu.memref_slice %arg5[%dma_wait3A_444, %add3A_398, %dma_wait3A_448] : memref<4x8192x128xf32, #tpu.memory_space<hbm>> -> memref<1x64x128xf32, #tpu.memory_space<hbm>>
    %dma_wait3A_450 = tpu.memref_squeeze %dma_wait3A_449 : memref<1x64x128xf32, #tpu.memory_space<hbm>> -> memref<64x128xf32, #tpu.memory_space<hbm>>
    %dma_wait3A_451 = arith.constant 0 : i32
    %dma_wait3A_452 = tpu.memref_slice %arg14[%add3A_396, %dma_wait3A_451] : memref<2048x128xf32, #tpu.memory_space<vmem_shared>> -> memref<64x128xf32, #tpu.memory_space<vmem_shared>>
    tpu.wait_dma2 semaphore(%dma_wait3A_447 : memref<!tpu.dma_semaphore, #tpu.memory_space<semaphore_mem>>) src(%dma_wait3A_452 : memref<64x128xf32, #tpu.memory_space<vmem_shared>>) dst(%dma_wait3A_450 : memref<64x128xf32, #tpu.memory_space<hbm>>)
    %add3A_453 = arith.constant 64 : i32
    %add3A_454 = arith.addi %mul3A_8, %add3A_453 : i32
    %dma_start3A_455 = arith.constant 1 : i32
    %dma_start3A_456 = arith.constant 0 : i32
    %dma_start3A_457 = tpu.memref_slice %arg14[%add3A_454, %dma_start3A_456] : memref<2048x128xf32, #tpu.memory_space<vmem_shared>> -> memref<64x128xf32, #tpu.memory_space<vmem_shared>>
    %dma_start3A_458 = tpu.memref_slice %arg18[%dma_start3A_455] : memref<2x!tpu.dma_semaphore, #tpu.memory_space<semaphore_mem>> -> memref<1x!tpu.dma_semaphore, #tpu.memory_space<semaphore_mem>>
    %dma_start3A_459 = tpu.memref_squeeze %dma_start3A_458 : memref<1x!tpu.dma_semaphore, #tpu.memory_space<semaphore_mem>> -> memref<!tpu.dma_semaphore, #tpu.memory_space<semaphore_mem>>
    %dma_start3A_460 = arith.constant 0 : i32
    %dma_start3A_461 = tpu.memref_slice %arg14[%add3A_454, %dma_start3A_460] : memref<2048x128xf32, #tpu.memory_space<vmem_shared>> -> memref<64x128xf32, #tpu.memory_space<vmem_shared>>
    tpu.enqueue_dma source(%arg12 : memref<64x128xf32, #tpu.memory_space<vmem>>) target(%dma_start3A_461 : memref<64x128xf32, #tpu.memory_space<vmem_shared>>) target_semaphore(%dma_start3A_459 : memref<!tpu.dma_semaphore, #tpu.memory_space<semaphore_mem>>)
    %dma_wait3A_462 = arith.constant 0 : i32
    %dma_wait3A_463 = arith.constant 0 : i32
    %dma_wait3A_464 = tpu.memref_slice %arg14[%add3A_380, %dma_wait3A_463] : memref<2048x128xf32, #tpu.memory_space<vmem_shared>> -> memref<64x128xf32, #tpu.memory_space<vmem_shared>>
    %dma_wait3A_465 = tpu.memref_slice %arg18[%dma_wait3A_462] : memref<2x!tpu.dma_semaphore, #tpu.memory_space<semaphore_mem>> -> memref<1x!tpu.dma_semaphore, #tpu.memory_space<semaphore_mem>>
    %dma_wait3A_466 = tpu.memref_squeeze %dma_wait3A_465 : memref<1x!tpu.dma_semaphore, #tpu.memory_space<semaphore_mem>> -> memref<!tpu.dma_semaphore, #tpu.memory_space<semaphore_mem>>
    %dma_wait3A_467 = arith.constant 0 : i32
    %dma_wait3A_468 = tpu.memref_slice %arg14[%add3A_380, %dma_wait3A_467] : memref<2048x128xf32, #tpu.memory_space<vmem_shared>> -> memref<64x128xf32, #tpu.memory_space<vmem_shared>>
    tpu.wait_dma2 semaphore(%dma_wait3A_466 : memref<!tpu.dma_semaphore, #tpu.memory_space<semaphore_mem>>) src(%arg11 : memref<64x128xf32, #tpu.memory_space<vmem>>) dst(%dma_wait3A_468 : memref<64x128xf32, #tpu.memory_space<vmem_shared>>)
    %add3A_469 = arith.constant 0 : i32
    %add3A_470 = arith.addi %mul3A_8, %add3A_469 : i32
    %add3A_471 = arith.constant 0 : i32
    %add3A_472 = arith.addi %mul3A_2, %add3A_471 : i32
    %dma_start3A_473 = arith.constant 1 : i32
    %dma_start3A_474 = arith.constant 0 : i32
    %dma_start3A_475 = tpu.memref_slice %arg19[%dma_start3A_474] : memref<2x!tpu.dma_semaphore, #tpu.memory_space<semaphore_mem>> -> memref<1x!tpu.dma_semaphore, #tpu.memory_space<semaphore_mem>>
    %dma_start3A_476 = tpu.memref_squeeze %dma_start3A_475 : memref<1x!tpu.dma_semaphore, #tpu.memory_space<semaphore_mem>> -> memref<!tpu.dma_semaphore, #tpu.memory_space<semaphore_mem>>
    %dma_start3A_477 = arith.constant 0 : i32
    %dma_start3A_478 = tpu.memref_slice %arg5[%dma_start3A_473, %add3A_472, %dma_start3A_477] : memref<4x8192x128xf32, #tpu.memory_space<hbm>> -> memref<1x64x128xf32, #tpu.memory_space<hbm>>
    %dma_start3A_479 = tpu.memref_squeeze %dma_start3A_478 : memref<1x64x128xf32, #tpu.memory_space<hbm>> -> memref<64x128xf32, #tpu.memory_space<hbm>>
    %dma_start3A_480 = arith.constant 0 : i32
    %dma_start3A_481 = tpu.memref_slice %arg14[%add3A_470, %dma_start3A_480] : memref<2048x128xf32, #tpu.memory_space<vmem_shared>> -> memref<64x128xf32, #tpu.memory_space<vmem_shared>>
    tpu.enqueue_dma source(%dma_start3A_481 : memref<64x128xf32, #tpu.memory_space<vmem_shared>>) target(%dma_start3A_479 : memref<64x128xf32, #tpu.memory_space<hbm>>) target_semaphore(%dma_start3A_476 : memref<!tpu.dma_semaphore, #tpu.memory_space<semaphore_mem>>)
    %add3A_482 = arith.constant 128 : i32
    %add3A_483 = arith.addi %mul3A_4, %add3A_482 : i32
    %dma_start3A_484 = arith.constant 4 : i32
    %dma_start3A_485 = arith.constant 0 : i32
    %dma_start3A_486 = tpu.memref_slice %arg13[%add3A_483, %dma_start3A_485] : memref<4096x128xf32, #tpu.memory_space<vmem_shared>> -> memref<64x128xf32, #tpu.memory_space<vmem_shared>>
    %dma_start3A_487 = tpu.memref_slice %arg16[%dma_start3A_484] : memref<6x!tpu.dma_semaphore, #tpu.memory_space<semaphore_mem>> -> memref<1x!tpu.dma_semaphore, #tpu.memory_space<semaphore_mem>>
    %dma_start3A_488 = tpu.memref_squeeze %dma_start3A_487 : memref<1x!tpu.dma_semaphore, #tpu.memory_space<semaphore_mem>> -> memref<!tpu.dma_semaphore, #tpu.memory_space<semaphore_mem>>
    %dma_start3A_489 = arith.constant 0 : i32
    %dma_start3A_490 = tpu.memref_slice %arg13[%add3A_483, %dma_start3A_489] : memref<4096x128xf32, #tpu.memory_space<vmem_shared>> -> memref<64x128xf32, #tpu.memory_space<vmem_shared>>
    tpu.enqueue_dma source(%dma_start3A_490 : memref<64x128xf32, #tpu.memory_space<vmem_shared>>) target(%arg11 : memref<64x128xf32, #tpu.memory_space<vmem>>) target_semaphore(%dma_start3A_488 : memref<!tpu.dma_semaphore, #tpu.memory_space<semaphore_mem>>)
    %dma_wait3A_491 = arith.constant 1 : i32
    %dma_wait3A_492 = arith.constant 0 : i32
    %dma_wait3A_493 = tpu.memref_slice %arg13[%add3A_261, %dma_wait3A_492] : memref<4096x128xf32, #tpu.memory_space<vmem_shared>> -> memref<64x128xf32, #tpu.memory_space<vmem_shared>>
    %dma_wait3A_494 = tpu.memref_slice %arg16[%dma_wait3A_491] : memref<6x!tpu.dma_semaphore, #tpu.memory_space<semaphore_mem>> -> memref<1x!tpu.dma_semaphore, #tpu.memory_space<semaphore_mem>>
    %dma_wait3A_495 = tpu.memref_squeeze %dma_wait3A_494 : memref<1x!tpu.dma_semaphore, #tpu.memory_space<semaphore_mem>> -> memref<!tpu.dma_semaphore, #tpu.memory_space<semaphore_mem>>
    %dma_wait3A_496 = arith.constant 0 : i32
    %dma_wait3A_497 = tpu.memref_slice %arg13[%add3A_261, %dma_wait3A_496] : memref<4096x128xf32, #tpu.memory_space<vmem_shared>> -> memref<64x128xf32, #tpu.memory_space<vmem_shared>>
    tpu.wait_dma2 semaphore(%dma_wait3A_495 : memref<!tpu.dma_semaphore, #tpu.memory_space<semaphore_mem>>) src(%dma_wait3A_497 : memref<64x128xf32, #tpu.memory_space<vmem_shared>>) dst(%arg8 : memref<64x128xf32, #tpu.memory_space<vmem>>)
    %dma_start3A_498 = arith.constant 1 : i32
    %dma_start3A_499 = arith.constant 1 : i32
    %dma_start3A_500 = arith.constant 192 : i32
    %dma_start3A_501 = tpu.memref_slice %arg6[%dma_start3A_498, %dma_start3A_500] : memref<4x256xi32, #tpu.memory_space<vmem>> -> memref<1x64xi32, #tpu.memory_space<vmem>>
    %dma_start3A_502 = tpu.memref_squeeze %dma_start3A_501 : memref<1x64xi32, #tpu.memory_space<vmem>> -> memref<64xi32, #tpu.memory_space<vmem>>
    %dma_start3A_503 = arith.constant 0 : i32
    %dma_start3A_504 = arith.constant 0 : i32
    %dma_start3A_505 = tpu.memref_slice %arg3[%dma_start3A_503, %dma_start3A_504] : memref<100000x128xf32, #tpu.memory_space<hbm>> -> memref<100000x128xf32, #tpu.memory_space<hbm>>
    %dma_start3A_506 = tpu.memref_slice %arg17[%dma_start3A_499] : memref<6x!tpu.dma_semaphore, #tpu.memory_space<semaphore_mem>> -> memref<1x!tpu.dma_semaphore, #tpu.memory_space<semaphore_mem>>
    %dma_start3A_507 = tpu.memref_squeeze %dma_start3A_506 : memref<1x!tpu.dma_semaphore, #tpu.memory_space<semaphore_mem>> -> memref<!tpu.dma_semaphore, #tpu.memory_space<semaphore_mem>>
    tpu.enqueue_indirect_dma source(%dma_start3A_505 : memref<100000x128xf32, #tpu.memory_space<hbm>>) target(%arg8 : memref<64x128xf32, #tpu.memory_space<vmem>>) offsets(%dma_start3A_502 : memref<64xi32, #tpu.memory_space<vmem>>) semaphore(%dma_start3A_507 : memref<!tpu.dma_semaphore, #tpu.memory_space<semaphore_mem>>) {add = true}
    %dma_wait3A_508 = arith.constant 1 : i32
    %dma_wait3A_509 = arith.constant 0 : i32
    %dma_wait3A_510 = arith.constant 128 : i32
    %dma_wait3A_511 = tpu.memref_slice %arg6[%dma_wait3A_508, %dma_wait3A_510] : memref<4x256xi32, #tpu.memory_space<vmem>> -> memref<1x64xi32, #tpu.memory_space<vmem>>
    %dma_wait3A_512 = tpu.memref_squeeze %dma_wait3A_511 : memref<1x64xi32, #tpu.memory_space<vmem>> -> memref<64xi32, #tpu.memory_space<vmem>>
    %dma_wait3A_513 = arith.constant 0 : i32
    %dma_wait3A_514 = arith.constant 0 : i32
    %dma_wait3A_515 = tpu.memref_slice %arg3[%dma_wait3A_513, %dma_wait3A_514] : memref<100000x128xf32, #tpu.memory_space<hbm>> -> memref<100000x128xf32, #tpu.memory_space<hbm>>
    %dma_wait3A_516 = tpu.memref_slice %arg17[%dma_wait3A_509] : memref<6x!tpu.dma_semaphore, #tpu.memory_space<semaphore_mem>> -> memref<1x!tpu.dma_semaphore, #tpu.memory_space<semaphore_mem>>
    %dma_wait3A_517 = tpu.memref_squeeze %dma_wait3A_516 : memref<1x!tpu.dma_semaphore, #tpu.memory_space<semaphore_mem>> -> memref<!tpu.dma_semaphore, #tpu.memory_space<semaphore_mem>>
    tpu.wait_indirect_dma semaphore(%dma_wait3A_517 : memref<!tpu.dma_semaphore, #tpu.memory_space<semaphore_mem>>) src(%dma_wait3A_515 : memref<100000x128xf32, #tpu.memory_space<hbm>>) dst(%arg7 : memref<64x128xf32, #tpu.memory_space<vmem>>)
    %dma_wait3A_518 = arith.constant 1 : i32
    %dma_wait3A_519 = arith.constant 0 : i32
    %dma_wait3A_520 = tpu.memref_slice %arg19[%dma_wait3A_519] : memref<2x!tpu.dma_semaphore, #tpu.memory_space<semaphore_mem>> -> memref<1x!tpu.dma_semaphore, #tpu.memory_space<semaphore_mem>>
    %dma_wait3A_521 = tpu.memref_squeeze %dma_wait3A_520 : memref<1x!tpu.dma_semaphore, #tpu.memory_space<semaphore_mem>> -> memref<!tpu.dma_semaphore, #tpu.memory_space<semaphore_mem>>
    %dma_wait3A_522 = arith.constant 0 : i32
    %dma_wait3A_523 = tpu.memref_slice %arg5[%dma_wait3A_518, %add3A_472, %dma_wait3A_522] : memref<4x8192x128xf32, #tpu.memory_space<hbm>> -> memref<1x64x128xf32, #tpu.memory_space<hbm>>
    %dma_wait3A_524 = tpu.memref_squeeze %dma_wait3A_523 : memref<1x64x128xf32, #tpu.memory_space<hbm>> -> memref<64x128xf32, #tpu.memory_space<hbm>>
    %dma_wait3A_525 = arith.constant 0 : i32
    %dma_wait3A_526 = tpu.memref_slice %arg14[%add3A_470, %dma_wait3A_525] : memref<2048x128xf32, #tpu.memory_space<vmem_shared>> -> memref<64x128xf32, #tpu.memory_space<vmem_shared>>
    tpu.wait_dma2 semaphore(%dma_wait3A_521 : memref<!tpu.dma_semaphore, #tpu.memory_space<semaphore_mem>>) src(%dma_wait3A_526 : memref<64x128xf32, #tpu.memory_space<vmem_shared>>) dst(%dma_wait3A_524 : memref<64x128xf32, #tpu.memory_space<hbm>>)
    %add3A_527 = arith.constant 0 : i32
    %add3A_528 = arith.addi %mul3A_8, %add3A_527 : i32
    %dma_start3A_529 = arith.constant 0 : i32
    %dma_start3A_530 = arith.constant 0 : i32
    %dma_start3A_531 = tpu.memref_slice %arg14[%add3A_528, %dma_start3A_530] : memref<2048x128xf32, #tpu.memory_space<vmem_shared>> -> memref<64x128xf32, #tpu.memory_space<vmem_shared>>
    %dma_start3A_532 = tpu.memref_slice %arg18[%dma_start3A_529] : memref<2x!tpu.dma_semaphore, #tpu.memory_space<semaphore_mem>> -> memref<1x!tpu.dma_semaphore, #tpu.memory_space<semaphore_mem>>
    %dma_start3A_533 = tpu.memref_squeeze %dma_start3A_532 : memref<1x!tpu.dma_semaphore, #tpu.memory_space<semaphore_mem>> -> memref<!tpu.dma_semaphore, #tpu.memory_space<semaphore_mem>>
    %dma_start3A_534 = arith.constant 0 : i32
    %dma_start3A_535 = tpu.memref_slice %arg14[%add3A_528, %dma_start3A_534] : memref<2048x128xf32, #tpu.memory_space<vmem_shared>> -> memref<64x128xf32, #tpu.memory_space<vmem_shared>>
    tpu.enqueue_dma source(%arg7 : memref<64x128xf32, #tpu.memory_space<vmem>>) target(%dma_start3A_535 : memref<64x128xf32, #tpu.memory_space<vmem_shared>>) target_semaphore(%dma_start3A_533 : memref<!tpu.dma_semaphore, #tpu.memory_space<semaphore_mem>>)
    %dma_wait3A_536 = arith.constant 1 : i32
    %dma_wait3A_537 = arith.constant 0 : i32
    %dma_wait3A_538 = tpu.memref_slice %arg14[%add3A_454, %dma_wait3A_537] : memref<2048x128xf32, #tpu.memory_space<vmem_shared>> -> memref<64x128xf32, #tpu.memory_space<vmem_shared>>
    %dma_wait3A_539 = tpu.memref_slice %arg18[%dma_wait3A_536] : memref<2x!tpu.dma_semaphore, #tpu.memory_space<semaphore_mem>> -> memref<1x!tpu.dma_semaphore, #tpu.memory_space<semaphore_mem>>
    %dma_wait3A_540 = tpu.memref_squeeze %dma_wait3A_539 : memref<1x!tpu.dma_semaphore, #tpu.memory_space<semaphore_mem>> -> memref<!tpu.dma_semaphore, #tpu.memory_space<semaphore_mem>>
    %dma_wait3A_541 = arith.constant 0 : i32
    %dma_wait3A_542 = tpu.memref_slice %arg14[%add3A_454, %dma_wait3A_541] : memref<2048x128xf32, #tpu.memory_space<vmem_shared>> -> memref<64x128xf32, #tpu.memory_space<vmem_shared>>
    tpu.wait_dma2 semaphore(%dma_wait3A_540 : memref<!tpu.dma_semaphore, #tpu.memory_space<semaphore_mem>>) src(%arg12 : memref<64x128xf32, #tpu.memory_space<vmem>>) dst(%dma_wait3A_542 : memref<64x128xf32, #tpu.memory_space<vmem_shared>>)
    %add3A_543 = arith.constant 64 : i32
    %add3A_544 = arith.addi %mul3A_8, %add3A_543 : i32
    %add3A_545 = arith.constant 64 : i32
    %add3A_546 = arith.addi %mul3A_2, %add3A_545 : i32
    %dma_start3A_547 = arith.constant 1 : i32
    %dma_start3A_548 = arith.constant 1 : i32
    %dma_start3A_549 = tpu.memref_slice %arg19[%dma_start3A_548] : memref<2x!tpu.dma_semaphore, #tpu.memory_space<semaphore_mem>> -> memref<1x!tpu.dma_semaphore, #tpu.memory_space<semaphore_mem>>
    %dma_start3A_550 = tpu.memref_squeeze %dma_start3A_549 : memref<1x!tpu.dma_semaphore, #tpu.memory_space<semaphore_mem>> -> memref<!tpu.dma_semaphore, #tpu.memory_space<semaphore_mem>>
    %dma_start3A_551 = arith.constant 0 : i32
    %dma_start3A_552 = tpu.memref_slice %arg5[%dma_start3A_547, %add3A_546, %dma_start3A_551] : memref<4x8192x128xf32, #tpu.memory_space<hbm>> -> memref<1x64x128xf32, #tpu.memory_space<hbm>>
    %dma_start3A_553 = tpu.memref_squeeze %dma_start3A_552 : memref<1x64x128xf32, #tpu.memory_space<hbm>> -> memref<64x128xf32, #tpu.memory_space<hbm>>
    %dma_start3A_554 = arith.constant 0 : i32
    %dma_start3A_555 = tpu.memref_slice %arg14[%add3A_544, %dma_start3A_554] : memref<2048x128xf32, #tpu.memory_space<vmem_shared>> -> memref<64x128xf32, #tpu.memory_space<vmem_shared>>
    tpu.enqueue_dma source(%dma_start3A_555 : memref<64x128xf32, #tpu.memory_space<vmem_shared>>) target(%dma_start3A_553 : memref<64x128xf32, #tpu.memory_space<hbm>>) target_semaphore(%dma_start3A_550 : memref<!tpu.dma_semaphore, #tpu.memory_space<semaphore_mem>>)
    %add3A_556 = arith.constant 192 : i32
    %add3A_557 = arith.addi %mul3A_4, %add3A_556 : i32
    %dma_start3A_558 = arith.constant 5 : i32
    %dma_start3A_559 = arith.constant 0 : i32
    %dma_start3A_560 = tpu.memref_slice %arg13[%add3A_557, %dma_start3A_559] : memref<4096x128xf32, #tpu.memory_space<vmem_shared>> -> memref<64x128xf32, #tpu.memory_space<vmem_shared>>
    %dma_start3A_561 = tpu.memref_slice %arg16[%dma_start3A_558] : memref<6x!tpu.dma_semaphore, #tpu.memory_space<semaphore_mem>> -> memref<1x!tpu.dma_semaphore, #tpu.memory_space<semaphore_mem>>
    %dma_start3A_562 = tpu.memref_squeeze %dma_start3A_561 : memref<1x!tpu.dma_semaphore, #tpu.memory_space<semaphore_mem>> -> memref<!tpu.dma_semaphore, #tpu.memory_space<semaphore_mem>>
    %dma_start3A_563 = arith.constant 0 : i32
    %dma_start3A_564 = tpu.memref_slice %arg13[%add3A_557, %dma_start3A_563] : memref<4096x128xf32, #tpu.memory_space<vmem_shared>> -> memref<64x128xf32, #tpu.memory_space<vmem_shared>>
    tpu.enqueue_dma source(%dma_start3A_564 : memref<64x128xf32, #tpu.memory_space<vmem_shared>>) target(%arg12 : memref<64x128xf32, #tpu.memory_space<vmem>>) target_semaphore(%dma_start3A_562 : memref<!tpu.dma_semaphore, #tpu.memory_space<semaphore_mem>>)
    %dma_wait3A_565 = arith.constant 2 : i32
    %dma_wait3A_566 = arith.constant 0 : i32
    %dma_wait3A_567 = tpu.memref_slice %arg13[%add3A_335, %dma_wait3A_566] : memref<4096x128xf32, #tpu.memory_space<vmem_shared>> -> memref<64x128xf32, #tpu.memory_space<vmem_shared>>
    %dma_wait3A_568 = tpu.memref_slice %arg16[%dma_wait3A_565] : memref<6x!tpu.dma_semaphore, #tpu.memory_space<semaphore_mem>> -> memref<1x!tpu.dma_semaphore, #tpu.memory_space<semaphore_mem>>
    %dma_wait3A_569 = tpu.memref_squeeze %dma_wait3A_568 : memref<1x!tpu.dma_semaphore, #tpu.memory_space<semaphore_mem>> -> memref<!tpu.dma_semaphore, #tpu.memory_space<semaphore_mem>>
    %dma_wait3A_570 = arith.constant 0 : i32
    %dma_wait3A_571 = tpu.memref_slice %arg13[%add3A_335, %dma_wait3A_570] : memref<4096x128xf32, #tpu.memory_space<vmem_shared>> -> memref<64x128xf32, #tpu.memory_space<vmem_shared>>
    tpu.wait_dma2 semaphore(%dma_wait3A_569 : memref<!tpu.dma_semaphore, #tpu.memory_space<semaphore_mem>>) src(%dma_wait3A_571 : memref<64x128xf32, #tpu.memory_space<vmem_shared>>) dst(%arg9 : memref<64x128xf32, #tpu.memory_space<vmem>>)
    %dma_start3A_572 = arith.constant 2 : i32
    %dma_start3A_573 = arith.constant 2 : i32
    %dma_start3A_574 = arith.constant 0 : i32
    %dma_start3A_575 = tpu.memref_slice %arg6[%dma_start3A_572, %dma_start3A_574] : memref<4x256xi32, #tpu.memory_space<vmem>> -> memref<1x64xi32, #tpu.memory_space<vmem>>
    %dma_start3A_576 = tpu.memref_squeeze %dma_start3A_575 : memref<1x64xi32, #tpu.memory_space<vmem>> -> memref<64xi32, #tpu.memory_space<vmem>>
    %dma_start3A_577 = arith.constant 0 : i32
    %dma_start3A_578 = arith.constant 0 : i32
    %dma_start3A_579 = tpu.memref_slice %arg3[%dma_start3A_577, %dma_start3A_578] : memref<100000x128xf32, #tpu.memory_space<hbm>> -> memref<100000x128xf32, #tpu.memory_space<hbm>>
    %dma_start3A_580 = tpu.memref_slice %arg17[%dma_start3A_573] : memref<6x!tpu.dma_semaphore, #tpu.memory_space<semaphore_mem>> -> memref<1x!tpu.dma_semaphore, #tpu.memory_space<semaphore_mem>>
    %dma_start3A_581 = tpu.memref_squeeze %dma_start3A_580 : memref<1x!tpu.dma_semaphore, #tpu.memory_space<semaphore_mem>> -> memref<!tpu.dma_semaphore, #tpu.memory_space<semaphore_mem>>
    tpu.enqueue_indirect_dma source(%dma_start3A_579 : memref<100000x128xf32, #tpu.memory_space<hbm>>) target(%arg9 : memref<64x128xf32, #tpu.memory_space<vmem>>) offsets(%dma_start3A_576 : memref<64xi32, #tpu.memory_space<vmem>>) semaphore(%dma_start3A_581 : memref<!tpu.dma_semaphore, #tpu.memory_space<semaphore_mem>>) {add = true}
    %dma_wait3A_582 = arith.constant 1 : i32
    %dma_wait3A_583 = arith.constant 1 : i32
    %dma_wait3A_584 = arith.constant 192 : i32
    %dma_wait3A_585 = tpu.memref_slice %arg6[%dma_wait3A_582, %dma_wait3A_584] : memref<4x256xi32, #tpu.memory_space<vmem>> -> memref<1x64xi32, #tpu.memory_space<vmem>>
    %dma_wait3A_586 = tpu.memref_squeeze %dma_wait3A_585 : memref<1x64xi32, #tpu.memory_space<vmem>> -> memref<64xi32, #tpu.memory_space<vmem>>
    %dma_wait3A_587 = arith.constant 0 : i32
    %dma_wait3A_588 = arith.constant 0 : i32
    %dma_wait3A_589 = tpu.memref_slice %arg3[%dma_wait3A_587, %dma_wait3A_588] : memref<100000x128xf32, #tpu.memory_space<hbm>> -> memref<100000x128xf32, #tpu.memory_space<hbm>>
    %dma_wait3A_590 = tpu.memref_slice %arg17[%dma_wait3A_583] : memref<6x!tpu.dma_semaphore, #tpu.memory_space<semaphore_mem>> -> memref<1x!tpu.dma_semaphore, #tpu.memory_space<semaphore_mem>>
    %dma_wait3A_591 = tpu.memref_squeeze %dma_wait3A_590 : memref<1x!tpu.dma_semaphore, #tpu.memory_space<semaphore_mem>> -> memref<!tpu.dma_semaphore, #tpu.memory_space<semaphore_mem>>
    tpu.wait_indirect_dma semaphore(%dma_wait3A_591 : memref<!tpu.dma_semaphore, #tpu.memory_space<semaphore_mem>>) src(%dma_wait3A_589 : memref<100000x128xf32, #tpu.memory_space<hbm>>) dst(%arg8 : memref<64x128xf32, #tpu.memory_space<vmem>>)
    %dma_wait3A_592 = arith.constant 1 : i32
    %dma_wait3A_593 = arith.constant 1 : i32
    %dma_wait3A_594 = tpu.memref_slice %arg19[%dma_wait3A_593] : memref<2x!tpu.dma_semaphore, #tpu.memory_space<semaphore_mem>> -> memref<1x!tpu.dma_semaphore, #tpu.memory_space<semaphore_mem>>
    %dma_wait3A_595 = tpu.memref_squeeze %dma_wait3A_594 : memref<1x!tpu.dma_semaphore, #tpu.memory_space<semaphore_mem>> -> memref<!tpu.dma_semaphore, #tpu.memory_space<semaphore_mem>>
    %dma_wait3A_596 = arith.constant 0 : i32
    %dma_wait3A_597 = tpu.memref_slice %arg5[%dma_wait3A_592, %add3A_546, %dma_wait3A_596] : memref<4x8192x128xf32, #tpu.memory_space<hbm>> -> memref<1x64x128xf32, #tpu.memory_space<hbm>>
    %dma_wait3A_598 = tpu.memref_squeeze %dma_wait3A_597 : memref<1x64x128xf32, #tpu.memory_space<hbm>> -> memref<64x128xf32, #tpu.memory_space<hbm>>
    %dma_wait3A_599 = arith.constant 0 : i32
    %dma_wait3A_600 = tpu.memref_slice %arg14[%add3A_544, %dma_wait3A_599] : memref<2048x128xf32, #tpu.memory_space<vmem_shared>> -> memref<64x128xf32, #tpu.memory_space<vmem_shared>>
    tpu.wait_dma2 semaphore(%dma_wait3A_595 : memref<!tpu.dma_semaphore, #tpu.memory_space<semaphore_mem>>) src(%dma_wait3A_600 : memref<64x128xf32, #tpu.memory_space<vmem_shared>>) dst(%dma_wait3A_598 : memref<64x128xf32, #tpu.memory_space<hbm>>)
    %add3A_601 = arith.constant 64 : i32
    %add3A_602 = arith.addi %mul3A_8, %add3A_601 : i32
    %dma_start3A_603 = arith.constant 1 : i32
    %dma_start3A_604 = arith.constant 0 : i32
    %dma_start3A_605 = tpu.memref_slice %arg14[%add3A_602, %dma_start3A_604] : memref<2048x128xf32, #tpu.memory_space<vmem_shared>> -> memref<64x128xf32, #tpu.memory_space<vmem_shared>>
    %dma_start3A_606 = tpu.memref_slice %arg18[%dma_start3A_603] : memref<2x!tpu.dma_semaphore, #tpu.memory_space<semaphore_mem>> -> memref<1x!tpu.dma_semaphore, #tpu.memory_space<semaphore_mem>>
    %dma_start3A_607 = tpu.memref_squeeze %dma_start3A_606 : memref<1x!tpu.dma_semaphore, #tpu.memory_space<semaphore_mem>> -> memref<!tpu.dma_semaphore, #tpu.memory_space<semaphore_mem>>
    %dma_start3A_608 = arith.constant 0 : i32
    %dma_start3A_609 = tpu.memref_slice %arg14[%add3A_602, %dma_start3A_608] : memref<2048x128xf32, #tpu.memory_space<vmem_shared>> -> memref<64x128xf32, #tpu.memory_space<vmem_shared>>
    tpu.enqueue_dma source(%arg8 : memref<64x128xf32, #tpu.memory_space<vmem>>) target(%dma_start3A_609 : memref<64x128xf32, #tpu.memory_space<vmem_shared>>) target_semaphore(%dma_start3A_607 : memref<!tpu.dma_semaphore, #tpu.memory_space<semaphore_mem>>)
    %dma_wait3A_610 = arith.constant 0 : i32
    %dma_wait3A_611 = arith.constant 0 : i32
    %dma_wait3A_612 = tpu.memref_slice %arg14[%add3A_528, %dma_wait3A_611] : memref<2048x128xf32, #tpu.memory_space<vmem_shared>> -> memref<64x128xf32, #tpu.memory_space<vmem_shared>>
    %dma_wait3A_613 = tpu.memref_slice %arg18[%dma_wait3A_610] : memref<2x!tpu.dma_semaphore, #tpu.memory_space<semaphore_mem>> -> memref<1x!tpu.dma_semaphore, #tpu.memory_space<semaphore_mem>>
    %dma_wait3A_614 = tpu.memref_squeeze %dma_wait3A_613 : memref<1x!tpu.dma_semaphore, #tpu.memory_space<semaphore_mem>> -> memref<!tpu.dma_semaphore, #tpu.memory_space<semaphore_mem>>
    %dma_wait3A_615 = arith.constant 0 : i32
    %dma_wait3A_616 = tpu.memref_slice %arg14[%add3A_528, %dma_wait3A_615] : memref<2048x128xf32, #tpu.memory_space<vmem_shared>> -> memref<64x128xf32, #tpu.memory_space<vmem_shared>>
    tpu.wait_dma2 semaphore(%dma_wait3A_614 : memref<!tpu.dma_semaphore, #tpu.memory_space<semaphore_mem>>) src(%arg7 : memref<64x128xf32, #tpu.memory_space<vmem>>) dst(%dma_wait3A_616 : memref<64x128xf32, #tpu.memory_space<vmem_shared>>)
    %add3A_617 = arith.constant 0 : i32
    %add3A_618 = arith.addi %mul3A_8, %add3A_617 : i32
    %add3A_619 = arith.constant 128 : i32
    %add3A_620 = arith.addi %mul3A_2, %add3A_619 : i32
    %dma_start3A_621 = arith.constant 1 : i32
    %dma_start3A_622 = arith.constant 0 : i32
    %dma_start3A_623 = tpu.memref_slice %arg19[%dma_start3A_622] : memref<2x!tpu.dma_semaphore, #tpu.memory_space<semaphore_mem>> -> memref<1x!tpu.dma_semaphore, #tpu.memory_space<semaphore_mem>>
    %dma_start3A_624 = tpu.memref_squeeze %dma_start3A_623 : memref<1x!tpu.dma_semaphore, #tpu.memory_space<semaphore_mem>> -> memref<!tpu.dma_semaphore, #tpu.memory_space<semaphore_mem>>
    %dma_start3A_625 = arith.constant 0 : i32
    %dma_start3A_626 = tpu.memref_slice %arg5[%dma_start3A_621, %add3A_620, %dma_start3A_625] : memref<4x8192x128xf32, #tpu.memory_space<hbm>> -> memref<1x64x128xf32, #tpu.memory_space<hbm>>
    %dma_start3A_627 = tpu.memref_squeeze %dma_start3A_626 : memref<1x64x128xf32, #tpu.memory_space<hbm>> -> memref<64x128xf32, #tpu.memory_space<hbm>>
    %dma_start3A_628 = arith.constant 0 : i32
    %dma_start3A_629 = tpu.memref_slice %arg14[%add3A_618, %dma_start3A_628] : memref<2048x128xf32, #tpu.memory_space<vmem_shared>> -> memref<64x128xf32, #tpu.memory_space<vmem_shared>>
    tpu.enqueue_dma source(%dma_start3A_629 : memref<64x128xf32, #tpu.memory_space<vmem_shared>>) target(%dma_start3A_627 : memref<64x128xf32, #tpu.memory_space<hbm>>) target_semaphore(%dma_start3A_624 : memref<!tpu.dma_semaphore, #tpu.memory_space<semaphore_mem>>)
    %add3A_630 = arith.constant 0 : i32
    %add3A_631 = arith.addi %mul3A_4, %add3A_630 : i32
    %dma_start3A_632 = arith.constant 0 : i32
    %dma_start3A_633 = arith.constant 0 : i32
    %dma_start3A_634 = tpu.memref_slice %arg13[%add3A_631, %dma_start3A_633] : memref<4096x128xf32, #tpu.memory_space<vmem_shared>> -> memref<64x128xf32, #tpu.memory_space<vmem_shared>>
    %dma_start3A_635 = tpu.memref_slice %arg16[%dma_start3A_632] : memref<6x!tpu.dma_semaphore, #tpu.memory_space<semaphore_mem>> -> memref<1x!tpu.dma_semaphore, #tpu.memory_space<semaphore_mem>>
    %dma_start3A_636 = tpu.memref_squeeze %dma_start3A_635 : memref<1x!tpu.dma_semaphore, #tpu.memory_space<semaphore_mem>> -> memref<!tpu.dma_semaphore, #tpu.memory_space<semaphore_mem>>
    %dma_start3A_637 = arith.constant 0 : i32
    %dma_start3A_638 = tpu.memref_slice %arg13[%add3A_631, %dma_start3A_637] : memref<4096x128xf32, #tpu.memory_space<vmem_shared>> -> memref<64x128xf32, #tpu.memory_space<vmem_shared>>
    tpu.enqueue_dma source(%dma_start3A_638 : memref<64x128xf32, #tpu.memory_space<vmem_shared>>) target(%arg7 : memref<64x128xf32, #tpu.memory_space<vmem>>) target_semaphore(%dma_start3A_636 : memref<!tpu.dma_semaphore, #tpu.memory_space<semaphore_mem>>)
    %dma_wait3A_639 = arith.constant 3 : i32
    %dma_wait3A_640 = arith.constant 0 : i32
    %dma_wait3A_641 = tpu.memref_slice %arg13[%add3A_409, %dma_wait3A_640] : memref<4096x128xf32, #tpu.memory_space<vmem_shared>> -> memref<64x128xf32, #tpu.memory_space<vmem_shared>>
    %dma_wait3A_642 = tpu.memref_slice %arg16[%dma_wait3A_639] : memref<6x!tpu.dma_semaphore, #tpu.memory_space<semaphore_mem>> -> memref<1x!tpu.dma_semaphore, #tpu.memory_space<semaphore_mem>>
    %dma_wait3A_643 = tpu.memref_squeeze %dma_wait3A_642 : memref<1x!tpu.dma_semaphore, #tpu.memory_space<semaphore_mem>> -> memref<!tpu.dma_semaphore, #tpu.memory_space<semaphore_mem>>
    %dma_wait3A_644 = arith.constant 0 : i32
    %dma_wait3A_645 = tpu.memref_slice %arg13[%add3A_409, %dma_wait3A_644] : memref<4096x128xf32, #tpu.memory_space<vmem_shared>> -> memref<64x128xf32, #tpu.memory_space<vmem_shared>>
    tpu.wait_dma2 semaphore(%dma_wait3A_643 : memref<!tpu.dma_semaphore, #tpu.memory_space<semaphore_mem>>) src(%dma_wait3A_645 : memref<64x128xf32, #tpu.memory_space<vmem_shared>>) dst(%arg10 : memref<64x128xf32, #tpu.memory_space<vmem>>)
    %dma_start3A_646 = arith.constant 2 : i32
    %dma_start3A_647 = arith.constant 3 : i32
    %dma_start3A_648 = arith.constant 64 : i32
    %dma_start3A_649 = tpu.memref_slice %arg6[%dma_start3A_646, %dma_start3A_648] : memref<4x256xi32, #tpu.memory_space<vmem>> -> memref<1x64xi32, #tpu.memory_space<vmem>>
    %dma_start3A_650 = tpu.memref_squeeze %dma_start3A_649 : memref<1x64xi32, #tpu.memory_space<vmem>> -> memref<64xi32, #tpu.memory_space<vmem>>
    %dma_start3A_651 = arith.constant 0 : i32
    %dma_start3A_652 = arith.constant 0 : i32
    %dma_start3A_653 = tpu.memref_slice %arg3[%dma_start3A_651, %dma_start3A_652] : memref<100000x128xf32, #tpu.memory_space<hbm>> -> memref<100000x128xf32, #tpu.memory_space<hbm>>
    %dma_start3A_654 = tpu.memref_slice %arg17[%dma_start3A_647] : memref<6x!tpu.dma_semaphore, #tpu.memory_space<semaphore_mem>> -> memref<1x!tpu.dma_semaphore, #tpu.memory_space<semaphore_mem>>
    %dma_start3A_655 = tpu.memref_squeeze %dma_start3A_654 : memref<1x!tpu.dma_semaphore, #tpu.memory_space<semaphore_mem>> -> memref<!tpu.dma_semaphore, #tpu.memory_space<semaphore_mem>>
    tpu.enqueue_indirect_dma source(%dma_start3A_653 : memref<100000x128xf32, #tpu.memory_space<hbm>>) target(%arg10 : memref<64x128xf32, #tpu.memory_space<vmem>>) offsets(%dma_start3A_650 : memref<64xi32, #tpu.memory_space<vmem>>) semaphore(%dma_start3A_655 : memref<!tpu.dma_semaphore, #tpu.memory_space<semaphore_mem>>) {add = true}
    %dma_wait3A_656 = arith.constant 2 : i32
    %dma_wait3A_657 = arith.constant 2 : i32
    %dma_wait3A_658 = arith.constant 0 : i32
    %dma_wait3A_659 = tpu.memref_slice %arg6[%dma_wait3A_656, %dma_wait3A_658] : memref<4x256xi32, #tpu.memory_space<vmem>> -> memref<1x64xi32, #tpu.memory_space<vmem>>
    %dma_wait3A_660 = tpu.memref_squeeze %dma_wait3A_659 : memref<1x64xi32, #tpu.memory_space<vmem>> -> memref<64xi32, #tpu.memory_space<vmem>>
    %dma_wait3A_661 = arith.constant 0 : i32
    %dma_wait3A_662 = arith.constant 0 : i32
    %dma_wait3A_663 = tpu.memref_slice %arg3[%dma_wait3A_661, %dma_wait3A_662] : memref<100000x128xf32, #tpu.memory_space<hbm>> -> memref<100000x128xf32, #tpu.memory_space<hbm>>
    %dma_wait3A_664 = tpu.memref_slice %arg17[%dma_wait3A_657] : memref<6x!tpu.dma_semaphore, #tpu.memory_space<semaphore_mem>> -> memref<1x!tpu.dma_semaphore, #tpu.memory_space<semaphore_mem>>
    %dma_wait3A_665 = tpu.memref_squeeze %dma_wait3A_664 : memref<1x!tpu.dma_semaphore, #tpu.memory_space<semaphore_mem>> -> memref<!tpu.dma_semaphore, #tpu.memory_space<semaphore_mem>>
    tpu.wait_indirect_dma semaphore(%dma_wait3A_665 : memref<!tpu.dma_semaphore, #tpu.memory_space<semaphore_mem>>) src(%dma_wait3A_663 : memref<100000x128xf32, #tpu.memory_space<hbm>>) dst(%arg9 : memref<64x128xf32, #tpu.memory_space<vmem>>)
    %dma_wait3A_666 = arith.constant 1 : i32
    %dma_wait3A_667 = arith.constant 0 : i32
    %dma_wait3A_668 = tpu.memref_slice %arg19[%dma_wait3A_667] : memref<2x!tpu.dma_semaphore, #tpu.memory_space<semaphore_mem>> -> memref<1x!tpu.dma_semaphore, #tpu.memory_space<semaphore_mem>>
    %dma_wait3A_669 = tpu.memref_squeeze %dma_wait3A_668 : memref<1x!tpu.dma_semaphore, #tpu.memory_space<semaphore_mem>> -> memref<!tpu.dma_semaphore, #tpu.memory_space<semaphore_mem>>
    %dma_wait3A_670 = arith.constant 0 : i32
    %dma_wait3A_671 = tpu.memref_slice %arg5[%dma_wait3A_666, %add3A_620, %dma_wait3A_670] : memref<4x8192x128xf32, #tpu.memory_space<hbm>> -> memref<1x64x128xf32, #tpu.memory_space<hbm>>
    %dma_wait3A_672 = tpu.memref_squeeze %dma_wait3A_671 : memref<1x64x128xf32, #tpu.memory_space<hbm>> -> memref<64x128xf32, #tpu.memory_space<hbm>>
    %dma_wait3A_673 = arith.constant 0 : i32
    %dma_wait3A_674 = tpu.memref_slice %arg14[%add3A_618, %dma_wait3A_673] : memref<2048x128xf32, #tpu.memory_space<vmem_shared>> -> memref<64x128xf32, #tpu.memory_space<vmem_shared>>
    tpu.wait_dma2 semaphore(%dma_wait3A_669 : memref<!tpu.dma_semaphore, #tpu.memory_space<semaphore_mem>>) src(%dma_wait3A_674 : memref<64x128xf32, #tpu.memory_space<vmem_shared>>) dst(%dma_wait3A_672 : memref<64x128xf32, #tpu.memory_space<hbm>>)
    %add3A_675 = arith.constant 0 : i32
    %add3A_676 = arith.addi %mul3A_8, %add3A_675 : i32
    %dma_start3A_677 = arith.constant 0 : i32
    %dma_start3A_678 = arith.constant 0 : i32
    %dma_start3A_679 = tpu.memref_slice %arg14[%add3A_676, %dma_start3A_678] : memref<2048x128xf32, #tpu.memory_space<vmem_shared>> -> memref<64x128xf32, #tpu.memory_space<vmem_shared>>
    %dma_start3A_680 = tpu.memref_slice %arg18[%dma_start3A_677] : memref<2x!tpu.dma_semaphore, #tpu.memory_space<semaphore_mem>> -> memref<1x!tpu.dma_semaphore, #tpu.memory_space<semaphore_mem>>
    %dma_start3A_681 = tpu.memref_squeeze %dma_start3A_680 : memref<1x!tpu.dma_semaphore, #tpu.memory_space<semaphore_mem>> -> memref<!tpu.dma_semaphore, #tpu.memory_space<semaphore_mem>>
    %dma_start3A_682 = arith.constant 0 : i32
    %dma_start3A_683 = tpu.memref_slice %arg14[%add3A_676, %dma_start3A_682] : memref<2048x128xf32, #tpu.memory_space<vmem_shared>> -> memref<64x128xf32, #tpu.memory_space<vmem_shared>>
    tpu.enqueue_dma source(%arg9 : memref<64x128xf32, #tpu.memory_space<vmem>>) target(%dma_start3A_683 : memref<64x128xf32, #tpu.memory_space<vmem_shared>>) target_semaphore(%dma_start3A_681 : memref<!tpu.dma_semaphore, #tpu.memory_space<semaphore_mem>>)
    %dma_wait3A_684 = arith.constant 1 : i32
    %dma_wait3A_685 = arith.constant 0 : i32
    %dma_wait3A_686 = tpu.memref_slice %arg14[%add3A_602, %dma_wait3A_685] : memref<2048x128xf32, #tpu.memory_space<vmem_shared>> -> memref<64x128xf32, #tpu.memory_space<vmem_shared>>
    %dma_wait3A_687 = tpu.memref_slice %arg18[%dma_wait3A_684] : memref<2x!tpu.dma_semaphore, #tpu.memory_space<semaphore_mem>> -> memref<1x!tpu.dma_semaphore, #tpu.memory_space<semaphore_mem>>
    %dma_wait3A_688 = tpu.memref_squeeze %dma_wait3A_687 : memref<1x!tpu.dma_semaphore, #tpu.memory_space<semaphore_mem>> -> memref<!tpu.dma_semaphore, #tpu.memory_space<semaphore_mem>>
    %dma_wait3A_689 = arith.constant 0 : i32
    %dma_wait3A_690 = tpu.memref_slice %arg14[%add3A_602, %dma_wait3A_689] : memref<2048x128xf32, #tpu.memory_space<vmem_shared>> -> memref<64x128xf32, #tpu.memory_space<vmem_shared>>
    tpu.wait_dma2 semaphore(%dma_wait3A_688 : memref<!tpu.dma_semaphore, #tpu.memory_space<semaphore_mem>>) src(%arg8 : memref<64x128xf32, #tpu.memory_space<vmem>>) dst(%dma_wait3A_690 : memref<64x128xf32, #tpu.memory_space<vmem_shared>>)
    %add3A_691 = arith.constant 64 : i32
    %add3A_692 = arith.addi %mul3A_8, %add3A_691 : i32
    %add3A_693 = arith.constant 192 : i32
    %add3A_694 = arith.addi %mul3A_2, %add3A_693 : i32
    %dma_start3A_695 = arith.constant 1 : i32
    %dma_start3A_696 = arith.constant 1 : i32
    %dma_start3A_697 = tpu.memref_slice %arg19[%dma_start3A_696] : memref<2x!tpu.dma_semaphore, #tpu.memory_space<semaphore_mem>> -> memref<1x!tpu.dma_semaphore, #tpu.memory_space<semaphore_mem>>
    %dma_start3A_698 = tpu.memref_squeeze %dma_start3A_697 : memref<1x!tpu.dma_semaphore, #tpu.memory_space<semaphore_mem>> -> memref<!tpu.dma_semaphore, #tpu.memory_space<semaphore_mem>>
    %dma_start3A_699 = arith.constant 0 : i32
    %dma_start3A_700 = tpu.memref_slice %arg5[%dma_start3A_695, %add3A_694, %dma_start3A_699] : memref<4x8192x128xf32, #tpu.memory_space<hbm>> -> memref<1x64x128xf32, #tpu.memory_space<hbm>>
    %dma_start3A_701 = tpu.memref_squeeze %dma_start3A_700 : memref<1x64x128xf32, #tpu.memory_space<hbm>> -> memref<64x128xf32, #tpu.memory_space<hbm>>
    %dma_start3A_702 = arith.constant 0 : i32
    %dma_start3A_703 = tpu.memref_slice %arg14[%add3A_692, %dma_start3A_702] : memref<2048x128xf32, #tpu.memory_space<vmem_shared>> -> memref<64x128xf32, #tpu.memory_space<vmem_shared>>
    tpu.enqueue_dma source(%dma_start3A_703 : memref<64x128xf32, #tpu.memory_space<vmem_shared>>) target(%dma_start3A_701 : memref<64x128xf32, #tpu.memory_space<hbm>>) target_semaphore(%dma_start3A_698 : memref<!tpu.dma_semaphore, #tpu.memory_space<semaphore_mem>>)
    %add3A_704 = arith.constant 64 : i32
    %add3A_705 = arith.addi %mul3A_4, %add3A_704 : i32
    %dma_start3A_706 = arith.constant 1 : i32
    %dma_start3A_707 = arith.constant 0 : i32
    %dma_start3A_708 = tpu.memref_slice %arg13[%add3A_705, %dma_start3A_707] : memref<4096x128xf32, #tpu.memory_space<vmem_shared>> -> memref<64x128xf32, #tpu.memory_space<vmem_shared>>
    %dma_start3A_709 = tpu.memref_slice %arg16[%dma_start3A_706] : memref<6x!tpu.dma_semaphore, #tpu.memory_space<semaphore_mem>> -> memref<1x!tpu.dma_semaphore, #tpu.memory_space<semaphore_mem>>
    %dma_start3A_710 = tpu.memref_squeeze %dma_start3A_709 : memref<1x!tpu.dma_semaphore, #tpu.memory_space<semaphore_mem>> -> memref<!tpu.dma_semaphore, #tpu.memory_space<semaphore_mem>>
    %dma_start3A_711 = arith.constant 0 : i32
    %dma_start3A_712 = tpu.memref_slice %arg13[%add3A_705, %dma_start3A_711] : memref<4096x128xf32, #tpu.memory_space<vmem_shared>> -> memref<64x128xf32, #tpu.memory_space<vmem_shared>>
    tpu.enqueue_dma source(%dma_start3A_712 : memref<64x128xf32, #tpu.memory_space<vmem_shared>>) target(%arg8 : memref<64x128xf32, #tpu.memory_space<vmem>>) target_semaphore(%dma_start3A_710 : memref<!tpu.dma_semaphore, #tpu.memory_space<semaphore_mem>>)
    %dma_wait3A_713 = arith.constant 4 : i32
    %dma_wait3A_714 = arith.constant 0 : i32
    %dma_wait3A_715 = tpu.memref_slice %arg13[%add3A_483, %dma_wait3A_714] : memref<4096x128xf32, #tpu.memory_space<vmem_shared>> -> memref<64x128xf32, #tpu.memory_space<vmem_shared>>
    %dma_wait3A_716 = tpu.memref_slice %arg16[%dma_wait3A_713] : memref<6x!tpu.dma_semaphore, #tpu.memory_space<semaphore_mem>> -> memref<1x!tpu.dma_semaphore, #tpu.memory_space<semaphore_mem>>
    %dma_wait3A_717 = tpu.memref_squeeze %dma_wait3A_716 : memref<1x!tpu.dma_semaphore, #tpu.memory_space<semaphore_mem>> -> memref<!tpu.dma_semaphore, #tpu.memory_space<semaphore_mem>>
    %dma_wait3A_718 = arith.constant 0 : i32
    %dma_wait3A_719 = tpu.memref_slice %arg13[%add3A_483, %dma_wait3A_718] : memref<4096x128xf32, #tpu.memory_space<vmem_shared>> -> memref<64x128xf32, #tpu.memory_space<vmem_shared>>
    tpu.wait_dma2 semaphore(%dma_wait3A_717 : memref<!tpu.dma_semaphore, #tpu.memory_space<semaphore_mem>>) src(%dma_wait3A_719 : memref<64x128xf32, #tpu.memory_space<vmem_shared>>) dst(%arg11 : memref<64x128xf32, #tpu.memory_space<vmem>>)
    %dma_start3A_720 = arith.constant 2 : i32
    %dma_start3A_721 = arith.constant 4 : i32
    %dma_start3A_722 = arith.constant 128 : i32
    %dma_start3A_723 = tpu.memref_slice %arg6[%dma_start3A_720, %dma_start3A_722] : memref<4x256xi32, #tpu.memory_space<vmem>> -> memref<1x64xi32, #tpu.memory_space<vmem>>
    %dma_start3A_724 = tpu.memref_squeeze %dma_start3A_723 : memref<1x64xi32, #tpu.memory_space<vmem>> -> memref<64xi32, #tpu.memory_space<vmem>>
    %dma_start3A_725 = arith.constant 0 : i32
    %dma_start3A_726 = arith.constant 0 : i32
    %dma_start3A_727 = tpu.memref_slice %arg3[%dma_start3A_725, %dma_start3A_726] : memref<100000x128xf32, #tpu.memory_space<hbm>> -> memref<100000x128xf32, #tpu.memory_space<hbm>>
    %dma_start3A_728 = tpu.memref_slice %arg17[%dma_start3A_721] : memref<6x!tpu.dma_semaphore, #tpu.memory_space<semaphore_mem>> -> memref<1x!tpu.dma_semaphore, #tpu.memory_space<semaphore_mem>>
    %dma_start3A_729 = tpu.memref_squeeze %dma_start3A_728 : memref<1x!tpu.dma_semaphore, #tpu.memory_space<semaphore_mem>> -> memref<!tpu.dma_semaphore, #tpu.memory_space<semaphore_mem>>
    tpu.enqueue_indirect_dma source(%dma_start3A_727 : memref<100000x128xf32, #tpu.memory_space<hbm>>) target(%arg11 : memref<64x128xf32, #tpu.memory_space<vmem>>) offsets(%dma_start3A_724 : memref<64xi32, #tpu.memory_space<vmem>>) semaphore(%dma_start3A_729 : memref<!tpu.dma_semaphore, #tpu.memory_space<semaphore_mem>>) {add = true}
    %dma_wait3A_730 = arith.constant 2 : i32
    %dma_wait3A_731 = arith.constant 3 : i32
    %dma_wait3A_732 = arith.constant 64 : i32
    %dma_wait3A_733 = tpu.memref_slice %arg6[%dma_wait3A_730, %dma_wait3A_732] : memref<4x256xi32, #tpu.memory_space<vmem>> -> memref<1x64xi32, #tpu.memory_space<vmem>>
    %dma_wait3A_734 = tpu.memref_squeeze %dma_wait3A_733 : memref<1x64xi32, #tpu.memory_space<vmem>> -> memref<64xi32, #tpu.memory_space<vmem>>
    %dma_wait3A_735 = arith.constant 0 : i32
    %dma_wait3A_736 = arith.constant 0 : i32
    %dma_wait3A_737 = tpu.memref_slice %arg3[%dma_wait3A_735, %dma_wait3A_736] : memref<100000x128xf32, #tpu.memory_space<hbm>> -> memref<100000x128xf32, #tpu.memory_space<hbm>>
    %dma_wait3A_738 = tpu.memref_slice %arg17[%dma_wait3A_731] : memref<6x!tpu.dma_semaphore, #tpu.memory_space<semaphore_mem>> -> memref<1x!tpu.dma_semaphore, #tpu.memory_space<semaphore_mem>>
    %dma_wait3A_739 = tpu.memref_squeeze %dma_wait3A_738 : memref<1x!tpu.dma_semaphore, #tpu.memory_space<semaphore_mem>> -> memref<!tpu.dma_semaphore, #tpu.memory_space<semaphore_mem>>
    tpu.wait_indirect_dma semaphore(%dma_wait3A_739 : memref<!tpu.dma_semaphore, #tpu.memory_space<semaphore_mem>>) src(%dma_wait3A_737 : memref<100000x128xf32, #tpu.memory_space<hbm>>) dst(%arg10 : memref<64x128xf32, #tpu.memory_space<vmem>>)
    %dma_wait3A_740 = arith.constant 1 : i32
    %dma_wait3A_741 = arith.constant 1 : i32
    %dma_wait3A_742 = tpu.memref_slice %arg19[%dma_wait3A_741] : memref<2x!tpu.dma_semaphore, #tpu.memory_space<semaphore_mem>> -> memref<1x!tpu.dma_semaphore, #tpu.memory_space<semaphore_mem>>
    %dma_wait3A_743 = tpu.memref_squeeze %dma_wait3A_742 : memref<1x!tpu.dma_semaphore, #tpu.memory_space<semaphore_mem>> -> memref<!tpu.dma_semaphore, #tpu.memory_space<semaphore_mem>>
    %dma_wait3A_744 = arith.constant 0 : i32
    %dma_wait3A_745 = tpu.memref_slice %arg5[%dma_wait3A_740, %add3A_694, %dma_wait3A_744] : memref<4x8192x128xf32, #tpu.memory_space<hbm>> -> memref<1x64x128xf32, #tpu.memory_space<hbm>>
    %dma_wait3A_746 = tpu.memref_squeeze %dma_wait3A_745 : memref<1x64x128xf32, #tpu.memory_space<hbm>> -> memref<64x128xf32, #tpu.memory_space<hbm>>
    %dma_wait3A_747 = arith.constant 0 : i32
    %dma_wait3A_748 = tpu.memref_slice %arg14[%add3A_692, %dma_wait3A_747] : memref<2048x128xf32, #tpu.memory_space<vmem_shared>> -> memref<64x128xf32, #tpu.memory_space<vmem_shared>>
    tpu.wait_dma2 semaphore(%dma_wait3A_743 : memref<!tpu.dma_semaphore, #tpu.memory_space<semaphore_mem>>) src(%dma_wait3A_748 : memref<64x128xf32, #tpu.memory_space<vmem_shared>>) dst(%dma_wait3A_746 : memref<64x128xf32, #tpu.memory_space<hbm>>)
    %add3A_749 = arith.constant 64 : i32
    %add3A_750 = arith.addi %mul3A_8, %add3A_749 : i32
    %dma_start3A_751 = arith.constant 1 : i32
    %dma_start3A_752 = arith.constant 0 : i32
    %dma_start3A_753 = tpu.memref_slice %arg14[%add3A_750, %dma_start3A_752] : memref<2048x128xf32, #tpu.memory_space<vmem_shared>> -> memref<64x128xf32, #tpu.memory_space<vmem_shared>>
    %dma_start3A_754 = tpu.memref_slice %arg18[%dma_start3A_751] : memref<2x!tpu.dma_semaphore, #tpu.memory_space<semaphore_mem>> -> memref<1x!tpu.dma_semaphore, #tpu.memory_space<semaphore_mem>>
    %dma_start3A_755 = tpu.memref_squeeze %dma_start3A_754 : memref<1x!tpu.dma_semaphore, #tpu.memory_space<semaphore_mem>> -> memref<!tpu.dma_semaphore, #tpu.memory_space<semaphore_mem>>
    %dma_start3A_756 = arith.constant 0 : i32
    %dma_start3A_757 = tpu.memref_slice %arg14[%add3A_750, %dma_start3A_756] : memref<2048x128xf32, #tpu.memory_space<vmem_shared>> -> memref<64x128xf32, #tpu.memory_space<vmem_shared>>
    tpu.enqueue_dma source(%arg10 : memref<64x128xf32, #tpu.memory_space<vmem>>) target(%dma_start3A_757 : memref<64x128xf32, #tpu.memory_space<vmem_shared>>) target_semaphore(%dma_start3A_755 : memref<!tpu.dma_semaphore, #tpu.memory_space<semaphore_mem>>)
    %dma_wait3A_758 = arith.constant 0 : i32
    %dma_wait3A_759 = arith.constant 0 : i32
    %dma_wait3A_760 = tpu.memref_slice %arg14[%add3A_676, %dma_wait3A_759] : memref<2048x128xf32, #tpu.memory_space<vmem_shared>> -> memref<64x128xf32, #tpu.memory_space<vmem_shared>>
    %dma_wait3A_761 = tpu.memref_slice %arg18[%dma_wait3A_758] : memref<2x!tpu.dma_semaphore, #tpu.memory_space<semaphore_mem>> -> memref<1x!tpu.dma_semaphore, #tpu.memory_space<semaphore_mem>>
    %dma_wait3A_762 = tpu.memref_squeeze %dma_wait3A_761 : memref<1x!tpu.dma_semaphore, #tpu.memory_space<semaphore_mem>> -> memref<!tpu.dma_semaphore, #tpu.memory_space<semaphore_mem>>
    %dma_wait3A_763 = arith.constant 0 : i32
    %dma_wait3A_764 = tpu.memref_slice %arg14[%add3A_676, %dma_wait3A_763] : memref<2048x128xf32, #tpu.memory_space<vmem_shared>> -> memref<64x128xf32, #tpu.memory_space<vmem_shared>>
    tpu.wait_dma2 semaphore(%dma_wait3A_762 : memref<!tpu.dma_semaphore, #tpu.memory_space<semaphore_mem>>) src(%arg9 : memref<64x128xf32, #tpu.memory_space<vmem>>) dst(%dma_wait3A_764 : memref<64x128xf32, #tpu.memory_space<vmem_shared>>)
    %add3A_765 = arith.constant 0 : i32
    %add3A_766 = arith.addi %mul3A_8, %add3A_765 : i32
    %add3A_767 = arith.constant 0 : i32
    %add3A_768 = arith.addi %mul3A_2, %add3A_767 : i32
    %dma_start3A_769 = arith.constant 2 : i32
    %dma_start3A_770 = arith.constant 0 : i32
    %dma_start3A_771 = tpu.memref_slice %arg19[%dma_start3A_770] : memref<2x!tpu.dma_semaphore, #tpu.memory_space<semaphore_mem>> -> memref<1x!tpu.dma_semaphore, #tpu.memory_space<semaphore_mem>>
    %dma_start3A_772 = tpu.memref_squeeze %dma_start3A_771 : memref<1x!tpu.dma_semaphore, #tpu.memory_space<semaphore_mem>> -> memref<!tpu.dma_semaphore, #tpu.memory_space<semaphore_mem>>
    %dma_start3A_773 = arith.constant 0 : i32
    %dma_start3A_774 = tpu.memref_slice %arg5[%dma_start3A_769, %add3A_768, %dma_start3A_773] : memref<4x8192x128xf32, #tpu.memory_space<hbm>> -> memref<1x64x128xf32, #tpu.memory_space<hbm>>
    %dma_start3A_775 = tpu.memref_squeeze %dma_start3A_774 : memref<1x64x128xf32, #tpu.memory_space<hbm>> -> memref<64x128xf32, #tpu.memory_space<hbm>>
    %dma_start3A_776 = arith.constant 0 : i32
    %dma_start3A_777 = tpu.memref_slice %arg14[%add3A_766, %dma_start3A_776] : memref<2048x128xf32, #tpu.memory_space<vmem_shared>> -> memref<64x128xf32, #tpu.memory_space<vmem_shared>>
    tpu.enqueue_dma source(%dma_start3A_777 : memref<64x128xf32, #tpu.memory_space<vmem_shared>>) target(%dma_start3A_775 : memref<64x128xf32, #tpu.memory_space<hbm>>) target_semaphore(%dma_start3A_772 : memref<!tpu.dma_semaphore, #tpu.memory_space<semaphore_mem>>)
    %add3A_778 = arith.constant 128 : i32
    %add3A_779 = arith.addi %mul3A_4, %add3A_778 : i32
    %dma_start3A_780 = arith.constant 2 : i32
    %dma_start3A_781 = arith.constant 0 : i32
    %dma_start3A_782 = tpu.memref_slice %arg13[%add3A_779, %dma_start3A_781] : memref<4096x128xf32, #tpu.memory_space<vmem_shared>> -> memref<64x128xf32, #tpu.memory_space<vmem_shared>>
    %dma_start3A_783 = tpu.memref_slice %arg16[%dma_start3A_780] : memref<6x!tpu.dma_semaphore, #tpu.memory_space<semaphore_mem>> -> memref<1x!tpu.dma_semaphore, #tpu.memory_space<semaphore_mem>>
    %dma_start3A_784 = tpu.memref_squeeze %dma_start3A_783 : memref<1x!tpu.dma_semaphore, #tpu.memory_space<semaphore_mem>> -> memref<!tpu.dma_semaphore, #tpu.memory_space<semaphore_mem>>
    %dma_start3A_785 = arith.constant 0 : i32
    %dma_start3A_786 = tpu.memref_slice %arg13[%add3A_779, %dma_start3A_785] : memref<4096x128xf32, #tpu.memory_space<vmem_shared>> -> memref<64x128xf32, #tpu.memory_space<vmem_shared>>
    tpu.enqueue_dma source(%dma_start3A_786 : memref<64x128xf32, #tpu.memory_space<vmem_shared>>) target(%arg9 : memref<64x128xf32, #tpu.memory_space<vmem>>) target_semaphore(%dma_start3A_784 : memref<!tpu.dma_semaphore, #tpu.memory_space<semaphore_mem>>)
    %dma_wait3A_787 = arith.constant 5 : i32
    %dma_wait3A_788 = arith.constant 0 : i32
    %dma_wait3A_789 = tpu.memref_slice %arg13[%add3A_557, %dma_wait3A_788] : memref<4096x128xf32, #tpu.memory_space<vmem_shared>> -> memref<64x128xf32, #tpu.memory_space<vmem_shared>>
    %dma_wait3A_790 = tpu.memref_slice %arg16[%dma_wait3A_787] : memref<6x!tpu.dma_semaphore, #tpu.memory_space<semaphore_mem>> -> memref<1x!tpu.dma_semaphore, #tpu.memory_space<semaphore_mem>>
    %dma_wait3A_791 = tpu.memref_squeeze %dma_wait3A_790 : memref<1x!tpu.dma_semaphore, #tpu.memory_space<semaphore_mem>> -> memref<!tpu.dma_semaphore, #tpu.memory_space<semaphore_mem>>
    %dma_wait3A_792 = arith.constant 0 : i32
    %dma_wait3A_793 = tpu.memref_slice %arg13[%add3A_557, %dma_wait3A_792] : memref<4096x128xf32, #tpu.memory_space<vmem_shared>> -> memref<64x128xf32, #tpu.memory_space<vmem_shared>>
    tpu.wait_dma2 semaphore(%dma_wait3A_791 : memref<!tpu.dma_semaphore, #tpu.memory_space<semaphore_mem>>) src(%dma_wait3A_793 : memref<64x128xf32, #tpu.memory_space<vmem_shared>>) dst(%arg12 : memref<64x128xf32, #tpu.memory_space<vmem>>)
    %dma_start3A_794 = arith.constant 2 : i32
    %dma_start3A_795 = arith.constant 5 : i32
    %dma_start3A_796 = arith.constant 192 : i32
    %dma_start3A_797 = tpu.memref_slice %arg6[%dma_start3A_794, %dma_start3A_796] : memref<4x256xi32, #tpu.memory_space<vmem>> -> memref<1x64xi32, #tpu.memory_space<vmem>>
    %dma_start3A_798 = tpu.memref_squeeze %dma_start3A_797 : memref<1x64xi32, #tpu.memory_space<vmem>> -> memref<64xi32, #tpu.memory_space<vmem>>
    %dma_start3A_799 = arith.constant 0 : i32
    %dma_start3A_800 = arith.constant 0 : i32
    %dma_start3A_801 = tpu.memref_slice %arg3[%dma_start3A_799, %dma_start3A_800] : memref<100000x128xf32, #tpu.memory_space<hbm>> -> memref<100000x128xf32, #tpu.memory_space<hbm>>
    %dma_start3A_802 = tpu.memref_slice %arg17[%dma_start3A_795] : memref<6x!tpu.dma_semaphore, #tpu.memory_space<semaphore_mem>> -> memref<1x!tpu.dma_semaphore, #tpu.memory_space<semaphore_mem>>
    %dma_start3A_803 = tpu.memref_squeeze %dma_start3A_802 : memref<1x!tpu.dma_semaphore, #tpu.memory_space<semaphore_mem>> -> memref<!tpu.dma_semaphore, #tpu.memory_space<semaphore_mem>>
    tpu.enqueue_indirect_dma source(%dma_start3A_801 : memref<100000x128xf32, #tpu.memory_space<hbm>>) target(%arg12 : memref<64x128xf32, #tpu.memory_space<vmem>>) offsets(%dma_start3A_798 : memref<64xi32, #tpu.memory_space<vmem>>) semaphore(%dma_start3A_803 : memref<!tpu.dma_semaphore, #tpu.memory_space<semaphore_mem>>) {add = true}
    %dma_wait3A_804 = arith.constant 2 : i32
    %dma_wait3A_805 = arith.constant 4 : i32
    %dma_wait3A_806 = arith.constant 128 : i32
    %dma_wait3A_807 = tpu.memref_slice %arg6[%dma_wait3A_804, %dma_wait3A_806] : memref<4x256xi32, #tpu.memory_space<vmem>> -> memref<1x64xi32, #tpu.memory_space<vmem>>
    %dma_wait3A_808 = tpu.memref_squeeze %dma_wait3A_807 : memref<1x64xi32, #tpu.memory_space<vmem>> -> memref<64xi32, #tpu.memory_space<vmem>>
    %dma_wait3A_809 = arith.constant 0 : i32
    %dma_wait3A_810 = arith.constant 0 : i32
    %dma_wait3A_811 = tpu.memref_slice %arg3[%dma_wait3A_809, %dma_wait3A_810] : memref<100000x128xf32, #tpu.memory_space<hbm>> -> memref<100000x128xf32, #tpu.memory_space<hbm>>
    %dma_wait3A_812 = tpu.memref_slice %arg17[%dma_wait3A_805] : memref<6x!tpu.dma_semaphore, #tpu.memory_space<semaphore_mem>> -> memref<1x!tpu.dma_semaphore, #tpu.memory_space<semaphore_mem>>
    %dma_wait3A_813 = tpu.memref_squeeze %dma_wait3A_812 : memref<1x!tpu.dma_semaphore, #tpu.memory_space<semaphore_mem>> -> memref<!tpu.dma_semaphore, #tpu.memory_space<semaphore_mem>>
    tpu.wait_indirect_dma semaphore(%dma_wait3A_813 : memref<!tpu.dma_semaphore, #tpu.memory_space<semaphore_mem>>) src(%dma_wait3A_811 : memref<100000x128xf32, #tpu.memory_space<hbm>>) dst(%arg11 : memref<64x128xf32, #tpu.memory_space<vmem>>)
    %dma_wait3A_814 = arith.constant 2 : i32
    %dma_wait3A_815 = arith.constant 0 : i32
    %dma_wait3A_816 = tpu.memref_slice %arg19[%dma_wait3A_815] : memref<2x!tpu.dma_semaphore, #tpu.memory_space<semaphore_mem>> -> memref<1x!tpu.dma_semaphore, #tpu.memory_space<semaphore_mem>>
    %dma_wait3A_817 = tpu.memref_squeeze %dma_wait3A_816 : memref<1x!tpu.dma_semaphore, #tpu.memory_space<semaphore_mem>> -> memref<!tpu.dma_semaphore, #tpu.memory_space<semaphore_mem>>
    %dma_wait3A_818 = arith.constant 0 : i32
    %dma_wait3A_819 = tpu.memref_slice %arg5[%dma_wait3A_814, %add3A_768, %dma_wait3A_818] : memref<4x8192x128xf32, #tpu.memory_space<hbm>> -> memref<1x64x128xf32, #tpu.memory_space<hbm>>
    %dma_wait3A_820 = tpu.memref_squeeze %dma_wait3A_819 : memref<1x64x128xf32, #tpu.memory_space<hbm>> -> memref<64x128xf32, #tpu.memory_space<hbm>>
    %dma_wait3A_821 = arith.constant 0 : i32
    %dma_wait3A_822 = tpu.memref_slice %arg14[%add3A_766, %dma_wait3A_821] : memref<2048x128xf32, #tpu.memory_space<vmem_shared>> -> memref<64x128xf32, #tpu.memory_space<vmem_shared>>
    tpu.wait_dma2 semaphore(%dma_wait3A_817 : memref<!tpu.dma_semaphore, #tpu.memory_space<semaphore_mem>>) src(%dma_wait3A_822 : memref<64x128xf32, #tpu.memory_space<vmem_shared>>) dst(%dma_wait3A_820 : memref<64x128xf32, #tpu.memory_space<hbm>>)
    %add3A_823 = arith.constant 0 : i32
    %add3A_824 = arith.addi %mul3A_8, %add3A_823 : i32
    %dma_start3A_825 = arith.constant 0 : i32
    %dma_start3A_826 = arith.constant 0 : i32
    %dma_start3A_827 = tpu.memref_slice %arg14[%add3A_824, %dma_start3A_826] : memref<2048x128xf32, #tpu.memory_space<vmem_shared>> -> memref<64x128xf32, #tpu.memory_space<vmem_shared>>
    %dma_start3A_828 = tpu.memref_slice %arg18[%dma_start3A_825] : memref<2x!tpu.dma_semaphore, #tpu.memory_space<semaphore_mem>> -> memref<1x!tpu.dma_semaphore, #tpu.memory_space<semaphore_mem>>
    %dma_start3A_829 = tpu.memref_squeeze %dma_start3A_828 : memref<1x!tpu.dma_semaphore, #tpu.memory_space<semaphore_mem>> -> memref<!tpu.dma_semaphore, #tpu.memory_space<semaphore_mem>>
    %dma_start3A_830 = arith.constant 0 : i32
    %dma_start3A_831 = tpu.memref_slice %arg14[%add3A_824, %dma_start3A_830] : memref<2048x128xf32, #tpu.memory_space<vmem_shared>> -> memref<64x128xf32, #tpu.memory_space<vmem_shared>>
    tpu.enqueue_dma source(%arg11 : memref<64x128xf32, #tpu.memory_space<vmem>>) target(%dma_start3A_831 : memref<64x128xf32, #tpu.memory_space<vmem_shared>>) target_semaphore(%dma_start3A_829 : memref<!tpu.dma_semaphore, #tpu.memory_space<semaphore_mem>>)
    %dma_wait3A_832 = arith.constant 1 : i32
    %dma_wait3A_833 = arith.constant 0 : i32
    %dma_wait3A_834 = tpu.memref_slice %arg14[%add3A_750, %dma_wait3A_833] : memref<2048x128xf32, #tpu.memory_space<vmem_shared>> -> memref<64x128xf32, #tpu.memory_space<vmem_shared>>
    %dma_wait3A_835 = tpu.memref_slice %arg18[%dma_wait3A_832] : memref<2x!tpu.dma_semaphore, #tpu.memory_space<semaphore_mem>> -> memref<1x!tpu.dma_semaphore, #tpu.memory_space<semaphore_mem>>
    %dma_wait3A_836 = tpu.memref_squeeze %dma_wait3A_835 : memref<1x!tpu.dma_semaphore, #tpu.memory_space<semaphore_mem>> -> memref<!tpu.dma_semaphore, #tpu.memory_space<semaphore_mem>>
    %dma_wait3A_837 = arith.constant 0 : i32
    %dma_wait3A_838 = tpu.memref_slice %arg14[%add3A_750, %dma_wait3A_837] : memref<2048x128xf32, #tpu.memory_space<vmem_shared>> -> memref<64x128xf32, #tpu.memory_space<vmem_shared>>
    tpu.wait_dma2 semaphore(%dma_wait3A_836 : memref<!tpu.dma_semaphore, #tpu.memory_space<semaphore_mem>>) src(%arg10 : memref<64x128xf32, #tpu.memory_space<vmem>>) dst(%dma_wait3A_838 : memref<64x128xf32, #tpu.memory_space<vmem_shared>>)
    %add3A_839 = arith.constant 64 : i32
    %add3A_840 = arith.addi %mul3A_8, %add3A_839 : i32
    %add3A_841 = arith.constant 64 : i32
    %add3A_842 = arith.addi %mul3A_2, %add3A_841 : i32
    %dma_start3A_843 = arith.constant 2 : i32
    %dma_start3A_844 = arith.constant 1 : i32
    %dma_start3A_845 = tpu.memref_slice %arg19[%dma_start3A_844] : memref<2x!tpu.dma_semaphore, #tpu.memory_space<semaphore_mem>> -> memref<1x!tpu.dma_semaphore, #tpu.memory_space<semaphore_mem>>
    %dma_start3A_846 = tpu.memref_squeeze %dma_start3A_845 : memref<1x!tpu.dma_semaphore, #tpu.memory_space<semaphore_mem>> -> memref<!tpu.dma_semaphore, #tpu.memory_space<semaphore_mem>>
    %dma_start3A_847 = arith.constant 0 : i32
    %dma_start3A_848 = tpu.memref_slice %arg5[%dma_start3A_843, %add3A_842, %dma_start3A_847] : memref<4x8192x128xf32, #tpu.memory_space<hbm>> -> memref<1x64x128xf32, #tpu.memory_space<hbm>>
    %dma_start3A_849 = tpu.memref_squeeze %dma_start3A_848 : memref<1x64x128xf32, #tpu.memory_space<hbm>> -> memref<64x128xf32, #tpu.memory_space<hbm>>
    %dma_start3A_850 = arith.constant 0 : i32
    %dma_start3A_851 = tpu.memref_slice %arg14[%add3A_840, %dma_start3A_850] : memref<2048x128xf32, #tpu.memory_space<vmem_shared>> -> memref<64x128xf32, #tpu.memory_space<vmem_shared>>
    tpu.enqueue_dma source(%dma_start3A_851 : memref<64x128xf32, #tpu.memory_space<vmem_shared>>) target(%dma_start3A_849 : memref<64x128xf32, #tpu.memory_space<hbm>>) target_semaphore(%dma_start3A_846 : memref<!tpu.dma_semaphore, #tpu.memory_space<semaphore_mem>>)
    %add3A_852 = arith.constant 192 : i32
    %add3A_853 = arith.addi %mul3A_4, %add3A_852 : i32
    %dma_start3A_854 = arith.constant 3 : i32
    %dma_start3A_855 = arith.constant 0 : i32
    %dma_start3A_856 = tpu.memref_slice %arg13[%add3A_853, %dma_start3A_855] : memref<4096x128xf32, #tpu.memory_space<vmem_shared>> -> memref<64x128xf32, #tpu.memory_space<vmem_shared>>
    %dma_start3A_857 = tpu.memref_slice %arg16[%dma_start3A_854] : memref<6x!tpu.dma_semaphore, #tpu.memory_space<semaphore_mem>> -> memref<1x!tpu.dma_semaphore, #tpu.memory_space<semaphore_mem>>
    %dma_start3A_858 = tpu.memref_squeeze %dma_start3A_857 : memref<1x!tpu.dma_semaphore, #tpu.memory_space<semaphore_mem>> -> memref<!tpu.dma_semaphore, #tpu.memory_space<semaphore_mem>>
    %dma_start3A_859 = arith.constant 0 : i32
    %dma_start3A_860 = tpu.memref_slice %arg13[%add3A_853, %dma_start3A_859] : memref<4096x128xf32, #tpu.memory_space<vmem_shared>> -> memref<64x128xf32, #tpu.memory_space<vmem_shared>>
    tpu.enqueue_dma source(%dma_start3A_860 : memref<64x128xf32, #tpu.memory_space<vmem_shared>>) target(%arg10 : memref<64x128xf32, #tpu.memory_space<vmem>>) target_semaphore(%dma_start3A_858 : memref<!tpu.dma_semaphore, #tpu.memory_space<semaphore_mem>>)
    %dma_wait3A_861 = arith.constant 0 : i32
    %dma_wait3A_862 = arith.constant 0 : i32
    %dma_wait3A_863 = tpu.memref_slice %arg13[%add3A_631, %dma_wait3A_862] : memref<4096x128xf32, #tpu.memory_space<vmem_shared>> -> memref<64x128xf32, #tpu.memory_space<vmem_shared>>
    %dma_wait3A_864 = tpu.memref_slice %arg16[%dma_wait3A_861] : memref<6x!tpu.dma_semaphore, #tpu.memory_space<semaphore_mem>> -> memref<1x!tpu.dma_semaphore, #tpu.memory_space<semaphore_mem>>
    %dma_wait3A_865 = tpu.memref_squeeze %dma_wait3A_864 : memref<1x!tpu.dma_semaphore, #tpu.memory_space<semaphore_mem>> -> memref<!tpu.dma_semaphore, #tpu.memory_space<semaphore_mem>>
    %dma_wait3A_866 = arith.constant 0 : i32
    %dma_wait3A_867 = tpu.memref_slice %arg13[%add3A_631, %dma_wait3A_866] : memref<4096x128xf32, #tpu.memory_space<vmem_shared>> -> memref<64x128xf32, #tpu.memory_space<vmem_shared>>
    tpu.wait_dma2 semaphore(%dma_wait3A_865 : memref<!tpu.dma_semaphore, #tpu.memory_space<semaphore_mem>>) src(%dma_wait3A_867 : memref<64x128xf32, #tpu.memory_space<vmem_shared>>) dst(%arg7 : memref<64x128xf32, #tpu.memory_space<vmem>>)
    %dma_start3A_868 = arith.constant 3 : i32
    %dma_start3A_869 = arith.constant 0 : i32
    %dma_start3A_870 = arith.constant 0 : i32
    %dma_start3A_871 = tpu.memref_slice %arg6[%dma_start3A_868, %dma_start3A_870] : memref<4x256xi32, #tpu.memory_space<vmem>> -> memref<1x64xi32, #tpu.memory_space<vmem>>
    %dma_start3A_872 = tpu.memref_squeeze %dma_start3A_871 : memref<1x64xi32, #tpu.memory_space<vmem>> -> memref<64xi32, #tpu.memory_space<vmem>>
    %dma_start3A_873 = arith.constant 0 : i32
    %dma_start3A_874 = arith.constant 0 : i32
    %dma_start3A_875 = tpu.memref_slice %arg3[%dma_start3A_873, %dma_start3A_874] : memref<100000x128xf32, #tpu.memory_space<hbm>> -> memref<100000x128xf32, #tpu.memory_space<hbm>>
    %dma_start3A_876 = tpu.memref_slice %arg17[%dma_start3A_869] : memref<6x!tpu.dma_semaphore, #tpu.memory_space<semaphore_mem>> -> memref<1x!tpu.dma_semaphore, #tpu.memory_space<semaphore_mem>>
    %dma_start3A_877 = tpu.memref_squeeze %dma_start3A_876 : memref<1x!tpu.dma_semaphore, #tpu.memory_space<semaphore_mem>> -> memref<!tpu.dma_semaphore, #tpu.memory_space<semaphore_mem>>
    tpu.enqueue_indirect_dma source(%dma_start3A_875 : memref<100000x128xf32, #tpu.memory_space<hbm>>) target(%arg7 : memref<64x128xf32, #tpu.memory_space<vmem>>) offsets(%dma_start3A_872 : memref<64xi32, #tpu.memory_space<vmem>>) semaphore(%dma_start3A_877 : memref<!tpu.dma_semaphore, #tpu.memory_space<semaphore_mem>>) {add = true}
    %dma_wait3A_878 = arith.constant 2 : i32
    %dma_wait3A_879 = arith.constant 5 : i32
    %dma_wait3A_880 = arith.constant 192 : i32
    %dma_wait3A_881 = tpu.memref_slice %arg6[%dma_wait3A_878, %dma_wait3A_880] : memref<4x256xi32, #tpu.memory_space<vmem>> -> memref<1x64xi32, #tpu.memory_space<vmem>>
    %dma_wait3A_882 = tpu.memref_squeeze %dma_wait3A_881 : memref<1x64xi32, #tpu.memory_space<vmem>> -> memref<64xi32, #tpu.memory_space<vmem>>
    %dma_wait3A_883 = arith.constant 0 : i32
    %dma_wait3A_884 = arith.constant 0 : i32
    %dma_wait3A_885 = tpu.memref_slice %arg3[%dma_wait3A_883, %dma_wait3A_884] : memref<100000x128xf32, #tpu.memory_space<hbm>> -> memref<100000x128xf32, #tpu.memory_space<hbm>>
    %dma_wait3A_886 = tpu.memref_slice %arg17[%dma_wait3A_879] : memref<6x!tpu.dma_semaphore, #tpu.memory_space<semaphore_mem>> -> memref<1x!tpu.dma_semaphore, #tpu.memory_space<semaphore_mem>>
    %dma_wait3A_887 = tpu.memref_squeeze %dma_wait3A_886 : memref<1x!tpu.dma_semaphore, #tpu.memory_space<semaphore_mem>> -> memref<!tpu.dma_semaphore, #tpu.memory_space<semaphore_mem>>
    tpu.wait_indirect_dma semaphore(%dma_wait3A_887 : memref<!tpu.dma_semaphore, #tpu.memory_space<semaphore_mem>>) src(%dma_wait3A_885 : memref<100000x128xf32, #tpu.memory_space<hbm>>) dst(%arg12 : memref<64x128xf32, #tpu.memory_space<vmem>>)
    %dma_wait3A_888 = arith.constant 2 : i32
    %dma_wait3A_889 = arith.constant 1 : i32
    %dma_wait3A_890 = tpu.memref_slice %arg19[%dma_wait3A_889] : memref<2x!tpu.dma_semaphore, #tpu.memory_space<semaphore_mem>> -> memref<1x!tpu.dma_semaphore, #tpu.memory_space<semaphore_mem>>
    %dma_wait3A_891 = tpu.memref_squeeze %dma_wait3A_890 : memref<1x!tpu.dma_semaphore, #tpu.memory_space<semaphore_mem>> -> memref<!tpu.dma_semaphore, #tpu.memory_space<semaphore_mem>>
    %dma_wait3A_892 = arith.constant 0 : i32
    %dma_wait3A_893 = tpu.memref_slice %arg5[%dma_wait3A_888, %add3A_842, %dma_wait3A_892] : memref<4x8192x128xf32, #tpu.memory_space<hbm>> -> memref<1x64x128xf32, #tpu.memory_space<hbm>>
    %dma_wait3A_894 = tpu.memref_squeeze %dma_wait3A_893 : memref<1x64x128xf32, #tpu.memory_space<hbm>> -> memref<64x128xf32, #tpu.memory_space<hbm>>
    %dma_wait3A_895 = arith.constant 0 : i32
    %dma_wait3A_896 = tpu.memref_slice %arg14[%add3A_840, %dma_wait3A_895] : memref<2048x128xf32, #tpu.memory_space<vmem_shared>> -> memref<64x128xf32, #tpu.memory_space<vmem_shared>>
    tpu.wait_dma2 semaphore(%dma_wait3A_891 : memref<!tpu.dma_semaphore, #tpu.memory_space<semaphore_mem>>) src(%dma_wait3A_896 : memref<64x128xf32, #tpu.memory_space<vmem_shared>>) dst(%dma_wait3A_894 : memref<64x128xf32, #tpu.memory_space<hbm>>)
    %add3A_897 = arith.constant 64 : i32
    %add3A_898 = arith.addi %mul3A_8, %add3A_897 : i32
    %dma_start3A_899 = arith.constant 1 : i32
    %dma_start3A_900 = arith.constant 0 : i32
    %dma_start3A_901 = tpu.memref_slice %arg14[%add3A_898, %dma_start3A_900] : memref<2048x128xf32, #tpu.memory_space<vmem_shared>> -> memref<64x128xf32, #tpu.memory_space<vmem_shared>>
    %dma_start3A_902 = tpu.memref_slice %arg18[%dma_start3A_899] : memref<2x!tpu.dma_semaphore, #tpu.memory_space<semaphore_mem>> -> memref<1x!tpu.dma_semaphore, #tpu.memory_space<semaphore_mem>>
    %dma_start3A_903 = tpu.memref_squeeze %dma_start3A_902 : memref<1x!tpu.dma_semaphore, #tpu.memory_space<semaphore_mem>> -> memref<!tpu.dma_semaphore, #tpu.memory_space<semaphore_mem>>
    %dma_start3A_904 = arith.constant 0 : i32
    %dma_start3A_905 = tpu.memref_slice %arg14[%add3A_898, %dma_start3A_904] : memref<2048x128xf32, #tpu.memory_space<vmem_shared>> -> memref<64x128xf32, #tpu.memory_space<vmem_shared>>
    tpu.enqueue_dma source(%arg12 : memref<64x128xf32, #tpu.memory_space<vmem>>) target(%dma_start3A_905 : memref<64x128xf32, #tpu.memory_space<vmem_shared>>) target_semaphore(%dma_start3A_903 : memref<!tpu.dma_semaphore, #tpu.memory_space<semaphore_mem>>)
    %dma_wait3A_906 = arith.constant 0 : i32
    %dma_wait3A_907 = arith.constant 0 : i32
    %dma_wait3A_908 = tpu.memref_slice %arg14[%add3A_824, %dma_wait3A_907] : memref<2048x128xf32, #tpu.memory_space<vmem_shared>> -> memref<64x128xf32, #tpu.memory_space<vmem_shared>>
    %dma_wait3A_909 = tpu.memref_slice %arg18[%dma_wait3A_906] : memref<2x!tpu.dma_semaphore, #tpu.memory_space<semaphore_mem>> -> memref<1x!tpu.dma_semaphore, #tpu.memory_space<semaphore_mem>>
    %dma_wait3A_910 = tpu.memref_squeeze %dma_wait3A_909 : memref<1x!tpu.dma_semaphore, #tpu.memory_space<semaphore_mem>> -> memref<!tpu.dma_semaphore, #tpu.memory_space<semaphore_mem>>
    %dma_wait3A_911 = arith.constant 0 : i32
    %dma_wait3A_912 = tpu.memref_slice %arg14[%add3A_824, %dma_wait3A_911] : memref<2048x128xf32, #tpu.memory_space<vmem_shared>> -> memref<64x128xf32, #tpu.memory_space<vmem_shared>>
    tpu.wait_dma2 semaphore(%dma_wait3A_910 : memref<!tpu.dma_semaphore, #tpu.memory_space<semaphore_mem>>) src(%arg11 : memref<64x128xf32, #tpu.memory_space<vmem>>) dst(%dma_wait3A_912 : memref<64x128xf32, #tpu.memory_space<vmem_shared>>)
    %add3A_913 = arith.constant 0 : i32
    %add3A_914 = arith.addi %mul3A_8, %add3A_913 : i32
    %add3A_915 = arith.constant 128 : i32
    %add3A_916 = arith.addi %mul3A_2, %add3A_915 : i32
    %dma_start3A_917 = arith.constant 2 : i32
    %dma_start3A_918 = arith.constant 0 : i32
    %dma_start3A_919 = tpu.memref_slice %arg19[%dma_start3A_918] : memref<2x!tpu.dma_semaphore, #tpu.memory_space<semaphore_mem>> -> memref<1x!tpu.dma_semaphore, #tpu.memory_space<semaphore_mem>>
    %dma_start3A_920 = tpu.memref_squeeze %dma_start3A_919 : memref<1x!tpu.dma_semaphore, #tpu.memory_space<semaphore_mem>> -> memref<!tpu.dma_semaphore, #tpu.memory_space<semaphore_mem>>
    %dma_start3A_921 = arith.constant 0 : i32
    %dma_start3A_922 = tpu.memref_slice %arg5[%dma_start3A_917, %add3A_916, %dma_start3A_921] : memref<4x8192x128xf32, #tpu.memory_space<hbm>> -> memref<1x64x128xf32, #tpu.memory_space<hbm>>
    %dma_start3A_923 = tpu.memref_squeeze %dma_start3A_922 : memref<1x64x128xf32, #tpu.memory_space<hbm>> -> memref<64x128xf32, #tpu.memory_space<hbm>>
    %dma_start3A_924 = arith.constant 0 : i32
    %dma_start3A_925 = tpu.memref_slice %arg14[%add3A_914, %dma_start3A_924] : memref<2048x128xf32, #tpu.memory_space<vmem_shared>> -> memref<64x128xf32, #tpu.memory_space<vmem_shared>>
    tpu.enqueue_dma source(%dma_start3A_925 : memref<64x128xf32, #tpu.memory_space<vmem_shared>>) target(%dma_start3A_923 : memref<64x128xf32, #tpu.memory_space<hbm>>) target_semaphore(%dma_start3A_920 : memref<!tpu.dma_semaphore, #tpu.memory_space<semaphore_mem>>)
    %dma_wait3A_926 = arith.constant 1 : i32
    %dma_wait3A_927 = arith.constant 0 : i32
    %dma_wait3A_928 = tpu.memref_slice %arg13[%add3A_705, %dma_wait3A_927] : memref<4096x128xf32, #tpu.memory_space<vmem_shared>> -> memref<64x128xf32, #tpu.memory_space<vmem_shared>>
    %dma_wait3A_929 = tpu.memref_slice %arg16[%dma_wait3A_926] : memref<6x!tpu.dma_semaphore, #tpu.memory_space<semaphore_mem>> -> memref<1x!tpu.dma_semaphore, #tpu.memory_space<semaphore_mem>>
    %dma_wait3A_930 = tpu.memref_squeeze %dma_wait3A_929 : memref<1x!tpu.dma_semaphore, #tpu.memory_space<semaphore_mem>> -> memref<!tpu.dma_semaphore, #tpu.memory_space<semaphore_mem>>
    %dma_wait3A_931 = arith.constant 0 : i32
    %dma_wait3A_932 = tpu.memref_slice %arg13[%add3A_705, %dma_wait3A_931] : memref<4096x128xf32, #tpu.memory_space<vmem_shared>> -> memref<64x128xf32, #tpu.memory_space<vmem_shared>>
    tpu.wait_dma2 semaphore(%dma_wait3A_930 : memref<!tpu.dma_semaphore, #tpu.memory_space<semaphore_mem>>) src(%dma_wait3A_932 : memref<64x128xf32, #tpu.memory_space<vmem_shared>>) dst(%arg8 : memref<64x128xf32, #tpu.memory_space<vmem>>)
    %dma_start3A_933 = arith.constant 3 : i32
    %dma_start3A_934 = arith.constant 1 : i32
    %dma_start3A_935 = arith.constant 64 : i32
    %dma_start3A_936 = tpu.memref_slice %arg6[%dma_start3A_933, %dma_start3A_935] : memref<4x256xi32, #tpu.memory_space<vmem>> -> memref<1x64xi32, #tpu.memory_space<vmem>>
    %dma_start3A_937 = tpu.memref_squeeze %dma_start3A_936 : memref<1x64xi32, #tpu.memory_space<vmem>> -> memref<64xi32, #tpu.memory_space<vmem>>
    %dma_start3A_938 = arith.constant 0 : i32
    %dma_start3A_939 = arith.constant 0 : i32
    %dma_start3A_940 = tpu.memref_slice %arg3[%dma_start3A_938, %dma_start3A_939] : memref<100000x128xf32, #tpu.memory_space<hbm>> -> memref<100000x128xf32, #tpu.memory_space<hbm>>
    %dma_start3A_941 = tpu.memref_slice %arg17[%dma_start3A_934] : memref<6x!tpu.dma_semaphore, #tpu.memory_space<semaphore_mem>> -> memref<1x!tpu.dma_semaphore, #tpu.memory_space<semaphore_mem>>
    %dma_start3A_942 = tpu.memref_squeeze %dma_start3A_941 : memref<1x!tpu.dma_semaphore, #tpu.memory_space<semaphore_mem>> -> memref<!tpu.dma_semaphore, #tpu.memory_space<semaphore_mem>>
    tpu.enqueue_indirect_dma source(%dma_start3A_940 : memref<100000x128xf32, #tpu.memory_space<hbm>>) target(%arg8 : memref<64x128xf32, #tpu.memory_space<vmem>>) offsets(%dma_start3A_937 : memref<64xi32, #tpu.memory_space<vmem>>) semaphore(%dma_start3A_942 : memref<!tpu.dma_semaphore, #tpu.memory_space<semaphore_mem>>) {add = true}
    %dma_wait3A_943 = arith.constant 3 : i32
    %dma_wait3A_944 = arith.constant 0 : i32
    %dma_wait3A_945 = arith.constant 0 : i32
    %dma_wait3A_946 = tpu.memref_slice %arg6[%dma_wait3A_943, %dma_wait3A_945] : memref<4x256xi32, #tpu.memory_space<vmem>> -> memref<1x64xi32, #tpu.memory_space<vmem>>
    %dma_wait3A_947 = tpu.memref_squeeze %dma_wait3A_946 : memref<1x64xi32, #tpu.memory_space<vmem>> -> memref<64xi32, #tpu.memory_space<vmem>>
    %dma_wait3A_948 = arith.constant 0 : i32
    %dma_wait3A_949 = arith.constant 0 : i32
    %dma_wait3A_950 = tpu.memref_slice %arg3[%dma_wait3A_948, %dma_wait3A_949] : memref<100000x128xf32, #tpu.memory_space<hbm>> -> memref<100000x128xf32, #tpu.memory_space<hbm>>
    %dma_wait3A_951 = tpu.memref_slice %arg17[%dma_wait3A_944] : memref<6x!tpu.dma_semaphore, #tpu.memory_space<semaphore_mem>> -> memref<1x!tpu.dma_semaphore, #tpu.memory_space<semaphore_mem>>
    %dma_wait3A_952 = tpu.memref_squeeze %dma_wait3A_951 : memref<1x!tpu.dma_semaphore, #tpu.memory_space<semaphore_mem>> -> memref<!tpu.dma_semaphore, #tpu.memory_space<semaphore_mem>>
    tpu.wait_indirect_dma semaphore(%dma_wait3A_952 : memref<!tpu.dma_semaphore, #tpu.memory_space<semaphore_mem>>) src(%dma_wait3A_950 : memref<100000x128xf32, #tpu.memory_space<hbm>>) dst(%arg7 : memref<64x128xf32, #tpu.memory_space<vmem>>)
    %dma_wait3A_953 = arith.constant 2 : i32
    %dma_wait3A_954 = arith.constant 0 : i32
    %dma_wait3A_955 = tpu.memref_slice %arg19[%dma_wait3A_954] : memref<2x!tpu.dma_semaphore, #tpu.memory_space<semaphore_mem>> -> memref<1x!tpu.dma_semaphore, #tpu.memory_space<semaphore_mem>>
    %dma_wait3A_956 = tpu.memref_squeeze %dma_wait3A_955 : memref<1x!tpu.dma_semaphore, #tpu.memory_space<semaphore_mem>> -> memref<!tpu.dma_semaphore, #tpu.memory_space<semaphore_mem>>
    %dma_wait3A_957 = arith.constant 0 : i32
    %dma_wait3A_958 = tpu.memref_slice %arg5[%dma_wait3A_953, %add3A_916, %dma_wait3A_957] : memref<4x8192x128xf32, #tpu.memory_space<hbm>> -> memref<1x64x128xf32, #tpu.memory_space<hbm>>
    %dma_wait3A_959 = tpu.memref_squeeze %dma_wait3A_958 : memref<1x64x128xf32, #tpu.memory_space<hbm>> -> memref<64x128xf32, #tpu.memory_space<hbm>>
    %dma_wait3A_960 = arith.constant 0 : i32
    %dma_wait3A_961 = tpu.memref_slice %arg14[%add3A_914, %dma_wait3A_960] : memref<2048x128xf32, #tpu.memory_space<vmem_shared>> -> memref<64x128xf32, #tpu.memory_space<vmem_shared>>
    tpu.wait_dma2 semaphore(%dma_wait3A_956 : memref<!tpu.dma_semaphore, #tpu.memory_space<semaphore_mem>>) src(%dma_wait3A_961 : memref<64x128xf32, #tpu.memory_space<vmem_shared>>) dst(%dma_wait3A_959 : memref<64x128xf32, #tpu.memory_space<hbm>>)
    %add3A_962 = arith.constant 0 : i32
    %add3A_963 = arith.addi %mul3A_8, %add3A_962 : i32
    %dma_start3A_964 = arith.constant 0 : i32
    %dma_start3A_965 = arith.constant 0 : i32
    %dma_start3A_966 = tpu.memref_slice %arg14[%add3A_963, %dma_start3A_965] : memref<2048x128xf32, #tpu.memory_space<vmem_shared>> -> memref<64x128xf32, #tpu.memory_space<vmem_shared>>
    %dma_start3A_967 = tpu.memref_slice %arg18[%dma_start3A_964] : memref<2x!tpu.dma_semaphore, #tpu.memory_space<semaphore_mem>> -> memref<1x!tpu.dma_semaphore, #tpu.memory_space<semaphore_mem>>
    %dma_start3A_968 = tpu.memref_squeeze %dma_start3A_967 : memref<1x!tpu.dma_semaphore, #tpu.memory_space<semaphore_mem>> -> memref<!tpu.dma_semaphore, #tpu.memory_space<semaphore_mem>>
    %dma_start3A_969 = arith.constant 0 : i32
    %dma_start3A_970 = tpu.memref_slice %arg14[%add3A_963, %dma_start3A_969] : memref<2048x128xf32, #tpu.memory_space<vmem_shared>> -> memref<64x128xf32, #tpu.memory_space<vmem_shared>>
    tpu.enqueue_dma source(%arg7 : memref<64x128xf32, #tpu.memory_space<vmem>>) target(%dma_start3A_970 : memref<64x128xf32, #tpu.memory_space<vmem_shared>>) target_semaphore(%dma_start3A_968 : memref<!tpu.dma_semaphore, #tpu.memory_space<semaphore_mem>>)
    %dma_wait3A_971 = arith.constant 1 : i32
    %dma_wait3A_972 = arith.constant 0 : i32
    %dma_wait3A_973 = tpu.memref_slice %arg14[%add3A_898, %dma_wait3A_972] : memref<2048x128xf32, #tpu.memory_space<vmem_shared>> -> memref<64x128xf32, #tpu.memory_space<vmem_shared>>
    %dma_wait3A_974 = tpu.memref_slice %arg18[%dma_wait3A_971] : memref<2x!tpu.dma_semaphore, #tpu.memory_space<semaphore_mem>> -> memref<1x!tpu.dma_semaphore, #tpu.memory_space<semaphore_mem>>
    %dma_wait3A_975 = tpu.memref_squeeze %dma_wait3A_974 : memref<1x!tpu.dma_semaphore, #tpu.memory_space<semaphore_mem>> -> memref<!tpu.dma_semaphore, #tpu.memory_space<semaphore_mem>>
    %dma_wait3A_976 = arith.constant 0 : i32
    %dma_wait3A_977 = tpu.memref_slice %arg14[%add3A_898, %dma_wait3A_976] : memref<2048x128xf32, #tpu.memory_space<vmem_shared>> -> memref<64x128xf32, #tpu.memory_space<vmem_shared>>
    tpu.wait_dma2 semaphore(%dma_wait3A_975 : memref<!tpu.dma_semaphore, #tpu.memory_space<semaphore_mem>>) src(%arg12 : memref<64x128xf32, #tpu.memory_space<vmem>>) dst(%dma_wait3A_977 : memref<64x128xf32, #tpu.memory_space<vmem_shared>>)
    %add3A_978 = arith.constant 64 : i32
    %add3A_979 = arith.addi %mul3A_8, %add3A_978 : i32
    %add3A_980 = arith.constant 192 : i32
    %add3A_981 = arith.addi %mul3A_2, %add3A_980 : i32
    %dma_start3A_982 = arith.constant 2 : i32
    %dma_start3A_983 = arith.constant 1 : i32
    %dma_start3A_984 = tpu.memref_slice %arg19[%dma_start3A_983] : memref<2x!tpu.dma_semaphore, #tpu.memory_space<semaphore_mem>> -> memref<1x!tpu.dma_semaphore, #tpu.memory_space<semaphore_mem>>
    %dma_start3A_985 = tpu.memref_squeeze %dma_start3A_984 : memref<1x!tpu.dma_semaphore, #tpu.memory_space<semaphore_mem>> -> memref<!tpu.dma_semaphore, #tpu.memory_space<semaphore_mem>>
    %dma_start3A_986 = arith.constant 0 : i32
    %dma_start3A_987 = tpu.memref_slice %arg5[%dma_start3A_982, %add3A_981, %dma_start3A_986] : memref<4x8192x128xf32, #tpu.memory_space<hbm>> -> memref<1x64x128xf32, #tpu.memory_space<hbm>>
    %dma_start3A_988 = tpu.memref_squeeze %dma_start3A_987 : memref<1x64x128xf32, #tpu.memory_space<hbm>> -> memref<64x128xf32, #tpu.memory_space<hbm>>
    %dma_start3A_989 = arith.constant 0 : i32
    %dma_start3A_990 = tpu.memref_slice %arg14[%add3A_979, %dma_start3A_989] : memref<2048x128xf32, #tpu.memory_space<vmem_shared>> -> memref<64x128xf32, #tpu.memory_space<vmem_shared>>
    tpu.enqueue_dma source(%dma_start3A_990 : memref<64x128xf32, #tpu.memory_space<vmem_shared>>) target(%dma_start3A_988 : memref<64x128xf32, #tpu.memory_space<hbm>>) target_semaphore(%dma_start3A_985 : memref<!tpu.dma_semaphore, #tpu.memory_space<semaphore_mem>>)
    %dma_wait3A_991 = arith.constant 2 : i32
    %dma_wait3A_992 = arith.constant 0 : i32
    %dma_wait3A_993 = tpu.memref_slice %arg13[%add3A_779, %dma_wait3A_992] : memref<4096x128xf32, #tpu.memory_space<vmem_shared>> -> memref<64x128xf32, #tpu.memory_space<vmem_shared>>
    %dma_wait3A_994 = tpu.memref_slice %arg16[%dma_wait3A_991] : memref<6x!tpu.dma_semaphore, #tpu.memory_space<semaphore_mem>> -> memref<1x!tpu.dma_semaphore, #tpu.memory_space<semaphore_mem>>
    %dma_wait3A_995 = tpu.memref_squeeze %dma_wait3A_994 : memref<1x!tpu.dma_semaphore, #tpu.memory_space<semaphore_mem>> -> memref<!tpu.dma_semaphore, #tpu.memory_space<semaphore_mem>>
    %dma_wait3A_996 = arith.constant 0 : i32
    %dma_wait3A_997 = tpu.memref_slice %arg13[%add3A_779, %dma_wait3A_996] : memref<4096x128xf32, #tpu.memory_space<vmem_shared>> -> memref<64x128xf32, #tpu.memory_space<vmem_shared>>
    tpu.wait_dma2 semaphore(%dma_wait3A_995 : memref<!tpu.dma_semaphore, #tpu.memory_space<semaphore_mem>>) src(%dma_wait3A_997 : memref<64x128xf32, #tpu.memory_space<vmem_shared>>) dst(%arg9 : memref<64x128xf32, #tpu.memory_space<vmem>>)
    %dma_start3A_998 = arith.constant 3 : i32
    %dma_start3A_999 = arith.constant 2 : i32
    %dma_start3A_1000 = arith.constant 128 : i32
    %dma_start3A_1001 = tpu.memref_slice %arg6[%dma_start3A_998, %dma_start3A_1000] : memref<4x256xi32, #tpu.memory_space<vmem>> -> memref<1x64xi32, #tpu.memory_space<vmem>>
    %dma_start3A_1002 = tpu.memref_squeeze %dma_start3A_1001 : memref<1x64xi32, #tpu.memory_space<vmem>> -> memref<64xi32, #tpu.memory_space<vmem>>
    %dma_start3A_1003 = arith.constant 0 : i32
    %dma_start3A_1004 = arith.constant 0 : i32
    %dma_start3A_1005 = tpu.memref_slice %arg3[%dma_start3A_1003, %dma_start3A_1004] : memref<100000x128xf32, #tpu.memory_space<hbm>> -> memref<100000x128xf32, #tpu.memory_space<hbm>>
    %dma_start3A_1006 = tpu.memref_slice %arg17[%dma_start3A_999] : memref<6x!tpu.dma_semaphore, #tpu.memory_space<semaphore_mem>> -> memref<1x!tpu.dma_semaphore, #tpu.memory_space<semaphore_mem>>
    %dma_start3A_1007 = tpu.memref_squeeze %dma_start3A_1006 : memref<1x!tpu.dma_semaphore, #tpu.memory_space<semaphore_mem>> -> memref<!tpu.dma_semaphore, #tpu.memory_space<semaphore_mem>>
    tpu.enqueue_indirect_dma source(%dma_start3A_1005 : memref<100000x128xf32, #tpu.memory_space<hbm>>) target(%arg9 : memref<64x128xf32, #tpu.memory_space<vmem>>) offsets(%dma_start3A_1002 : memref<64xi32, #tpu.memory_space<vmem>>) semaphore(%dma_start3A_1007 : memref<!tpu.dma_semaphore, #tpu.memory_space<semaphore_mem>>) {add = true}
    %dma_wait3A_1008 = arith.constant 3 : i32
    %dma_wait3A_1009 = arith.constant 1 : i32
    %dma_wait3A_1010 = arith.constant 64 : i32
    %dma_wait3A_1011 = tpu.memref_slice %arg6[%dma_wait3A_1008, %dma_wait3A_1010] : memref<4x256xi32, #tpu.memory_space<vmem>> -> memref<1x64xi32, #tpu.memory_space<vmem>>
    %dma_wait3A_1012 = tpu.memref_squeeze %dma_wait3A_1011 : memref<1x64xi32, #tpu.memory_space<vmem>> -> memref<64xi32, #tpu.memory_space<vmem>>
    %dma_wait3A_1013 = arith.constant 0 : i32
    %dma_wait3A_1014 = arith.constant 0 : i32
    %dma_wait3A_1015 = tpu.memref_slice %arg3[%dma_wait3A_1013, %dma_wait3A_1014] : memref<100000x128xf32, #tpu.memory_space<hbm>> -> memref<100000x128xf32, #tpu.memory_space<hbm>>
    %dma_wait3A_1016 = tpu.memref_slice %arg17[%dma_wait3A_1009] : memref<6x!tpu.dma_semaphore, #tpu.memory_space<semaphore_mem>> -> memref<1x!tpu.dma_semaphore, #tpu.memory_space<semaphore_mem>>
    %dma_wait3A_1017 = tpu.memref_squeeze %dma_wait3A_1016 : memref<1x!tpu.dma_semaphore, #tpu.memory_space<semaphore_mem>> -> memref<!tpu.dma_semaphore, #tpu.memory_space<semaphore_mem>>
    tpu.wait_indirect_dma semaphore(%dma_wait3A_1017 : memref<!tpu.dma_semaphore, #tpu.memory_space<semaphore_mem>>) src(%dma_wait3A_1015 : memref<100000x128xf32, #tpu.memory_space<hbm>>) dst(%arg8 : memref<64x128xf32, #tpu.memory_space<vmem>>)
    %dma_wait3A_1018 = arith.constant 2 : i32
    %dma_wait3A_1019 = arith.constant 1 : i32
    %dma_wait3A_1020 = tpu.memref_slice %arg19[%dma_wait3A_1019] : memref<2x!tpu.dma_semaphore, #tpu.memory_space<semaphore_mem>> -> memref<1x!tpu.dma_semaphore, #tpu.memory_space<semaphore_mem>>
    %dma_wait3A_1021 = tpu.memref_squeeze %dma_wait3A_1020 : memref<1x!tpu.dma_semaphore, #tpu.memory_space<semaphore_mem>> -> memref<!tpu.dma_semaphore, #tpu.memory_space<semaphore_mem>>
    %dma_wait3A_1022 = arith.constant 0 : i32
    %dma_wait3A_1023 = tpu.memref_slice %arg5[%dma_wait3A_1018, %add3A_981, %dma_wait3A_1022] : memref<4x8192x128xf32, #tpu.memory_space<hbm>> -> memref<1x64x128xf32, #tpu.memory_space<hbm>>
    %dma_wait3A_1024 = tpu.memref_squeeze %dma_wait3A_1023 : memref<1x64x128xf32, #tpu.memory_space<hbm>> -> memref<64x128xf32, #tpu.memory_space<hbm>>
    %dma_wait3A_1025 = arith.constant 0 : i32
    %dma_wait3A_1026 = tpu.memref_slice %arg14[%add3A_979, %dma_wait3A_1025] : memref<2048x128xf32, #tpu.memory_space<vmem_shared>> -> memref<64x128xf32, #tpu.memory_space<vmem_shared>>
    tpu.wait_dma2 semaphore(%dma_wait3A_1021 : memref<!tpu.dma_semaphore, #tpu.memory_space<semaphore_mem>>) src(%dma_wait3A_1026 : memref<64x128xf32, #tpu.memory_space<vmem_shared>>) dst(%dma_wait3A_1024 : memref<64x128xf32, #tpu.memory_space<hbm>>)
    %add3A_1027 = arith.constant 64 : i32
    %add3A_1028 = arith.addi %mul3A_8, %add3A_1027 : i32
    %dma_start3A_1029 = arith.constant 1 : i32
    %dma_start3A_1030 = arith.constant 0 : i32
    %dma_start3A_1031 = tpu.memref_slice %arg14[%add3A_1028, %dma_start3A_1030] : memref<2048x128xf32, #tpu.memory_space<vmem_shared>> -> memref<64x128xf32, #tpu.memory_space<vmem_shared>>
    %dma_start3A_1032 = tpu.memref_slice %arg18[%dma_start3A_1029] : memref<2x!tpu.dma_semaphore, #tpu.memory_space<semaphore_mem>> -> memref<1x!tpu.dma_semaphore, #tpu.memory_space<semaphore_mem>>
    %dma_start3A_1033 = tpu.memref_squeeze %dma_start3A_1032 : memref<1x!tpu.dma_semaphore, #tpu.memory_space<semaphore_mem>> -> memref<!tpu.dma_semaphore, #tpu.memory_space<semaphore_mem>>
    %dma_start3A_1034 = arith.constant 0 : i32
    %dma_start3A_1035 = tpu.memref_slice %arg14[%add3A_1028, %dma_start3A_1034] : memref<2048x128xf32, #tpu.memory_space<vmem_shared>> -> memref<64x128xf32, #tpu.memory_space<vmem_shared>>
    tpu.enqueue_dma source(%arg8 : memref<64x128xf32, #tpu.memory_space<vmem>>) target(%dma_start3A_1035 : memref<64x128xf32, #tpu.memory_space<vmem_shared>>) target_semaphore(%dma_start3A_1033 : memref<!tpu.dma_semaphore, #tpu.memory_space<semaphore_mem>>)
    %dma_wait3A_1036 = arith.constant 0 : i32
    %dma_wait3A_1037 = arith.constant 0 : i32
    %dma_wait3A_1038 = tpu.memref_slice %arg14[%add3A_963, %dma_wait3A_1037] : memref<2048x128xf32, #tpu.memory_space<vmem_shared>> -> memref<64x128xf32, #tpu.memory_space<vmem_shared>>
    %dma_wait3A_1039 = tpu.memref_slice %arg18[%dma_wait3A_1036] : memref<2x!tpu.dma_semaphore, #tpu.memory_space<semaphore_mem>> -> memref<1x!tpu.dma_semaphore, #tpu.memory_space<semaphore_mem>>
    %dma_wait3A_1040 = tpu.memref_squeeze %dma_wait3A_1039 : memref<1x!tpu.dma_semaphore, #tpu.memory_space<semaphore_mem>> -> memref<!tpu.dma_semaphore, #tpu.memory_space<semaphore_mem>>
    %dma_wait3A_1041 = arith.constant 0 : i32
    %dma_wait3A_1042 = tpu.memref_slice %arg14[%add3A_963, %dma_wait3A_1041] : memref<2048x128xf32, #tpu.memory_space<vmem_shared>> -> memref<64x128xf32, #tpu.memory_space<vmem_shared>>
    tpu.wait_dma2 semaphore(%dma_wait3A_1040 : memref<!tpu.dma_semaphore, #tpu.memory_space<semaphore_mem>>) src(%arg7 : memref<64x128xf32, #tpu.memory_space<vmem>>) dst(%dma_wait3A_1042 : memref<64x128xf32, #tpu.memory_space<vmem_shared>>)
    %add3A_1043 = arith.constant 0 : i32
    %add3A_1044 = arith.addi %mul3A_8, %add3A_1043 : i32
    %add3A_1045 = arith.constant 0 : i32
    %add3A_1046 = arith.addi %mul3A_2, %add3A_1045 : i32
    %dma_start3A_1047 = arith.constant 3 : i32
    %dma_start3A_1048 = arith.constant 0 : i32
    %dma_start3A_1049 = tpu.memref_slice %arg19[%dma_start3A_1048] : memref<2x!tpu.dma_semaphore, #tpu.memory_space<semaphore_mem>> -> memref<1x!tpu.dma_semaphore, #tpu.memory_space<semaphore_mem>>
    %dma_start3A_1050 = tpu.memref_squeeze %dma_start3A_1049 : memref<1x!tpu.dma_semaphore, #tpu.memory_space<semaphore_mem>> -> memref<!tpu.dma_semaphore, #tpu.memory_space<semaphore_mem>>
    %dma_start3A_1051 = arith.constant 0 : i32
    %dma_start3A_1052 = tpu.memref_slice %arg5[%dma_start3A_1047, %add3A_1046, %dma_start3A_1051] : memref<4x8192x128xf32, #tpu.memory_space<hbm>> -> memref<1x64x128xf32, #tpu.memory_space<hbm>>
    %dma_start3A_1053 = tpu.memref_squeeze %dma_start3A_1052 : memref<1x64x128xf32, #tpu.memory_space<hbm>> -> memref<64x128xf32, #tpu.memory_space<hbm>>
    %dma_start3A_1054 = arith.constant 0 : i32
    %dma_start3A_1055 = tpu.memref_slice %arg14[%add3A_1044, %dma_start3A_1054] : memref<2048x128xf32, #tpu.memory_space<vmem_shared>> -> memref<64x128xf32, #tpu.memory_space<vmem_shared>>
    tpu.enqueue_dma source(%dma_start3A_1055 : memref<64x128xf32, #tpu.memory_space<vmem_shared>>) target(%dma_start3A_1053 : memref<64x128xf32, #tpu.memory_space<hbm>>) target_semaphore(%dma_start3A_1050 : memref<!tpu.dma_semaphore, #tpu.memory_space<semaphore_mem>>)
    %dma_wait3A_1056 = arith.constant 3 : i32
    %dma_wait3A_1057 = arith.constant 0 : i32
    %dma_wait3A_1058 = tpu.memref_slice %arg13[%add3A_853, %dma_wait3A_1057] : memref<4096x128xf32, #tpu.memory_space<vmem_shared>> -> memref<64x128xf32, #tpu.memory_space<vmem_shared>>
    %dma_wait3A_1059 = tpu.memref_slice %arg16[%dma_wait3A_1056] : memref<6x!tpu.dma_semaphore, #tpu.memory_space<semaphore_mem>> -> memref<1x!tpu.dma_semaphore, #tpu.memory_space<semaphore_mem>>
    %dma_wait3A_1060 = tpu.memref_squeeze %dma_wait3A_1059 : memref<1x!tpu.dma_semaphore, #tpu.memory_space<semaphore_mem>> -> memref<!tpu.dma_semaphore, #tpu.memory_space<semaphore_mem>>
    %dma_wait3A_1061 = arith.constant 0 : i32
    %dma_wait3A_1062 = tpu.memref_slice %arg13[%add3A_853, %dma_wait3A_1061] : memref<4096x128xf32, #tpu.memory_space<vmem_shared>> -> memref<64x128xf32, #tpu.memory_space<vmem_shared>>
    tpu.wait_dma2 semaphore(%dma_wait3A_1060 : memref<!tpu.dma_semaphore, #tpu.memory_space<semaphore_mem>>) src(%dma_wait3A_1062 : memref<64x128xf32, #tpu.memory_space<vmem_shared>>) dst(%arg10 : memref<64x128xf32, #tpu.memory_space<vmem>>)
    %dma_start3A_1063 = arith.constant 3 : i32
    %dma_start3A_1064 = arith.constant 3 : i32
    %dma_start3A_1065 = arith.constant 192 : i32
    %dma_start3A_1066 = tpu.memref_slice %arg6[%dma_start3A_1063, %dma_start3A_1065] : memref<4x256xi32, #tpu.memory_space<vmem>> -> memref<1x64xi32, #tpu.memory_space<vmem>>
    %dma_start3A_1067 = tpu.memref_squeeze %dma_start3A_1066 : memref<1x64xi32, #tpu.memory_space<vmem>> -> memref<64xi32, #tpu.memory_space<vmem>>
    %dma_start3A_1068 = arith.constant 0 : i32
    %dma_start3A_1069 = arith.constant 0 : i32
    %dma_start3A_1070 = tpu.memref_slice %arg3[%dma_start3A_1068, %dma_start3A_1069] : memref<100000x128xf32, #tpu.memory_space<hbm>> -> memref<100000x128xf32, #tpu.memory_space<hbm>>
    %dma_start3A_1071 = tpu.memref_slice %arg17[%dma_start3A_1064] : memref<6x!tpu.dma_semaphore, #tpu.memory_space<semaphore_mem>> -> memref<1x!tpu.dma_semaphore, #tpu.memory_space<semaphore_mem>>
    %dma_start3A_1072 = tpu.memref_squeeze %dma_start3A_1071 : memref<1x!tpu.dma_semaphore, #tpu.memory_space<semaphore_mem>> -> memref<!tpu.dma_semaphore, #tpu.memory_space<semaphore_mem>>
    tpu.enqueue_indirect_dma source(%dma_start3A_1070 : memref<100000x128xf32, #tpu.memory_space<hbm>>) target(%arg10 : memref<64x128xf32, #tpu.memory_space<vmem>>) offsets(%dma_start3A_1067 : memref<64xi32, #tpu.memory_space<vmem>>) semaphore(%dma_start3A_1072 : memref<!tpu.dma_semaphore, #tpu.memory_space<semaphore_mem>>) {add = true}
    %dma_wait3A_1073 = arith.constant 3 : i32
    %dma_wait3A_1074 = arith.constant 2 : i32
    %dma_wait3A_1075 = arith.constant 128 : i32
    %dma_wait3A_1076 = tpu.memref_slice %arg6[%dma_wait3A_1073, %dma_wait3A_1075] : memref<4x256xi32, #tpu.memory_space<vmem>> -> memref<1x64xi32, #tpu.memory_space<vmem>>
    %dma_wait3A_1077 = tpu.memref_squeeze %dma_wait3A_1076 : memref<1x64xi32, #tpu.memory_space<vmem>> -> memref<64xi32, #tpu.memory_space<vmem>>
    %dma_wait3A_1078 = arith.constant 0 : i32
    %dma_wait3A_1079 = arith.constant 0 : i32
    %dma_wait3A_1080 = tpu.memref_slice %arg3[%dma_wait3A_1078, %dma_wait3A_1079] : memref<100000x128xf32, #tpu.memory_space<hbm>> -> memref<100000x128xf32, #tpu.memory_space<hbm>>
    %dma_wait3A_1081 = tpu.memref_slice %arg17[%dma_wait3A_1074] : memref<6x!tpu.dma_semaphore, #tpu.memory_space<semaphore_mem>> -> memref<1x!tpu.dma_semaphore, #tpu.memory_space<semaphore_mem>>
    %dma_wait3A_1082 = tpu.memref_squeeze %dma_wait3A_1081 : memref<1x!tpu.dma_semaphore, #tpu.memory_space<semaphore_mem>> -> memref<!tpu.dma_semaphore, #tpu.memory_space<semaphore_mem>>
    tpu.wait_indirect_dma semaphore(%dma_wait3A_1082 : memref<!tpu.dma_semaphore, #tpu.memory_space<semaphore_mem>>) src(%dma_wait3A_1080 : memref<100000x128xf32, #tpu.memory_space<hbm>>) dst(%arg9 : memref<64x128xf32, #tpu.memory_space<vmem>>)
    %dma_wait3A_1083 = arith.constant 3 : i32
    %dma_wait3A_1084 = arith.constant 0 : i32
    %dma_wait3A_1085 = tpu.memref_slice %arg19[%dma_wait3A_1084] : memref<2x!tpu.dma_semaphore, #tpu.memory_space<semaphore_mem>> -> memref<1x!tpu.dma_semaphore, #tpu.memory_space<semaphore_mem>>
    %dma_wait3A_1086 = tpu.memref_squeeze %dma_wait3A_1085 : memref<1x!tpu.dma_semaphore, #tpu.memory_space<semaphore_mem>> -> memref<!tpu.dma_semaphore, #tpu.memory_space<semaphore_mem>>
    %dma_wait3A_1087 = arith.constant 0 : i32
    %dma_wait3A_1088 = tpu.memref_slice %arg5[%dma_wait3A_1083, %add3A_1046, %dma_wait3A_1087] : memref<4x8192x128xf32, #tpu.memory_space<hbm>> -> memref<1x64x128xf32, #tpu.memory_space<hbm>>
    %dma_wait3A_1089 = tpu.memref_squeeze %dma_wait3A_1088 : memref<1x64x128xf32, #tpu.memory_space<hbm>> -> memref<64x128xf32, #tpu.memory_space<hbm>>
    %dma_wait3A_1090 = arith.constant 0 : i32
    %dma_wait3A_1091 = tpu.memref_slice %arg14[%add3A_1044, %dma_wait3A_1090] : memref<2048x128xf32, #tpu.memory_space<vmem_shared>> -> memref<64x128xf32, #tpu.memory_space<vmem_shared>>
    tpu.wait_dma2 semaphore(%dma_wait3A_1086 : memref<!tpu.dma_semaphore, #tpu.memory_space<semaphore_mem>>) src(%dma_wait3A_1091 : memref<64x128xf32, #tpu.memory_space<vmem_shared>>) dst(%dma_wait3A_1089 : memref<64x128xf32, #tpu.memory_space<hbm>>)
    %add3A_1092 = arith.constant 0 : i32
    %add3A_1093 = arith.addi %mul3A_8, %add3A_1092 : i32
    %dma_start3A_1094 = arith.constant 0 : i32
    %dma_start3A_1095 = arith.constant 0 : i32
    %dma_start3A_1096 = tpu.memref_slice %arg14[%add3A_1093, %dma_start3A_1095] : memref<2048x128xf32, #tpu.memory_space<vmem_shared>> -> memref<64x128xf32, #tpu.memory_space<vmem_shared>>
    %dma_start3A_1097 = tpu.memref_slice %arg18[%dma_start3A_1094] : memref<2x!tpu.dma_semaphore, #tpu.memory_space<semaphore_mem>> -> memref<1x!tpu.dma_semaphore, #tpu.memory_space<semaphore_mem>>
    %dma_start3A_1098 = tpu.memref_squeeze %dma_start3A_1097 : memref<1x!tpu.dma_semaphore, #tpu.memory_space<semaphore_mem>> -> memref<!tpu.dma_semaphore, #tpu.memory_space<semaphore_mem>>
    %dma_start3A_1099 = arith.constant 0 : i32
    %dma_start3A_1100 = tpu.memref_slice %arg14[%add3A_1093, %dma_start3A_1099] : memref<2048x128xf32, #tpu.memory_space<vmem_shared>> -> memref<64x128xf32, #tpu.memory_space<vmem_shared>>
    tpu.enqueue_dma source(%arg9 : memref<64x128xf32, #tpu.memory_space<vmem>>) target(%dma_start3A_1100 : memref<64x128xf32, #tpu.memory_space<vmem_shared>>) target_semaphore(%dma_start3A_1098 : memref<!tpu.dma_semaphore, #tpu.memory_space<semaphore_mem>>)
    %dma_wait3A_1101 = arith.constant 1 : i32
    %dma_wait3A_1102 = arith.constant 0 : i32
    %dma_wait3A_1103 = tpu.memref_slice %arg14[%add3A_1028, %dma_wait3A_1102] : memref<2048x128xf32, #tpu.memory_space<vmem_shared>> -> memref<64x128xf32, #tpu.memory_space<vmem_shared>>
    %dma_wait3A_1104 = tpu.memref_slice %arg18[%dma_wait3A_1101] : memref<2x!tpu.dma_semaphore, #tpu.memory_space<semaphore_mem>> -> memref<1x!tpu.dma_semaphore, #tpu.memory_space<semaphore_mem>>
    %dma_wait3A_1105 = tpu.memref_squeeze %dma_wait3A_1104 : memref<1x!tpu.dma_semaphore, #tpu.memory_space<semaphore_mem>> -> memref<!tpu.dma_semaphore, #tpu.memory_space<semaphore_mem>>
    %dma_wait3A_1106 = arith.constant 0 : i32
    %dma_wait3A_1107 = tpu.memref_slice %arg14[%add3A_1028, %dma_wait3A_1106] : memref<2048x128xf32, #tpu.memory_space<vmem_shared>> -> memref<64x128xf32, #tpu.memory_space<vmem_shared>>
    tpu.wait_dma2 semaphore(%dma_wait3A_1105 : memref<!tpu.dma_semaphore, #tpu.memory_space<semaphore_mem>>) src(%arg8 : memref<64x128xf32, #tpu.memory_space<vmem>>) dst(%dma_wait3A_1107 : memref<64x128xf32, #tpu.memory_space<vmem_shared>>)
    %add3A_1108 = arith.constant 64 : i32
    %add3A_1109 = arith.addi %mul3A_8, %add3A_1108 : i32
    %add3A_1110 = arith.constant 64 : i32
    %add3A_1111 = arith.addi %mul3A_2, %add3A_1110 : i32
    %dma_start3A_1112 = arith.constant 3 : i32
    %dma_start3A_1113 = arith.constant 1 : i32
    %dma_start3A_1114 = tpu.memref_slice %arg19[%dma_start3A_1113] : memref<2x!tpu.dma_semaphore, #tpu.memory_space<semaphore_mem>> -> memref<1x!tpu.dma_semaphore, #tpu.memory_space<semaphore_mem>>
    %dma_start3A_1115 = tpu.memref_squeeze %dma_start3A_1114 : memref<1x!tpu.dma_semaphore, #tpu.memory_space<semaphore_mem>> -> memref<!tpu.dma_semaphore, #tpu.memory_space<semaphore_mem>>
    %dma_start3A_1116 = arith.constant 0 : i32
    %dma_start3A_1117 = tpu.memref_slice %arg5[%dma_start3A_1112, %add3A_1111, %dma_start3A_1116] : memref<4x8192x128xf32, #tpu.memory_space<hbm>> -> memref<1x64x128xf32, #tpu.memory_space<hbm>>
    %dma_start3A_1118 = tpu.memref_squeeze %dma_start3A_1117 : memref<1x64x128xf32, #tpu.memory_space<hbm>> -> memref<64x128xf32, #tpu.memory_space<hbm>>
    %dma_start3A_1119 = arith.constant 0 : i32
    %dma_start3A_1120 = tpu.memref_slice %arg14[%add3A_1109, %dma_start3A_1119] : memref<2048x128xf32, #tpu.memory_space<vmem_shared>> -> memref<64x128xf32, #tpu.memory_space<vmem_shared>>
    tpu.enqueue_dma source(%dma_start3A_1120 : memref<64x128xf32, #tpu.memory_space<vmem_shared>>) target(%dma_start3A_1118 : memref<64x128xf32, #tpu.memory_space<hbm>>) target_semaphore(%dma_start3A_1115 : memref<!tpu.dma_semaphore, #tpu.memory_space<semaphore_mem>>)
    %dma_wait3A_1121 = arith.constant 3 : i32
    %dma_wait3A_1122 = arith.constant 3 : i32
    %dma_wait3A_1123 = arith.constant 192 : i32
    %dma_wait3A_1124 = tpu.memref_slice %arg6[%dma_wait3A_1121, %dma_wait3A_1123] : memref<4x256xi32, #tpu.memory_space<vmem>> -> memref<1x64xi32, #tpu.memory_space<vmem>>
    %dma_wait3A_1125 = tpu.memref_squeeze %dma_wait3A_1124 : memref<1x64xi32, #tpu.memory_space<vmem>> -> memref<64xi32, #tpu.memory_space<vmem>>
    %dma_wait3A_1126 = arith.constant 0 : i32
    %dma_wait3A_1127 = arith.constant 0 : i32
    %dma_wait3A_1128 = tpu.memref_slice %arg3[%dma_wait3A_1126, %dma_wait3A_1127] : memref<100000x128xf32, #tpu.memory_space<hbm>> -> memref<100000x128xf32, #tpu.memory_space<hbm>>
    %dma_wait3A_1129 = tpu.memref_slice %arg17[%dma_wait3A_1122] : memref<6x!tpu.dma_semaphore, #tpu.memory_space<semaphore_mem>> -> memref<1x!tpu.dma_semaphore, #tpu.memory_space<semaphore_mem>>
    %dma_wait3A_1130 = tpu.memref_squeeze %dma_wait3A_1129 : memref<1x!tpu.dma_semaphore, #tpu.memory_space<semaphore_mem>> -> memref<!tpu.dma_semaphore, #tpu.memory_space<semaphore_mem>>
    tpu.wait_indirect_dma semaphore(%dma_wait3A_1130 : memref<!tpu.dma_semaphore, #tpu.memory_space<semaphore_mem>>) src(%dma_wait3A_1128 : memref<100000x128xf32, #tpu.memory_space<hbm>>) dst(%arg10 : memref<64x128xf32, #tpu.memory_space<vmem>>)
    %dma_wait3A_1131 = arith.constant 3 : i32
    %dma_wait3A_1132 = arith.constant 1 : i32
    %dma_wait3A_1133 = tpu.memref_slice %arg19[%dma_wait3A_1132] : memref<2x!tpu.dma_semaphore, #tpu.memory_space<semaphore_mem>> -> memref<1x!tpu.dma_semaphore, #tpu.memory_space<semaphore_mem>>
    %dma_wait3A_1134 = tpu.memref_squeeze %dma_wait3A_1133 : memref<1x!tpu.dma_semaphore, #tpu.memory_space<semaphore_mem>> -> memref<!tpu.dma_semaphore, #tpu.memory_space<semaphore_mem>>
    %dma_wait3A_1135 = arith.constant 0 : i32
    %dma_wait3A_1136 = tpu.memref_slice %arg5[%dma_wait3A_1131, %add3A_1111, %dma_wait3A_1135] : memref<4x8192x128xf32, #tpu.memory_space<hbm>> -> memref<1x64x128xf32, #tpu.memory_space<hbm>>
    %dma_wait3A_1137 = tpu.memref_squeeze %dma_wait3A_1136 : memref<1x64x128xf32, #tpu.memory_space<hbm>> -> memref<64x128xf32, #tpu.memory_space<hbm>>
    %dma_wait3A_1138 = arith.constant 0 : i32
    %dma_wait3A_1139 = tpu.memref_slice %arg14[%add3A_1109, %dma_wait3A_1138] : memref<2048x128xf32, #tpu.memory_space<vmem_shared>> -> memref<64x128xf32, #tpu.memory_space<vmem_shared>>
    tpu.wait_dma2 semaphore(%dma_wait3A_1134 : memref<!tpu.dma_semaphore, #tpu.memory_space<semaphore_mem>>) src(%dma_wait3A_1139 : memref<64x128xf32, #tpu.memory_space<vmem_shared>>) dst(%dma_wait3A_1137 : memref<64x128xf32, #tpu.memory_space<hbm>>)
    %add3A_1140 = arith.constant 64 : i32
    %add3A_1141 = arith.addi %mul3A_8, %add3A_1140 : i32
    %dma_start3A_1142 = arith.constant 1 : i32
    %dma_start3A_1143 = arith.constant 0 : i32
    %dma_start3A_1144 = tpu.memref_slice %arg14[%add3A_1141, %dma_start3A_1143] : memref<2048x128xf32, #tpu.memory_space<vmem_shared>> -> memref<64x128xf32, #tpu.memory_space<vmem_shared>>
    %dma_start3A_1145 = tpu.memref_slice %arg18[%dma_start3A_1142] : memref<2x!tpu.dma_semaphore, #tpu.memory_space<semaphore_mem>> -> memref<1x!tpu.dma_semaphore, #tpu.memory_space<semaphore_mem>>
    %dma_start3A_1146 = tpu.memref_squeeze %dma_start3A_1145 : memref<1x!tpu.dma_semaphore, #tpu.memory_space<semaphore_mem>> -> memref<!tpu.dma_semaphore, #tpu.memory_space<semaphore_mem>>
    %dma_start3A_1147 = arith.constant 0 : i32
    %dma_start3A_1148 = tpu.memref_slice %arg14[%add3A_1141, %dma_start3A_1147] : memref<2048x128xf32, #tpu.memory_space<vmem_shared>> -> memref<64x128xf32, #tpu.memory_space<vmem_shared>>
    tpu.enqueue_dma source(%arg10 : memref<64x128xf32, #tpu.memory_space<vmem>>) target(%dma_start3A_1148 : memref<64x128xf32, #tpu.memory_space<vmem_shared>>) target_semaphore(%dma_start3A_1146 : memref<!tpu.dma_semaphore, #tpu.memory_space<semaphore_mem>>)
    %dma_wait3A_1149 = arith.constant 0 : i32
    %dma_wait3A_1150 = arith.constant 0 : i32
    %dma_wait3A_1151 = tpu.memref_slice %arg14[%add3A_1093, %dma_wait3A_1150] : memref<2048x128xf32, #tpu.memory_space<vmem_shared>> -> memref<64x128xf32, #tpu.memory_space<vmem_shared>>
    %dma_wait3A_1152 = tpu.memref_slice %arg18[%dma_wait3A_1149] : memref<2x!tpu.dma_semaphore, #tpu.memory_space<semaphore_mem>> -> memref<1x!tpu.dma_semaphore, #tpu.memory_space<semaphore_mem>>
    %dma_wait3A_1153 = tpu.memref_squeeze %dma_wait3A_1152 : memref<1x!tpu.dma_semaphore, #tpu.memory_space<semaphore_mem>> -> memref<!tpu.dma_semaphore, #tpu.memory_space<semaphore_mem>>
    %dma_wait3A_1154 = arith.constant 0 : i32
    %dma_wait3A_1155 = tpu.memref_slice %arg14[%add3A_1093, %dma_wait3A_1154] : memref<2048x128xf32, #tpu.memory_space<vmem_shared>> -> memref<64x128xf32, #tpu.memory_space<vmem_shared>>
    tpu.wait_dma2 semaphore(%dma_wait3A_1153 : memref<!tpu.dma_semaphore, #tpu.memory_space<semaphore_mem>>) src(%arg9 : memref<64x128xf32, #tpu.memory_space<vmem>>) dst(%dma_wait3A_1155 : memref<64x128xf32, #tpu.memory_space<vmem_shared>>)
    %add3A_1156 = arith.constant 0 : i32
    %add3A_1157 = arith.addi %mul3A_8, %add3A_1156 : i32
    %add3A_1158 = arith.constant 128 : i32
    %add3A_1159 = arith.addi %mul3A_2, %add3A_1158 : i32
    %dma_start3A_1160 = arith.constant 3 : i32
    %dma_start3A_1161 = arith.constant 0 : i32
    %dma_start3A_1162 = tpu.memref_slice %arg19[%dma_start3A_1161] : memref<2x!tpu.dma_semaphore, #tpu.memory_space<semaphore_mem>> -> memref<1x!tpu.dma_semaphore, #tpu.memory_space<semaphore_mem>>
    %dma_start3A_1163 = tpu.memref_squeeze %dma_start3A_1162 : memref<1x!tpu.dma_semaphore, #tpu.memory_space<semaphore_mem>> -> memref<!tpu.dma_semaphore, #tpu.memory_space<semaphore_mem>>
    %dma_start3A_1164 = arith.constant 0 : i32
    %dma_start3A_1165 = tpu.memref_slice %arg5[%dma_start3A_1160, %add3A_1159, %dma_start3A_1164] : memref<4x8192x128xf32, #tpu.memory_space<hbm>> -> memref<1x64x128xf32, #tpu.memory_space<hbm>>
    %dma_start3A_1166 = tpu.memref_squeeze %dma_start3A_1165 : memref<1x64x128xf32, #tpu.memory_space<hbm>> -> memref<64x128xf32, #tpu.memory_space<hbm>>
    %dma_start3A_1167 = arith.constant 0 : i32
    %dma_start3A_1168 = tpu.memref_slice %arg14[%add3A_1157, %dma_start3A_1167] : memref<2048x128xf32, #tpu.memory_space<vmem_shared>> -> memref<64x128xf32, #tpu.memory_space<vmem_shared>>
    tpu.enqueue_dma source(%dma_start3A_1168 : memref<64x128xf32, #tpu.memory_space<vmem_shared>>) target(%dma_start3A_1166 : memref<64x128xf32, #tpu.memory_space<hbm>>) target_semaphore(%dma_start3A_1163 : memref<!tpu.dma_semaphore, #tpu.memory_space<semaphore_mem>>)
    %dma_wait3A_1169 = arith.constant 1 : i32
    %dma_wait3A_1170 = arith.constant 0 : i32
    %dma_wait3A_1171 = tpu.memref_slice %arg14[%add3A_1141, %dma_wait3A_1170] : memref<2048x128xf32, #tpu.memory_space<vmem_shared>> -> memref<64x128xf32, #tpu.memory_space<vmem_shared>>
    %dma_wait3A_1172 = tpu.memref_slice %arg18[%dma_wait3A_1169] : memref<2x!tpu.dma_semaphore, #tpu.memory_space<semaphore_mem>> -> memref<1x!tpu.dma_semaphore, #tpu.memory_space<semaphore_mem>>
    %dma_wait3A_1173 = tpu.memref_squeeze %dma_wait3A_1172 : memref<1x!tpu.dma_semaphore, #tpu.memory_space<semaphore_mem>> -> memref<!tpu.dma_semaphore, #tpu.memory_space<semaphore_mem>>
    %dma_wait3A_1174 = arith.constant 0 : i32
    %dma_wait3A_1175 = tpu.memref_slice %arg14[%add3A_1141, %dma_wait3A_1174] : memref<2048x128xf32, #tpu.memory_space<vmem_shared>> -> memref<64x128xf32, #tpu.memory_space<vmem_shared>>
    tpu.wait_dma2 semaphore(%dma_wait3A_1173 : memref<!tpu.dma_semaphore, #tpu.memory_space<semaphore_mem>>) src(%arg10 : memref<64x128xf32, #tpu.memory_space<vmem>>) dst(%dma_wait3A_1175 : memref<64x128xf32, #tpu.memory_space<vmem_shared>>)
    %add3A_1176 = arith.constant 64 : i32
    %add3A_1177 = arith.addi %mul3A_8, %add3A_1176 : i32
    %add3A_1178 = arith.constant 192 : i32
    %add3A_1179 = arith.addi %mul3A_2, %add3A_1178 : i32
    %dma_start3A_1180 = arith.constant 3 : i32
    %dma_start3A_1181 = arith.constant 1 : i32
    %dma_start3A_1182 = tpu.memref_slice %arg19[%dma_start3A_1181] : memref<2x!tpu.dma_semaphore, #tpu.memory_space<semaphore_mem>> -> memref<1x!tpu.dma_semaphore, #tpu.memory_space<semaphore_mem>>
    %dma_start3A_1183 = tpu.memref_squeeze %dma_start3A_1182 : memref<1x!tpu.dma_semaphore, #tpu.memory_space<semaphore_mem>> -> memref<!tpu.dma_semaphore, #tpu.memory_space<semaphore_mem>>
    %dma_start3A_1184 = arith.constant 0 : i32
    %dma_start3A_1185 = tpu.memref_slice %arg5[%dma_start3A_1180, %add3A_1179, %dma_start3A_1184] : memref<4x8192x128xf32, #tpu.memory_space<hbm>> -> memref<1x64x128xf32, #tpu.memory_space<hbm>>
    %dma_start3A_1186 = tpu.memref_squeeze %dma_start3A_1185 : memref<1x64x128xf32, #tpu.memory_space<hbm>> -> memref<64x128xf32, #tpu.memory_space<hbm>>
    %dma_start3A_1187 = arith.constant 0 : i32
    %dma_start3A_1188 = tpu.memref_slice %arg14[%add3A_1177, %dma_start3A_1187] : memref<2048x128xf32, #tpu.memory_space<vmem_shared>> -> memref<64x128xf32, #tpu.memory_space<vmem_shared>>
    tpu.enqueue_dma source(%dma_start3A_1188 : memref<64x128xf32, #tpu.memory_space<vmem_shared>>) target(%dma_start3A_1186 : memref<64x128xf32, #tpu.memory_space<hbm>>) target_semaphore(%dma_start3A_1183 : memref<!tpu.dma_semaphore, #tpu.memory_space<semaphore_mem>>)
    %dma_wait3A_1189 = arith.constant 3 : i32
    %dma_wait3A_1190 = arith.constant 0 : i32
    %dma_wait3A_1191 = tpu.memref_slice %arg19[%dma_wait3A_1190] : memref<2x!tpu.dma_semaphore, #tpu.memory_space<semaphore_mem>> -> memref<1x!tpu.dma_semaphore, #tpu.memory_space<semaphore_mem>>
    %dma_wait3A_1192 = tpu.memref_squeeze %dma_wait3A_1191 : memref<1x!tpu.dma_semaphore, #tpu.memory_space<semaphore_mem>> -> memref<!tpu.dma_semaphore, #tpu.memory_space<semaphore_mem>>
    %dma_wait3A_1193 = arith.constant 0 : i32
    %dma_wait3A_1194 = tpu.memref_slice %arg5[%dma_wait3A_1189, %add3A_1159, %dma_wait3A_1193] : memref<4x8192x128xf32, #tpu.memory_space<hbm>> -> memref<1x64x128xf32, #tpu.memory_space<hbm>>
    %dma_wait3A_1195 = tpu.memref_squeeze %dma_wait3A_1194 : memref<1x64x128xf32, #tpu.memory_space<hbm>> -> memref<64x128xf32, #tpu.memory_space<hbm>>
    %dma_wait3A_1196 = arith.constant 0 : i32
    %dma_wait3A_1197 = tpu.memref_slice %arg14[%add3A_1157, %dma_wait3A_1196] : memref<2048x128xf32, #tpu.memory_space<vmem_shared>> -> memref<64x128xf32, #tpu.memory_space<vmem_shared>>
    tpu.wait_dma2 semaphore(%dma_wait3A_1192 : memref<!tpu.dma_semaphore, #tpu.memory_space<semaphore_mem>>) src(%dma_wait3A_1197 : memref<64x128xf32, #tpu.memory_space<vmem_shared>>) dst(%dma_wait3A_1195 : memref<64x128xf32, #tpu.memory_space<hbm>>)
    %dma_wait3A_1198 = arith.constant 3 : i32
    %dma_wait3A_1199 = arith.constant 1 : i32
    %dma_wait3A_1200 = tpu.memref_slice %arg19[%dma_wait3A_1199] : memref<2x!tpu.dma_semaphore, #tpu.memory_space<semaphore_mem>> -> memref<1x!tpu.dma_semaphore, #tpu.memory_space<semaphore_mem>>
    %dma_wait3A_1201 = tpu.memref_squeeze %dma_wait3A_1200 : memref<1x!tpu.dma_semaphore, #tpu.memory_space<semaphore_mem>> -> memref<!tpu.dma_semaphore, #tpu.memory_space<semaphore_mem>>
    %dma_wait3A_1202 = arith.constant 0 : i32
    %dma_wait3A_1203 = tpu.memref_slice %arg5[%dma_wait3A_1198, %add3A_1179, %dma_wait3A_1202] : memref<4x8192x128xf32, #tpu.memory_space<hbm>> -> memref<1x64x128xf32, #tpu.memory_space<hbm>>
    %dma_wait3A_1204 = tpu.memref_squeeze %dma_wait3A_1203 : memref<1x64x128xf32, #tpu.memory_space<hbm>> -> memref<64x128xf32, #tpu.memory_space<hbm>>
    %dma_wait3A_1205 = arith.constant 0 : i32
    %dma_wait3A_1206 = tpu.memref_slice %arg14[%add3A_1177, %dma_wait3A_1205] : memref<2048x128xf32, #tpu.memory_space<vmem_shared>> -> memref<64x128xf32, #tpu.memory_space<vmem_shared>>
    tpu.wait_dma2 semaphore(%dma_wait3A_1201 : memref<!tpu.dma_semaphore, #tpu.memory_space<semaphore_mem>>) src(%dma_wait3A_1206 : memref<64x128xf32, #tpu.memory_space<vmem_shared>>) dst(%dma_wait3A_1204 : memref<64x128xf32, #tpu.memory_space<hbm>>)
    return
  }
}

</mosaic_0001>

<sc_bundles>
// kernel: kernel.3.cloned.1.call-start
scs
__scs_entry_jumppad:
0x0: {  	(pc) =	sbr.rel $0x88, $3  }
0x1: {  	(tag) =	ssettag $0x0;
	lr =	simm.s32 $0x1  }
0x2: {  	[smem:$0x3F9E] =	sst lr;
	_ =	strace $0xD0000000  }
0x3: {  	_ = 	snop  }
0x4: {  	_ = 	snop  }
0x5: {  	_ = 	snop  }
0x6: {  	_ = 	snop  }
0x7: {  	_ = 	snop  }
__scs_overlays_trampoline_lowered:
0x8: {  	[smem:$0x3FAD] =	sst s0  }
0x9: {  	[smem:$0x3FAE] =	sst s1  }
0xa: {  	[smem:$0x3FAF] =	sst s2  }
0xb: {  	[smem:$0x3FB0] =	sst s3  }
0xc: {  	[smem:$0x3FB1] =	sst s4  }
0xd: {  	[smem:$0x3FB2] =	sst s5  }
0xe: {  	[smem:$0x3FB3] =	sst s6  }
0xf: {  	[smem:$0x3FB4] =	sst s7  }
0x10: {  	[smem:$0x3FB5] =	sst s8  }
0x11: {  	[smem:$0x3FB6] =	sst s9;
	s0 =	simm.s32 @!p0 $0x0  }
0x12: {  	s1 =	sld [smem:$0x3F9C];
	s0 =	simm.s32 @p0 $0x1  }
0x13: {  	[smem:$0x3FB7] =	sst s0;
	s0 =	simm.s32 @!p1 $0x0  }
0x14: {  	s2 =	sld [smem:$0x3F9B];
	s0 =	simm.s32 @p1 $0x1  }
0x15: {  	[smem:$0x3FB8] =	sst s0;
	s0 =	simm.s32 @!p2 $0x0  }
0x16: {  	s3 =	sld [smem:$0x3FDB];
	s0 =	simm.s32 @p2 $0x1  }
0x17: {  	s4 =	simm.s32 $0x1BF5;
	[smem:$0x3FBA] =	sst s0  }
0x18: {  	s0 =	sld [smem:$0x3F9D];
	_ =	swait.ge [sflag:s4], $0x0  }
0x19: {  	s7 =	sld [smem:$0x3F9E]  }
0x1a: {  	s8 =	sadd.s32 $0xFFFFE003, lr  }
0x1b: {  	s9 =	sadd.s32 $0xFFFFFEF7, lr;
	s5 =	simm.s32 $0xFFFFFFFF;
	p2 =	slt.u32 s8, $0xFFFFF086  }
0x1c: {  	p1 =	slt.u32 s9, $0xF7A;
	s5 =	simm.s32 @!p2 $0x0  }
0x1d: {  	s5 =	simm.s32 @p1 $0x1;
	p0 =	seq.s32 s7, s2  }
0x1e: {  	s7 =	smul.u32 @!p0 $0xF7A, s2;
	p2 =	seq.s32 @!p0 s5, $0x0  }
0x1f: {  	s9 =	smul.u32 $0xF7A, s1;
	s8 =	simm.s32 @!p0 $0x1BF5;
	p2 =	por !p2, p0  }
0x20: {  	[sflag:s8] =	ssyncset.s32 @!p0 $0xFFFFF086;
	s6 =	sadd.s32 @!p0 s3, s7;
	s7 =	simm.s32 @!p0 $0x108  }
0x21: {  	s3 =	sadd.s32 s3, s9;
	s6 =	sadd.s32 @!p0 $0x88, s6;
	s7 =	simm.s32 @p2 $0x1082  }
0x22: {  	[simem:s7], [sflag:s8] =	dma.local @!p0 [hbm:s6], $0xF7A  }
0x23: {  	s9 =	sor.u32 $0xD0000000, s2;
	s6 =	simm.s32 $0x108;
	_ =	swait.ge @!p0 [sflag:s8], $0x0  }
0x24: {  	s3 =	sadd.s32 $0x88, s3;
	s6 =	simm.s32 @!p1 $0x1082;
	[sflag:s4] =	ssyncset.s32 $0xFFFFF086  }
0x25: {  	[simem:s6], [sflag:s4] =	dma.local [hbm:s3], $0xF7A  }
0x26: {  	[smem:$0x3F9E] =	sst s1;
	(tag) =	ssettag s2;
	_ =	strace s9  }
0x27: {  	s1 =	sld [smem:$0x3FAE]  }
0x28: {  	s2 =	sld [smem:$0x3FAF]  }
0x29: {  	s4 =	sld [smem:$0x3FB1]  }
0x2a: {  	p0 =	seq.s32 s5, $0x0;
	s5 =	sld [smem:$0x3FB2]  }
0x2b: {  	s6 =	sld [smem:$0x3FB3]  }
0x2c: {  	s7 =	sld [smem:$0x3FB4]  }
0x2d: {  	s3 =	simm.s32 $0x108;
	s8 =	sld [smem:$0x3FB5]  }
0x2e: {  	s3 =	simm.s32 @!p0 $0x1082;
	s9 =	sld [smem:$0x3FB6]  }
0x2f: {  	lr =	sadd.s32 s0, s3;
	s0 =	sld [smem:$0x3FAD]  }
0x30: {  	s3 =	sld [smem:$0x3FB0]  }
0x31: {  	[smem:$0x3FB9] =	sst s10  }
0x32: {  	s10 =	sld [smem:$0x3FB7];
	_ =	sdelay $0x3  }
0x33: {  	p0 =	seq.s32 s10, $0x1;
	s10 =	sld [smem:$0x3FB9];
	_ =	sdelay $0x3  }
0x34: {  	[smem:$0x3FB9] =	sst s10  }
0x35: {  	s10 =	sld [smem:$0x3FB8];
	_ =	sdelay $0x3  }
0x36: {  	p1 =	seq.s32 s10, $0x1;
	s10 =	sld [smem:$0x3FB9];
	_ =	sdelay $0x3  }
0x37: {  	[smem:$0x3FB9] =	sst s10  }
0x38: {  	s10 =	sld [smem:$0x3FBA]  }
0x39: {  	_ = 	snop;
	(pc) =	sbr.ind lr, $3  }
0x3a: {  	_ = 	snop  }
0x3b: {  	_ = 	snop  }
0x3c: {  	p2 =	seq.s32 s10, $0x1;
	s10 =	sld [smem:$0x3FB9]  }
0x3d: {  	_ =	shalt  }
0x3e: {  	_ =	shalt  }
0x3f: {  	_ =	shalt  }
0x40: {  	_ =	shalt  }
0x41: {  	_ =	shalt  }
0x42: {  	_ =	shalt  }
0x43: {  	_ =	shalt  }
0x44: {  	_ =	shalt  }
0x45: {  	_ =	shalt  }
0x46: {  	_ =	shalt  }
0x47: {  	_ =	shalt  }
0x48: {  	_ =	shalt  }
0x49: {  	_ =	shalt  }
0x4a: {  	_ =	shalt  }
0x4b: {  	_ =	shalt  }
0x4c: {  	_ =	shalt  }
0x4d: {  	_ =	shalt  }
0x4e: {  	_ =	shalt  }
0x4f: {  	_ =	shalt  }
0x50: {  	_ =	shalt  }
0x51: {  	_ =	shalt  }
0x52: {  	_ =	shalt  }
0x53: {  	_ =	shalt  }
0x54: {  	_ =	shalt  }
0x55: {  	_ =	shalt  }
0x56: {  	_ =	shalt  }
0x57: {  	_ =	shalt  }
0x58: {  	_ =	shalt  }
0x59: {  	_ =	shalt  }
0x5a: {  	_ =	shalt  }
0x5b: {  	_ =	shalt  }
0x5c: {  	_ =	shalt  }
0x5d: {  	_ =	shalt  }
0x5e: {  	_ =	shalt  }
0x5f: {  	_ =	shalt  }
0x60: {  	_ =	shalt  }
0x61: {  	_ =	shalt  }
0x62: {  	_ =	shalt  }
0x63: {  	_ =	shalt  }
0x64: {  	_ =	shalt  }
0x65: {  	_ =	shalt  }
0x66: {  	_ =	shalt  }
0x67: {  	_ =	shalt  }
0x68: {  	_ =	shalt  }
0x69: {  	_ =	shalt  }
0x6a: {  	_ =	shalt  }
0x6b: {  	_ =	shalt  }
0x6c: {  	_ =	shalt  }
0x6d: {  	_ =	shalt  }
0x6e: {  	_ =	shalt  }
0x6f: {  	_ =	shalt  }
0x70: {  	_ =	shalt  }
0x71: {  	_ =	shalt  }
0x72: {  	_ =	shalt  }
0x73: {  	_ =	shalt  }
0x74: {  	_ =	shalt  }
0x75: {  	_ =	shalt  }
0x76: {  	_ =	shalt  }
0x77: {  	_ =	shalt  }
0x78: {  	_ =	shalt  }
0x79: {  	_ =	shalt  }
0x7a: {  	_ =	shalt  }
0x7b: {  	_ =	shalt  }
0x7c: {  	_ =	shalt  }
0x7d: {  	_ =	shalt  }
0x7e: {  	_ =	shalt  }
0x7f: {  	_ =	shalt  }
0x80: {  	_ =	shalt  }
0x81: {  	_ =	shalt  }
0x82: {  	_ =	shalt  }
0x83: {  	_ =	shalt  }
0x84: {  	_ =	shalt  }
0x85: {  	_ =	shalt  }
0x86: {  	_ =	shalt  }
0x87: {  	_ =	shalt  }
.Lfunc_end0:
.L_simem_size_0:
called_computation_lowered:
.L_overlay_start_0:
0x88: {  	s2 =	sld [smem:$0x3FD9]  }
0x89: {  	s3 =	sld [smem:$0x3FFE];
	_ =	sdelay $0x1  }
0x8a: {  	s1 =	srdreg.scid  }
0x8b: {  	s0 =	sand.u32 $0x1, s1  }
0x8c: {  	s18 =	sshll.u32 s0, $0xA;
	s2 =	sadd.s32 s3, s2  }
0x8d: {  	s2 =	sadd.s32 s2, s18  }
0x8e: {  	[smem:$0x3FC5] =	sst s2  }
0x8f: {  	_ = 	snop  }
0x90: {  	s2 =	sld [smem:$0x3FC9]  }
0x91: {  	s19 =	sld [smem:$0x3FC8]  }
0x92: {  	s4 =	sld [smem:$0x3FC7]  }
0x93: {  	s5 =	sld [smem:$0x3FD0];
	(tm) =	ssettm $0x1  }
0x94: {  	s6 =	sld [smem:$0x3FFB];
	_ =	sdelay $0x3  }
0x95: {  	_ =	strace s6  }
0x96: {  	s6 =	sld [smem:$0x3FFC];
	_ =	sdelay $0x3  }
0x97: {  	_ =	strace s6  }
0x98: {  	s6 =	sld [smem:$0x3FFD];
	_ =	sdelay $0x3  }
0x99: {  	_ =	strace s6  }
0x9a: {  	_ =	strace $0x8FFFFFFF  }
0x9b: {  	s20 =	sld [smem:$0x3FDB];
	_ =	sdelay $0x1  }
0x9c: {  	s7 =	simm.s32 $_scs_section_size  }
0x9d: {  	s8 =	simm.s32 $_size__tile_overlayer_lowered;
	s9 =	simm.s32 $_tile_overlayer_lowered  }
0x9e: {  	s23 =	simm.s32 $0x1BFF;
	s22 =	sshll.u32 s9, $0x1;
	s6 =	sadd.s32 s7, s20  }
0x9f: {  	s10 =	simm.s32 $0x0;
	s21 =	sshll.u32 s8, $0x1;
	s8 =	sadd.s32 s22, s6  }
0xa0: {  	[timem:s10], [sflag:s23] =	dma.local [hbm:s8], s21  }
0xa1: {  	_ =	swait.ge [sflag:s23], s21  }
0xa2: {  	s7 =	ssub.s32 $0x0, s21;
	[sflag:s23] =	ssyncset.done $0x0  }
0xa3: {  	[sflag:s23] =	ssyncadd.s32 s7;
	_ =	sdelay $0x1  }
0xa4: {  	s24 =	simm.s32 $0x1B8B  }
0xa5: {  	_ =	swait.ge [sflag:s24], $0x1  }
0xa6: {  	[sflag:s24] =	ssyncset.done $0x0  }
0xa7: {  	s25 =	simm.s32 $0x1B8E;
	[sflag:s24] =	ssyncadd.s32 $0xFFFFFFFF  }
0xa8: {  	s26 =	simm.s32 $execute0_lowered;
	[smem:$0x3FD2] =	sst s25  }
0xa9: {  	s7 =	sshll.u32 s26, $0x1;
	_ =	strace $0x80000046;
	[dreg:$0x1] =	wrdreg $0xFFFFFFFF  }
0xaa: {  	s28 =	simm.s32 $_size_execute0_lowered;
	s6 =	sadd.s32 s6, s7;
	[dreg:$0x0] =	wrdreg $0x0  }
0xab: {  	s7 =	sshll.u32 s28, $0x1;
	[dreg:$0x2] =	wrdreg s6  }
0xac: {  	[dreg:$0x3] =	wrdreg s7  }
0xad: {  	[dreg:$0x4] =	wrdreg $0xC0  }
0xae: {  	_ =	task [dreg:s10], $0x5FFFF  }
0xaf: {  	[dreg:$0x1] =	wrdreg $0xFFFFFFFF  }
0xb0: {  	[dreg:$0x0] =	wrdreg $0x60  }
0xb1: {  	[dreg:$0x2] =	wrdreg s2  }
0xb2: {  	[dreg:$0x3] =	wrdreg s19  }
0xb3: {  	[dreg:$0x4] =	wrdreg s4  }
0xb4: {  	[dreg:$0x5] =	wrdreg s5  }
0xb5: {  	[dreg:$0x6] =	wrdreg $0xC4000  }
0xb6: {  	[dreg:$0x7] =	wrdreg $0x144000  }
0xb7: {  	[dreg:$0x8] =	wrdreg $0x9  }
0xb8: {  	_ =	task.clear_ibuf [dreg:s10], $0x9FFFF;
	_ =	strace $0x90000046  }
0xb9: {  	s29 =	simm.s32 $0x9;
	_ =	strace $0x80000048  }
0xba: {  	_ =	swait.ge [sflag:s29], $0x1  }
0xbb: {  	[sflag:s29] =	ssyncadd.s32 $0xFFFFFFFF  }
0xbc: {  	_ =	strace $0x90000048  }
0xbd: {  	_ =	sfence  }
0xbe: {  	s30 =	sld [smem:$0x0];
	_ =	sdelay $0x2  }
0xbf: {  	s31 =	sshll.u32 s1, $0xD;
	s1 =	sshrl.u32 s1, $0x2  }
0xc0: {  	s3 =	sand.u32 $0x4000, s31;
	s1 =	sadd.s32 s1, s30  }
0xc1: {  	s0 =	sor.u32 s3, s0;
	s1 =	sshll.u32 s1, $0x11  }
0xc2: {  	s0 =	sor.u32 s1, s0  }
0xc3: {  	s0 =	sadd.s32 $0x8F2B, s0  }
0xc4: {  	[sflag:s0] =	ssyncadd.remote.s32 $0x1  }
0xc5: {  	_ =	sfence.sel $0xFFFF  }
0xc6: {  	[dreg:$0x0] =	wrdreg $0xFFFFFFFF;
	(pc) =	sbr.abs _section_cstart, $3  }
0xc7: {  	[dreg:$0x1] =	wrdreg $0xFFFFFFFF  }
0xc8: {  	_ =	task.clear_ibuf [dreg:s10], $0x2FFFF;
	_ =	strace $0x9FFFFFFF  }
0xc9: {  	(tm) =	ssettm $0x7FFFFFFF  }
tec
execute0_lowered:
.L_overlay_start_1:
0x0: {  	(tag) =	ssettag $0x1  }
0x1: {  	s0 =	rddreg [dreg:$0x0]  }
0x2: {  	s22 =	rddreg [dreg:$0x1]  }
0x3: {  	s1 =	rddreg [dreg:$0x2]  }
0x4: {  	s3 =	rddreg [dreg:$0x3]  }
0x5: {  	s4 =	srdreg.scid;
	s5 =	rddreg [dreg:$0x4]  }
0x6: {  	s2 =	stileid.u32;
	s6 =	rddreg [dreg:$0x5];
	s9 =	simm.s32 $0x0  }
0x7: {  	s4 =	sand.u32 $0x1, s4;
	s7 =	sshll.u32 s2, $0x9;
	[smem:$0x7FF] =	sst s9  }
0x8: {  	s21 =	sshll.u32 s2, $0x6;
	s13 =	sshll.u32 s2, $0xF;
	s19 =	sshll.u32 s2, $0xE  }
0x9: {  	s2 =	simm.s32 $0x80;
	s8 =	sshll.u32 s4, $0x8;
	_ =	strace $0x80000047  }
0xa: {  	s24 =	sor.u32 $0x1C12, s21;
	s5 =	sadd.s32 s13, s5;
	[dreg:$0x1b] =	wrdreg s2  }
0xb: {  	s13 =	simm.s32 $0x300;
	s7 =	sor.u32 s8, s7;
	[dreg:$0x9] =	wrdreg s24  }
0xc: {  	[smem:$0x7F8] =	sst s13;
	s8 =	sshrl.u32 s7, $0x1  }
0xd: {  	s7 =	sshll.u32 s7, $0x4;
	s31 =	rddreg [dreg:$0x9];
	s0 =	sadd.s32 s0, s8  }
0xe: {  	s23 =	sadd.s32 s1, s7;
	[dreg:$0x7] =	wrdreg s0  }
0xf: {  	s7 =	sadd.s32 s3, s7;
	[dreg:$0x8] =	wrdreg s23  }
0x10: {  	s25 =	sadd.s32 $0x400, s7;
	[smem:$0x7F6] =	sst s7  }
0x11: {  	s26 =	sadd.s32 $0x800, s7;
	[dreg:$0xa] =	wrdreg s25  }
0x12: {  	s30 =	sadd.s32 $0xC00, s7;
	[dreg:$0xb] =	wrdreg s26  }
0x13: {  	s1 =	sadd.s32 $0x20000, s7;
	[dreg:$0xc] =	wrdreg s30  }
0x14: {  	s29 =	simm.s32 $0x8400;
	s3 =	sadd.s32 $0x20400, s7;
	[dreg:$0xd] =	wrdreg s1  }
0x15: {  	s28 =	simm.s32 $0x8;
	s9 =	sadd.s32 $0x20800, s7;
	[dreg:$0xe] =	wrdreg s3  }
0x16: {  	p0 =	por $0x0, $0x0;
	s11 =	sadd.s32 $0x20C00, s7;
	[dreg:$0xf] =	wrdreg s9  }
0x17: {  	s20 =	sadd.s32 $0x2000, s5;
	s12 =	sadd.s32 $0x40000, s7;
	[dreg:$0x10] =	wrdreg s11  }
0x18: {  	s24 =	sadd.s32 $0x6000, s5;
	s14 =	sadd.s32 $0x40400, s7;
	[dreg:$0x11] =	wrdreg s12  }
0x19: {  	s13 =	simm.s32 $0x10;
	s15 =	sadd.s32 $0x40800, s7;
	[dreg:$0x12] =	wrdreg s14  }
0x1a: {  	s8 =	ssub.s32 $0x2, s4;
	s16 =	sadd.s32 $0x40C00, s7;
	[dreg:$0x13] =	wrdreg s15  }
0x1b: {  	s10 =	sshrl.u32 s8, $0x1;
	s17 =	sadd.s32 $0x60000, s7;
	[dreg:$0x14] =	wrdreg s16  }
0x1c: {  	s18 =	sadd.s32 $0x60400, s7;
	s23 =	sadd.s32 $0x60800, s7;
	[dreg:$0x15] =	wrdreg s17  }
0x1d: {  	s1 =	ssub.s32 s8, s10;
	s15 =	sadd.s32 $0x4000, s5;
	[dreg:$0x16] =	wrdreg s18  }
0x1e: {  	s12 =	sadd.s32 s19, s6;
	[dreg:$0x17] =	wrdreg s23;
	s25 =	sadd.s32 $0x60C00, s7  }
0x1f: {  	s26 =	simm.s32 $0x200;
	s30 =	simm.s32 $0x240;
	[dreg:$0x18] =	wrdreg s25  }
0x20: {  	s14 =	simm.s32 $0x400;
	s3 =	simm.s32 $0xC0;
	[dreg:$0x19] =	wrdreg s26  }
0x21: {  	s7 =	simm.s32 $0x2400;
	s6 =	simm.s32 $0x280;
	[dreg:$0x1a] =	wrdreg s30  }
0x22: {  	s9 =	simm.s32 $0x4400;
	s8 =	simm.s32 $0x2C0;
	[dreg:$0x1c] =	wrdreg s3  }
0x23: {  	s10 =	simm.s32 $0x100;
	s11 =	simm.s32 $0x140;
	[dreg:$0x1d] =	wrdreg s6  }
0x24: {  	s16 =	simm.s32 $0x340;
	s17 =	simm.s32 $0x180;
	[dreg:$0x1e] =	wrdreg s8  }
0x25: {  	s18 =	simm.s32 $0x1C0;
	s23 =	simm.s32 $0x3;
	[dreg:$0x1f] =	wrdreg s10  }
0x26: {  	s19 =	simm.s32 $0x380;
	s4 =	sadd.s32 $0x2000, s12;
	[smem:$0x7F7] =	sst s11  }
0x27: {  	s1 =	smax.u32 s1, $0x1;
	s6 =	simm.s32 $0x6400;
	[smem:$0x7F9] =	sst s16  }
0x28: {  	s26 =	simm.s32 $0xA400;
	[smem:$0x7FA] =	sst s17;
	p1 =	sne.s32 s1, $0x1  }
.Ltmp0:
0x29: {  	s25 =	simm.s32 $0x2;
	[smem:$0x7FB] =	sst s18;
	(pc) =	sbr.rel @!p1 .LBB2_1-.Ltmp0, $4  }
0x2a: {  	s3 =	simm.s32 $0x40;
	[smem:$0x7FC] =	sst s19;
	s30 =	simm.s32 $0x3C0  }
0x2b: {  	s18 =	simm.s32 $0x4;
	s19 =	simm.s32 $0x9;
	s11 =	simm.s32 $0xE  }
0x2c: {  	s17 =	simm.s32 $0x5;
	s16 =	simm.s32 $0xA;
	s10 =	simm.s32 $0xF  }
0x2d: {  	s8 =	simm.s32 $0x11;
	[smem:$0x7FD] =	sst s30;
	s0 =	sadd.s32 $0xFFFFFFFF, s1  }
0x2e: {  	[smem:$0x7F5] =	sst s0  }
0x2f: {  	s0 =	rddreg [dreg:$0x7]  }
0x30: {  	s14 =	rddreg [dreg:$0x8];
	s7 =	sshrl.u32 s5, $0x3;
	s30 =	simm.s32 $0x0  }
0x31: {  	[tilespmem:s30], [sflag:$0x1] =	stream.linear.gather [hbm4b:s0+s30], $0x400, $0x38;
	[tilespmem:$0x18400] =	vst v63  }
0x32: {  	[smem:$0x7EB] =	sst s7  }
0x33: {  	[spmem:s7], [sflag:s31] =	dma.local [hbm:s14], $0x1000  }
0x34: {  	s14 =	simm.s32 $0x12  }
0x35: {  	_ =	swait.ge [sflag:s14], $0x1000  }
0x36: {  	[sflag:s14] =	ssyncset.done $0x0  }
0x37: {  	s1 =	smov.u32 s5;
	[sflag:s14] =	ssyncadd.s32 $0xFFFFF000;
	s14 =	simm.s32 $0x400  }
0x38: {  	[tilespmem:s14], [sflag:$0x2] =	stream.linear.gather [spmem:s1], $0x2000, $0x38;
	[tilespmem:$0x18400] =	vst v63  }
0x39: {  	s7 =	simm.s32 $0x2400  }
0x3a: {  	[tilespmem:s7], [sflag:$0x3] =	stream.linear.gather [spmem:s20], $0x2000, $0x38;
	[tilespmem:$0x18400] =	vst v63  }
0x3b: {  	s6 =	smov.u32 s21;
	s21 =	simm.s32 $0x4400  }
0x3c: {  	[tilespmem:s21], [sflag:$0x4] =	stream.linear.gather [spmem:s15], $0x2000, $0x38;
	[tilespmem:$0x18400] =	vst v63  }
0x3d: {  	s2 =	simm.s32 $0x6400  }
0x3e: {  	[tilespmem:s2], [sflag:$0x5] =	stream.linear.gather [spmem:s24], $0x2000, $0x38;
	[tilespmem:$0x18400] =	vst v63  }
0x3f: {  	_ = 	snop  }
0x40: {  	[tilespmem:s29], [sflag:$0x6] =	stream.linear.gather [spmem:s1], $0x2000, $0x38;
	[tilespmem:$0x18400] =	vst v63  }
0x41: {  	s29 =	simm.s32 $0x1  }
0x42: {  	[tilespmem:s26], [sflag:$0x7] =	stream.linear.gather [spmem:s20], $0x2000, $0x38;
	[tilespmem:$0x18400] =	vst v63  }
0x43: {  	_ =	swait.ge [sflag:s29], $0x400  }
0x44: {  	[sflag:s29] =	ssyncset.done $0x0  }
0x45: {  	[sflag:s29] =	ssyncadd.s32 $0xFFFFFC00  }
0x46: {  	_ =	swait.ge [sflag:s25], $0x2000  }
0x47: {  	[sflag:s25] =	ssyncset.done $0x0  }
0x48: {  	[sflag:s25] =	ssyncadd.s32 $0xFFFFE000  }
0x49: {  	[tilespmem:s14], [sflag:$0x8] =	stream.indirect.gather.add.f32 [hbm:s22], $0x80, s30, s3, $0xb8;
	[tilespmem:$0x18400] =	vst v63  }
0x4a: {  	_ =	swait.ge [sflag:s23], $0x2000  }
0x4b: {  	[sflag:s23] =	ssyncset.done $0x0  }
0x4c: {  	[sflag:s23] =	ssyncadd.s32 $0xFFFFE000  }
0x4d: {  	[tilespmem:s7], [sflag:$0x9] =	stream.indirect.gather.add.f32 [hbm:s22], $0x80, s3, s3, $0xb8;
	[tilespmem:$0x18400] =	vst v63  }
0x4e: {  	_ =	swait.ge [sflag:s28], $0x2000  }
0x4f: {  	[sflag:s28] =	ssyncset.done $0x0  }
0x50: {  	[sflag:s28] =	ssyncadd.s32 $0xFFFFE000  }
0x51: {  	[spmem:s12] =	stream.linear.scatter [tilespmem:s14], [sflag:$0xE], $0x2000, $0x38;
	[tilespmem:$0x18400] =	vst v63  }
0x52: {  	_ =	swait.ge [sflag:s18], $0x2000  }
0x53: {  	[sflag:s18] =	ssyncset.done $0x0  }
0x54: {  	s26 =	rddreg [dreg:$0x19];
	[sflag:s18] =	ssyncadd.s32 $0xFFFFE000  }
0x55: {  	[tilespmem:s21], [sflag:$0xA] =	stream.indirect.gather.add.f32 [hbm:s22], $0x80, s26, s3, $0xb8;
	[tilespmem:$0x18400] =	vst v63  }
0x56: {  	_ =	swait.ge [sflag:s19], $0x2000  }
0x57: {  	[sflag:s19] =	ssyncset.done $0x0  }
0x58: {  	s30 =	simm.s32 $0x2400;
	[sflag:s19] =	ssyncadd.s32 $0xFFFFE000  }
0x59: {  	[spmem:s4] =	stream.linear.scatter [tilespmem:s30], [sflag:$0xF], $0x2000, $0x38;
	[tilespmem:$0x18400] =	vst v63  }
0x5a: {  	_ =	swait.ge [sflag:s11], $0x2000  }
0x5b: {  	s30 =	sld [smem:$0x7F6]  }
0x5c: {  	s0 =	sor.u32 $0x1C10, s6;
	[sflag:s11] =	ssyncset.done $0x0  }
0x5d: {  	s7 =	simm.s32 $0x400;
	s21 =	sshrl.u32 s12, $0x3;
	[sflag:s11] =	ssyncadd.s32 $0xFFFFE000  }
0x5e: {  	[hbm:s30], [sflag:s0] =	dma.local [spmem:s21], $0x400  }
0x5f: {  	[tilespmem:s7], [sflag:$0x2] =	stream.linear.gather [spmem:s15], $0x2000, $0x38;
	[tilespmem:$0x18400] =	vst v63  }
0x60: {  	_ =	swait.ge [sflag:s17], $0x2000  }
0x61: {  	[sflag:s17] =	ssyncset.done $0x0  }
0x62: {  	s31 =	simm.s32 $0x6400;
	s14 =	rddreg [dreg:$0x1a];
	[sflag:s17] =	ssyncadd.s32 $0xFFFFE000  }
0x63: {  	[tilespmem:s31], [sflag:$0xB] =	stream.indirect.gather.add.f32 [hbm:s22], $0x80, s14, s3, $0xb8;
	[tilespmem:$0x18400] =	vst v63  }
0x64: {  	_ =	swait.ge [sflag:s16], $0x2000  }
0x65: {  	[sflag:s16] =	ssyncset.done $0x0  }
0x66: {  	[sflag:s16] =	ssyncadd.s32 $0xFFFFE000  }
0x67: {  	_ =	swait.ge [sflag:s13], $0x400  }
0x68: {  	s5 =	simm.s32 $0x6;
	[sflag:s13] =	ssyncset.done $0x0  }
0x69: {  	s2 =	simm.s32 $0x2400;
	s29 =	simm.s32 $0x4400;
	[sflag:s13] =	ssyncadd.s32 $0xFFFFFC00  }
0x6a: {  	[spmem:s12] =	stream.linear.scatter [tilespmem:s29], [sflag:$0xE], $0x2000, $0x38;
	[tilespmem:$0x18400] =	vst v63  }
0x6b: {  	s30 =	smov.u32 s24;
	s7 =	sshrl.u32 s4, $0x3;
	_ =	swait.ge [sflag:s10], $0x2000  }
0x6c: {  	s29 =	smov.u32 s22;
	s31 =	rddreg [dreg:$0xa];
	[sflag:s10] =	ssyncset.done $0x0  }
0x6d: {  	s22 =	sor.u32 $0x1C11, s6;
	[smem:$0x7EC] =	sst s6;
	[sflag:s10] =	ssyncadd.s32 $0xFFFFE000  }
0x6e: {  	[hbm:s31], [sflag:s22] =	dma.local [spmem:s7], $0x400  }
0x6f: {  	[tilespmem:s2], [sflag:$0x3] =	stream.linear.gather [spmem:s30], $0x2000, $0x38;
	[tilespmem:$0x18400] =	vst v63  }
0x70: {  	_ =	swait.ge [sflag:s5], $0x2000  }
0x71: {  	s9 =	simm.s32 $0xB;
	[sflag:s5] =	ssyncset.done $0x0  }
0x72: {  	s26 =	simm.s32 $0x8400;
	s31 =	rddreg [dreg:$0x1b];
	[sflag:s5] =	ssyncadd.s32 $0xFFFFE000  }
0x73: {  	[tilespmem:s26], [sflag:$0xC] =	stream.indirect.gather.add.f32 [hbm:s29], $0x80, s31, s3, $0xb8;
	[tilespmem:$0x18400] =	vst v63  }
0x74: {  	_ =	swait.ge [sflag:s9], $0x2000  }
0x75: {  	[sflag:s9] =	ssyncset.done $0x0  }
0x76: {  	[sflag:s9] =	ssyncadd.s32 $0xFFFFE000  }
0x77: {  	_ =	swait.ge [sflag:s8], $0x400  }
0x78: {  	[sflag:s8] =	ssyncset.done $0x0  }
0x79: {  	s9 =	simm.s32 $0x6400;
	[sflag:s8] =	ssyncadd.s32 $0xFFFFFC00  }
0x7a: {  	[spmem:s4] =	stream.linear.scatter [tilespmem:s9], [sflag:$0xF], $0x2000, $0x38;
	[tilespmem:$0x18400] =	vst v63  }
0x7b: {  	_ =	swait.ge [sflag:s11], $0x2000  }
0x7c: {  	[sflag:s11] =	ssyncset.done $0x0  }
0x7d: {  	s14 =	simm.s32 $0x4400;
	s31 =	rddreg [dreg:$0xb];
	[sflag:s11] =	ssyncadd.s32 $0xFFFFE000  }
0x7e: {  	[hbm:s31], [sflag:s0] =	dma.local [spmem:s21], $0x400  }
0x7f: {  	[tilespmem:s14], [sflag:$0x4] =	stream.linear.gather [spmem:s1], $0x2000, $0x38;
	[tilespmem:$0x18400] =	vst v63  }
0x80: {  	s14 =	simm.s32 $0x7  }
0x81: {  	_ =	swait.ge [sflag:s14], $0x2000  }
0x82: {  	s24 =	smov.u32 s15;
	[sflag:s14] =	ssyncset.done $0x0  }
0x83: {  	s15 =	simm.s32 $0xA400;
	s31 =	rddreg [dreg:$0x1c];
	[sflag:s14] =	ssyncadd.s32 $0xFFFFE000  }
0x84: {  	[tilespmem:s15], [sflag:$0xD] =	stream.indirect.gather.add.f32 [hbm:s29], $0x80, s31, s3, $0xb8;
	[tilespmem:$0x18400] =	vst v63  }
0x85: {  	s15 =	simm.s32 $0xC  }
0x86: {  	_ =	swait.ge [sflag:s15], $0x2000  }
0x87: {  	[sflag:s15] =	ssyncset.done $0x0  }
0x88: {  	[sflag:s15] =	ssyncadd.s32 $0xFFFFE000  }
0x89: {  	_ =	swait.ge [sflag:s13], $0x400  }
0x8a: {  	[sflag:s13] =	ssyncset.done $0x0  }
0x8b: {  	s6 =	simm.s32 $0x8400;
	[sflag:s13] =	ssyncadd.s32 $0xFFFFFC00  }
0x8c: {  	[spmem:s12] =	stream.linear.scatter [tilespmem:s6], [sflag:$0xE], $0x2000, $0x38;
	[tilespmem:$0x18400] =	vst v63  }
0x8d: {  	_ =	swait.ge [sflag:s10], $0x2000  }
0x8e: {  	[sflag:s10] =	ssyncset.done $0x0  }
0x8f: {  	s31 =	rddreg [dreg:$0xc];
	[sflag:s10] =	ssyncadd.s32 $0xFFFFE000  }
0x90: {  	[hbm:s31], [sflag:s22] =	dma.local [spmem:s7], $0x400  }
0x91: {  	[tilespmem:s9], [sflag:$0x5] =	stream.linear.gather [spmem:s20], $0x2000, $0x38;
	[tilespmem:$0x18400] =	vst v63  }
0x92: {  	_ =	swait.ge [sflag:s25], $0x2000  }
0x93: {  	s26 =	simm.s32 $0x400;
	[sflag:s25] =	ssyncset.done $0x0  }
0x94: {  	s6 =	simm.s32 $0xD;
	s31 =	rddreg [dreg:$0x1d];
	[sflag:s25] =	ssyncadd.s32 $0xFFFFE000  }
0x95: {  	[tilespmem:s26], [sflag:$0x8] =	stream.indirect.gather.add.f32 [hbm:s29], $0x80, s31, s3, $0xb8;
	[tilespmem:$0x18400] =	vst v63  }
0x96: {  	_ =	swait.ge [sflag:s6], $0x2000  }
0x97: {  	[sflag:s6] =	ssyncset.done $0x0  }
0x98: {  	[sflag:s6] =	ssyncadd.s32 $0xFFFFE000  }
0x99: {  	_ =	swait.ge [sflag:s8], $0x400  }
0x9a: {  	[sflag:s8] =	ssyncset.done $0x0  }
0x9b: {  	s26 =	simm.s32 $0xA400;
	[sflag:s8] =	ssyncadd.s32 $0xFFFFFC00  }
0x9c: {  	[spmem:s4] =	stream.linear.scatter [tilespmem:s26], [sflag:$0xF], $0x2000, $0x38;
	[tilespmem:$0x18400] =	vst v63  }
0x9d: {  	_ =	swait.ge [sflag:s11], $0x2000  }
0x9e: {  	[sflag:s11] =	ssyncset.done $0x0  }
0x9f: {  	s2 =	simm.s32 $0x8400;
	s31 =	rddreg [dreg:$0xd];
	[sflag:s11] =	ssyncadd.s32 $0xFFFFE000  }
0xa0: {  	[hbm:s31], [sflag:s0] =	dma.local [spmem:s21], $0x400  }
0xa1: {  	[tilespmem:s2], [sflag:$0x6] =	stream.linear.gather [spmem:s24], $0x2000, $0x38;
	[tilespmem:$0x18400] =	vst v63  }
0xa2: {  	s9 =	smov.u32 s24;
	_ =	swait.ge [sflag:s23], $0x2000  }
0xa3: {  	s6 =	simm.s32 $0x40;
	s24 =	smov.u32 s4;
	[sflag:s23] =	ssyncset.done $0x0  }
0xa4: {  	s4 =	simm.s32 $0x2400;
	s31 =	rddreg [dreg:$0x1e];
	[sflag:s23] =	ssyncadd.s32 $0xFFFFE000  }
0xa5: {  	[tilespmem:s4], [sflag:$0x9] =	stream.indirect.gather.add.f32 [hbm:s29], $0x80, s31, s6, $0xb8;
	[tilespmem:$0x18400] =	vst v63  }
0xa6: {  	_ =	swait.ge [sflag:s28], $0x2000  }
0xa7: {  	[sflag:s28] =	ssyncset.done $0x0  }
0xa8: {  	[sflag:s28] =	ssyncadd.s32 $0xFFFFE000  }
0xa9: {  	_ =	swait.ge [sflag:s13], $0x400  }
0xaa: {  	[sflag:s13] =	ssyncset.done $0x0  }
0xab: {  	s2 =	simm.s32 $0x400;
	[sflag:s13] =	ssyncadd.s32 $0xFFFFFC00  }
0xac: {  	[spmem:s12] =	stream.linear.scatter [tilespmem:s2], [sflag:$0xE], $0x2000, $0x38;
	[tilespmem:$0x18400] =	vst v63  }
0xad: {  	_ =	swait.ge [sflag:s10], $0x2000  }
0xae: {  	[sflag:s10] =	ssyncset.done $0x0  }
0xaf: {  	s31 =	rddreg [dreg:$0xe];
	[sflag:s10] =	ssyncadd.s32 $0xFFFFE000  }
0xb0: {  	[hbm:s31], [sflag:s22] =	dma.local [spmem:s7], $0x400  }
0xb1: {  	[tilespmem:s26], [sflag:$0x7] =	stream.linear.gather [spmem:s30], $0x2000, $0x38;
	[tilespmem:$0x18400] =	vst v63  }
0xb2: {  	_ =	swait.ge [sflag:s18], $0x2000  }
0xb3: {  	[sflag:s18] =	ssyncset.done $0x0  }
0xb4: {  	s26 =	simm.s32 $0x4400;
	s31 =	rddreg [dreg:$0x1f];
	[sflag:s18] =	ssyncadd.s32 $0xFFFFE000  }
0xb5: {  	[tilespmem:s26], [sflag:$0xA] =	stream.indirect.gather.add.f32 [hbm:s29], $0x80, s31, s6, $0xb8;
	[tilespmem:$0x18400] =	vst v63  }
0xb6: {  	_ =	swait.ge [sflag:s19], $0x2000  }
0xb7: {  	[sflag:s19] =	ssyncset.done $0x0  }
0xb8: {  	[sflag:s19] =	ssyncadd.s32 $0xFFFFE000  }
0xb9: {  	_ =	swait.ge [sflag:s8], $0x400  }
0xba: {  	[sflag:s8] =	ssyncset.done $0x0  }
0xbb: {  	[sflag:s8] =	ssyncadd.s32 $0xFFFFFC00  }
0xbc: {  	[spmem:s24] =	stream.linear.scatter [tilespmem:s4], [sflag:$0xF], $0x2000, $0x38;
	[tilespmem:$0x18400] =	vst v63  }
0xbd: {  	_ =	swait.ge [sflag:s11], $0x2000  }
0xbe: {  	[sflag:s11] =	ssyncset.done $0x0  }
0xbf: {  	s31 =	rddreg [dreg:$0xf];
	[sflag:s11] =	ssyncadd.s32 $0xFFFFE000  }
0xc0: {  	[hbm:s31], [sflag:s0] =	dma.local [spmem:s21], $0x400  }
0xc1: {  	[smem:$0x7ED] =	sst s1  }
0xc2: {  	[tilespmem:s2], [sflag:$0x2] =	stream.linear.gather [spmem:s1], $0x2000, $0x38;
	[tilespmem:$0x18400] =	vst v63  }
0xc3: {  	_ =	swait.ge [sflag:s17], $0x2000  }
0xc4: {  	s31 =	sld [smem:$0x7F7]  }
0xc5: {  	[sflag:s17] =	ssyncset.done $0x0  }
0xc6: {  	s2 =	simm.s32 $0x6400;
	[sflag:s17] =	ssyncadd.s32 $0xFFFFE000  }
0xc7: {  	[tilespmem:s2], [sflag:$0xB] =	stream.indirect.gather.add.f32 [hbm:s29], $0x80, s31, s6, $0xb8;
	[tilespmem:$0x18400] =	vst v63  }
0xc8: {  	_ =	swait.ge [sflag:s16], $0x2000  }
0xc9: {  	[sflag:s16] =	ssyncset.done $0x0  }
0xca: {  	[sflag:s16] =	ssyncadd.s32 $0xFFFFE000  }
0xcb: {  	_ =	swait.ge [sflag:s13], $0x400  }
0xcc: {  	[sflag:s13] =	ssyncset.done $0x0  }
0xcd: {  	[sflag:s13] =	ssyncadd.s32 $0xFFFFFC00  }
0xce: {  	[spmem:s12] =	stream.linear.scatter [tilespmem:s26], [sflag:$0xE], $0x2000, $0x38;
	[tilespmem:$0x18400] =	vst v63  }
0xcf: {  	_ =	swait.ge [sflag:s10], $0x2000  }
0xd0: {  	[sflag:s10] =	ssyncset.done $0x0  }
0xd1: {  	s31 =	rddreg [dreg:$0x10];
	[sflag:s10] =	ssyncadd.s32 $0xFFFFE000  }
0xd2: {  	[hbm:s31], [sflag:s22] =	dma.local [spmem:s7], $0x400  }
0xd3: {  	s4 =	simm.s32 $0x2400;
	[smem:$0x7EE] =	sst s20  }
0xd4: {  	[tilespmem:s4], [sflag:$0x3] =	stream.linear.gather [spmem:s20], $0x2000, $0x38;
	[tilespmem:$0x18400] =	vst v63  }
0xd5: {  	_ =	swait.ge [sflag:s5], $0x2000  }
0xd6: {  	s31 =	sld [smem:$0x7F8]  }
0xd7: {  	[sflag:s5] =	ssyncset.done $0x0  }
0xd8: {  	s3 =	simm.s32 $0xB;
	s20 =	simm.s32 $0x8400;
	[sflag:s5] =	ssyncadd.s32 $0xFFFFE000  }
0xd9: {  	[tilespmem:s20], [sflag:$0xC] =	stream.indirect.gather.add.f32 [hbm:s29], $0x80, s31, s6, $0xb8;
	[tilespmem:$0x18400] =	vst v63  }
0xda: {  	_ =	swait.ge [sflag:s3], $0x2000  }
0xdb: {  	[sflag:s3] =	ssyncset.done $0x0  }
0xdc: {  	[sflag:s3] =	ssyncadd.s32 $0xFFFFE000  }
0xdd: {  	_ =	swait.ge [sflag:s8], $0x400  }
0xde: {  	[sflag:s8] =	ssyncset.done $0x0  }
0xdf: {  	[sflag:s8] =	ssyncadd.s32 $0xFFFFFC00  }
0xe0: {  	[spmem:s24] =	stream.linear.scatter [tilespmem:s2], [sflag:$0xF], $0x2000, $0x38;
	[tilespmem:$0x18400] =	vst v63  }
0xe1: {  	_ =	swait.ge [sflag:s11], $0x2000  }
0xe2: {  	[sflag:s11] =	ssyncset.done $0x0  }
0xe3: {  	s31 =	rddreg [dreg:$0x11];
	[sflag:s11] =	ssyncadd.s32 $0xFFFFE000  }
0xe4: {  	[hbm:s31], [sflag:s0] =	dma.local [spmem:s21], $0x400  }
0xe5: {  	s26 =	simm.s32 $0x4400;
	[smem:$0x7EF] =	sst s9  }
0xe6: {  	[tilespmem:s26], [sflag:$0x4] =	stream.linear.gather [spmem:s9], $0x2000, $0x38;
	[tilespmem:$0x18400] =	vst v63  }
0xe7: {  	_ =	swait.ge [sflag:s14], $0x2000  }
0xe8: {  	s31 =	sld [smem:$0x7F9]  }
0xe9: {  	[sflag:s14] =	ssyncset.done $0x0  }
0xea: {  	[sflag:s14] =	ssyncadd.s32 $0xFFFFE000;
	s14 =	simm.s32 $0xA400  }
0xeb: {  	[tilespmem:s14], [sflag:$0xD] =	stream.indirect.gather.add.f32 [hbm:s29], $0x80, s31, s6, $0xb8;
	[tilespmem:$0x18400] =	vst v63  }
0xec: {  	_ =	swait.ge [sflag:s15], $0x2000  }
0xed: {  	[sflag:s15] =	ssyncset.done $0x0  }
0xee: {  	[sflag:s15] =	ssyncadd.s32 $0xFFFFE000  }
0xef: {  	_ =	swait.ge [sflag:s13], $0x400  }
0xf0: {  	[sflag:s13] =	ssyncset.done $0x0  }
0xf1: {  	[sflag:s13] =	ssyncadd.s32 $0xFFFFFC00  }
0xf2: {  	[spmem:s12] =	stream.linear.scatter [tilespmem:s20], [sflag:$0xE], $0x2000, $0x38;
	[tilespmem:$0x18400] =	vst v63  }
0xf3: {  	_ =	swait.ge [sflag:s10], $0x2000  }
0xf4: {  	[sflag:s10] =	ssyncset.done $0x0  }
0xf5: {  	s31 =	rddreg [dreg:$0x12];
	[sflag:s10] =	ssyncadd.s32 $0xFFFFE000  }
0xf6: {  	[hbm:s31], [sflag:s22] =	dma.local [spmem:s7], $0x400  }
0xf7: {  	s5 =	simm.s32 $0x6400;
	[smem:$0x7F0] =	sst s30  }
0xf8: {  	[tilespmem:s5], [sflag:$0x5] =	stream.linear.gather [spmem:s30], $0x2000, $0x38;
	[tilespmem:$0x18400] =	vst v63  }
0xf9: {  	_ =	swait.ge [sflag:s25], $0x2000  }
0xfa: {  	s31 =	sld [smem:$0x7FA]  }
0xfb: {  	[sflag:s25] =	ssyncset.done $0x0  }
0xfc: {  	s15 =	simm.s32 $0x400;
	s20 =	simm.s32 $0xD;
	[sflag:s25] =	ssyncadd.s32 $0xFFFFE000  }
0xfd: {  	[tilespmem:s15], [sflag:$0x8] =	stream.indirect.gather.add.f32 [hbm:s29], $0x80, s31, s6, $0xb8;
	[tilespmem:$0x18400] =	vst v63  }
0xfe: {  	_ =	swait.ge [sflag:s20], $0x2000  }
0xff: {  	[sflag:s20] =	ssyncset.done $0x0  }
0x100: {  	[sflag:s20] =	ssyncadd.s32 $0xFFFFE000  }
0x101: {  	_ =	swait.ge [sflag:s8], $0x400  }
0x102: {  	[sflag:s8] =	ssyncset.done $0x0  }
0x103: {  	[sflag:s8] =	ssyncadd.s32 $0xFFFFFC00  }
0x104: {  	[spmem:s24] =	stream.linear.scatter [tilespmem:s14], [sflag:$0xF], $0x2000, $0x38;
	[tilespmem:$0x18400] =	vst v63  }
0x105: {  	_ =	swait.ge [sflag:s11], $0x2000  }
0x106: {  	[sflag:s11] =	ssyncset.done $0x0  }
0x107: {  	s31 =	rddreg [dreg:$0x13];
	[sflag:s11] =	ssyncadd.s32 $0xFFFFE000  }
0x108: {  	[hbm:s31], [sflag:s0] =	dma.local [spmem:s21], $0x400  }
0x109: {  	_ =	swait.ge [sflag:s23], $0x2000  }
0x10a: {  	s31 =	sld [smem:$0x7FB]  }
0x10b: {  	[sflag:s23] =	ssyncset.done $0x0  }
0x10c: {  	s25 =	simm.s32 $0x2400;
	[sflag:s23] =	ssyncadd.s32 $0xFFFFE000  }
0x10d: {  	[tilespmem:s25], [sflag:$0x9] =	stream.indirect.gather.add.f32 [hbm:s29], $0x80, s31, s6, $0xb8;
	[tilespmem:$0x18400] =	vst v63  }
0x10e: {  	_ =	swait.ge [sflag:s28], $0x2000  }
0x10f: {  	[sflag:s28] =	ssyncset.done $0x0  }
0x110: {  	[sflag:s28] =	ssyncadd.s32 $0xFFFFE000  }
0x111: {  	_ =	swait.ge [sflag:s13], $0x400  }
0x112: {  	[sflag:s13] =	ssyncset.done $0x0  }
0x113: {  	[sflag:s13] =	ssyncadd.s32 $0xFFFFFC00  }
0x114: {  	[spmem:s12] =	stream.linear.scatter [tilespmem:s15], [sflag:$0xE], $0x2000, $0x38;
	[tilespmem:$0x18400] =	vst v63  }
0x115: {  	_ =	swait.ge [sflag:s10], $0x2000  }
0x116: {  	[sflag:s10] =	ssyncset.done $0x0  }
0x117: {  	s31 =	rddreg [dreg:$0x14];
	[sflag:s10] =	ssyncadd.s32 $0xFFFFE000  }
0x118: {  	[hbm:s31], [sflag:s22] =	dma.local [spmem:s7], $0x400  }
0x119: {  	_ =	swait.ge [sflag:s18], $0x2000  }
0x11a: {  	s31 =	sld [smem:$0x7FC]  }
0x11b: {  	[sflag:s18] =	ssyncset.done $0x0  }
0x11c: {  	s26 =	simm.s32 $0x4400;
	[sflag:s18] =	ssyncadd.s32 $0xFFFFE000  }
0x11d: {  	[tilespmem:s26], [sflag:$0xA] =	stream.indirect.gather.add.f32 [hbm:s29], $0x80, s31, s6, $0xb8;
	[tilespmem:$0x18400] =	vst v63  }
0x11e: {  	_ =	swait.ge [sflag:s19], $0x2000  }
0x11f: {  	[sflag:s19] =	ssyncset.done $0x0  }
0x120: {  	[sflag:s19] =	ssyncadd.s32 $0xFFFFE000  }
0x121: {  	_ =	swait.ge [sflag:s8], $0x400  }
0x122: {  	[sflag:s8] =	ssyncset.done $0x0  }
0x123: {  	[sflag:s8] =	ssyncadd.s32 $0xFFFFFC00  }
0x124: {  	[spmem:s24] =	stream.linear.scatter [tilespmem:s25], [sflag:$0xF], $0x2000, $0x38;
	[tilespmem:$0x18400] =	vst v63  }
0x125: {  	_ =	swait.ge [sflag:s11], $0x2000  }
0x126: {  	[sflag:s11] =	ssyncset.done $0x0  }
0x127: {  	s31 =	rddreg [dreg:$0x15];
	[sflag:s11] =	ssyncadd.s32 $0xFFFFE000  }
0x128: {  	[hbm:s31], [sflag:s0] =	dma.local [spmem:s21], $0x400  }
0x129: {  	_ =	swait.ge [sflag:s17], $0x2000  }
0x12a: {  	s31 =	sld [smem:$0x7FD]  }
0x12b: {  	[sflag:s17] =	ssyncset.done $0x0  }
0x12c: {  	s28 =	simm.s32 $0x6400;
	[sflag:s17] =	ssyncadd.s32 $0xFFFFE000  }
0x12d: {  	[tilespmem:s28], [sflag:$0xB] =	stream.indirect.gather.add.f32 [hbm:s29], $0x80, s31, s6, $0xb8;
	[tilespmem:$0x18400] =	vst v63  }
0x12e: {  	_ =	swait.ge [sflag:s16], $0x2000  }
0x12f: {  	[sflag:s16] =	ssyncset.done $0x0  }
0x130: {  	[sflag:s16] =	ssyncadd.s32 $0xFFFFE000  }
0x131: {  	_ =	swait.ge [sflag:s13], $0x400  }
0x132: {  	[sflag:s13] =	ssyncset.done $0x0  }
0x133: {  	[sflag:s13] =	ssyncadd.s32 $0xFFFFFC00  }
0x134: {  	[spmem:s12] =	stream.linear.scatter [tilespmem:s26], [sflag:$0xE], $0x2000, $0x38;
	[tilespmem:$0x18400] =	vst v63  }
0x135: {  	_ =	swait.ge [sflag:s10], $0x2000  }
0x136: {  	[sflag:s10] =	ssyncset.done $0x0  }
0x137: {  	s1 =	simm.s32 $0xB;
	s31 =	rddreg [dreg:$0x16];
	[sflag:s10] =	ssyncadd.s32 $0xFFFFE000  }
0x138: {  	[hbm:s31], [sflag:s22] =	dma.local [spmem:s7], $0x400  }
0x139: {  	_ =	swait.ge [sflag:s1], $0x2000  }
0x13a: {  	[sflag:s1] =	ssyncset.done $0x0  }
0x13b: {  	[sflag:s1] =	ssyncadd.s32 $0xFFFFE000  }
0x13c: {  	_ =	swait.ge [sflag:s8], $0x400  }
0x13d: {  	[sflag:s8] =	ssyncset.done $0x0  }
0x13e: {  	[sflag:s8] =	ssyncadd.s32 $0xFFFFFC00  }
0x13f: {  	[spmem:s24] =	stream.linear.scatter [tilespmem:s28], [sflag:$0xF], $0x2000, $0x38;
	[tilespmem:$0x18400] =	vst v63  }
0x140: {  	_ =	swait.ge [sflag:s11], $0x2000  }
0x141: {  	s31 =	rddreg [dreg:$0x17]  }
0x142: {  	[sflag:s11] =	ssyncset.done $0x0;
	[smem:$0x7F1] =	sst s0  }
0x143: {  	[smem:$0x7F2] =	sst s21;
	[sflag:s11] =	ssyncadd.s32 $0xFFFFE000  }
0x144: {  	[hbm:s31], [sflag:s0] =	dma.local [spmem:s21], $0x400  }
0x145: {  	_ =	swait.ge [sflag:s10], $0x2000  }
0x146: {  	s31 =	rddreg [dreg:$0x18]  }
0x147: {  	[sflag:s10] =	ssyncset.done $0x0;
	[smem:$0x7F3] =	sst s22  }
0x148: {  	[smem:$0x7F4] =	sst s7;
	[sflag:s10] =	ssyncadd.s32 $0xFFFFE000  }
0x149: {  	[hbm:s31], [sflag:s22] =	dma.local [spmem:s7], $0x400  }
0x14a: {  	_ =	swait.ge [sflag:s13], $0x400  }
0x14b: {  	s30 =	sld [smem:$0x7F5];
	_ =	sdelay $0x2  }
0x14c: {  	p1 =	sne.s32 s30, $0x1  }
.Ltmp1:
0x14d: {  	_ = 	snop;
	(pc) =	sbr.rel @!p1 .LBB2_7-.Ltmp1, $4  }
0x14e: {  	[sflag:s13] =	ssyncset.done $0x0  }
0x14f: {  	p0 =	por $0x1, $0x1;
	[sflag:s13] =	ssyncadd.s32 $0xFFFFFC00  }
0x150: {  	s20 =	smov.u32 s29;
	s17 =	simm.s32 $0x40;
	_ =	swait.ge [sflag:s8], $0x400  }
0x151: {  	s0 =	sadd.s32 $0xFFFFFFFF, s30;
	s31 =	rddreg [dreg:$0x9];
	[sflag:s8] =	ssyncset.done $0x0  }
0x152: {  	s6 =	simm.s32 $0x3  }
0x153: {  	s25 =	simm.s32 $0x8;
	s23 =	simm.s32 $0x9;
	s30 =	simm.s32 $0xE  }
.LBB2_4:
0x154: {  	s1 =	rddreg [dreg:$0x7]  }
0x155: {  	s15 =	rddreg [dreg:$0x8]  }
0x156: {  	[sflag:s8] =	ssyncadd.s32 $0xFFFFFC00;
	s18 =	sadd.s32 $0xFFFFFFFF, s0;
	s19 =	sld [smem:$0x7EB]  }
0x157: {  	s5 =	simm.s32 $0x0;
	s21 =	simm.s32 $0x12;
	[smem:$0x7EA] =	sst s18  }
0x158: {  	[tilespmem:s5], [sflag:$0x1] =	stream.linear.gather [hbm4b:s1+s5], $0x400, $0x38;
	[tilespmem:$0x18400] =	vst v63  }
0x159: {  	[spmem:s19], [sflag:s31] =	dma.local [hbm:s15], $0x1000  }
0x15a: {  	_ =	swait.ge [sflag:s21], $0x1000  }
0x15b: {  	s31 =	sld [smem:$0x7ED]  }
0x15c: {  	[sflag:s21] =	ssyncset.done $0x0  }
0x15d: {  	s22 =	simm.s32 $0x400;
	s19 =	sld [smem:$0x7EE];
	[sflag:s21] =	ssyncadd.s32 $0xFFFFF000  }
0x15e: {  	[tilespmem:s22], [sflag:$0x2] =	stream.linear.gather [spmem:s31], $0x2000, $0x38;
	[tilespmem:$0x18400] =	vst v63  }
0x15f: {  	s26 =	simm.s32 $0x2400;
	s18 =	sld [smem:$0x7EF]  }
0x160: {  	[tilespmem:s26], [sflag:$0x3] =	stream.linear.gather [spmem:s19], $0x2000, $0x38;
	[tilespmem:$0x18400] =	vst v63  }
0x161: {  	s28 =	simm.s32 $0x4400;
	s16 =	sld [smem:$0x7F0]  }
0x162: {  	[tilespmem:s28], [sflag:$0x4] =	stream.linear.gather [spmem:s18], $0x2000, $0x38;
	[tilespmem:$0x18400] =	vst v63  }
0x163: {  	s29 =	simm.s32 $0x6400  }
0x164: {  	[tilespmem:s29], [sflag:$0x5] =	stream.linear.gather [spmem:s16], $0x2000, $0x38;
	[tilespmem:$0x18400] =	vst v63  }
0x165: {  	s1 =	simm.s32 $0x8400  }
0x166: {  	[tilespmem:s1], [sflag:$0x6] =	stream.linear.gather [spmem:s31], $0x2000, $0x38;
	[tilespmem:$0x18400] =	vst v63  }
0x167: {  	s2 =	simm.s32 $0xA400;
	s7 =	simm.s32 $0x1  }
0x168: {  	[tilespmem:s2], [sflag:$0x7] =	stream.linear.gather [spmem:s19], $0x2000, $0x38;
	[tilespmem:$0x18400] =	vst v63  }
0x169: {  	_ =	swait.ge [sflag:s7], $0x400  }
0x16a: {  	[sflag:s7] =	ssyncset.done $0x0  }
0x16b: {  	s2 =	simm.s32 $0x2;
	[sflag:s7] =	ssyncadd.s32 $0xFFFFFC00  }
0x16c: {  	_ =	swait.ge [sflag:s2], $0x2000  }
0x16d: {  	[sflag:s2] =	ssyncset.done $0x0  }
0x16e: {  	s8 =	simm.s32 $0x400;
	[sflag:s2] =	ssyncadd.s32 $0xFFFFE000  }
0x16f: {  	[tilespmem:s8], [sflag:$0x8] =	stream.indirect.gather.add.f32 [hbm:s20], $0x80, s5, s17, $0xb8;
	[tilespmem:$0x18400] =	vst v63  }
0x170: {  	_ =	swait.ge [sflag:s6], $0x2000  }
0x171: {  	[sflag:s6] =	ssyncset.done $0x0  }
0x172: {  	s4 =	simm.s32 $0x2400;
	[sflag:s6] =	ssyncadd.s32 $0xFFFFE000  }
0x173: {  	[tilespmem:s4], [sflag:$0x9] =	stream.indirect.gather.add.f32 [hbm:s20], $0x80, s17, s17, $0xb8;
	[tilespmem:$0x18400] =	vst v63  }
0x174: {  	_ =	swait.ge [sflag:s25], $0x2000  }
0x175: {  	[sflag:s25] =	ssyncset.done $0x0  }
0x176: {  	s15 =	simm.s32 $0x4;
	[sflag:s25] =	ssyncadd.s32 $0xFFFFE000  }
0x177: {  	[spmem:s12] =	stream.linear.scatter [tilespmem:s8], [sflag:$0xE], $0x2000, $0x38;
	[tilespmem:$0x18400] =	vst v63  }
0x178: {  	_ =	swait.ge [sflag:s15], $0x2000  }
0x179: {  	[sflag:s15] =	ssyncset.done $0x0  }
0x17a: {  	s3 =	simm.s32 $0x4400;
	s21 =	rddreg [dreg:$0x19];
	[sflag:s15] =	ssyncadd.s32 $0xFFFFE000  }
0x17b: {  	[tilespmem:s3], [sflag:$0xA] =	stream.indirect.gather.add.f32 [hbm:s20], $0x80, s21, s17, $0xb8;
	[tilespmem:$0x18400] =	vst v63  }
0x17c: {  	_ =	swait.ge [sflag:s23], $0x2000  }
0x17d: {  	[sflag:s23] =	ssyncset.done $0x0  }
0x17e: {  	s9 =	simm.s32 $0x2400;
	[sflag:s23] =	ssyncadd.s32 $0xFFFFE000  }
0x17f: {  	[spmem:s24] =	stream.linear.scatter [tilespmem:s9], [sflag:$0xF], $0x2000, $0x38;
	[tilespmem:$0x18400] =	vst v63  }
0x180: {  	_ =	swait.ge [sflag:s11], $0x2000  }
0x181: {  	s7 =	sld [smem:$0x7F6]  }
0x182: {  	s21 =	sld [smem:$0x7F1]  }
0x183: {  	s26 =	sld [smem:$0x7F2]  }
0x184: {  	[sflag:s11] =	ssyncset.done $0x0  }
0x185: {  	s14 =	simm.s32 $0x400;
	s8 =	simm.s32 $0x5;
	[sflag:s11] =	ssyncadd.s32 $0xFFFFE000  }
0x186: {  	[hbm:s7], [sflag:s21] =	dma.local [spmem:s26], $0x400  }
0x187: {  	[tilespmem:s14], [sflag:$0x2] =	stream.linear.gather [spmem:s18], $0x2000, $0x38;
	[tilespmem:$0x18400] =	vst v63  }
0x188: {  	_ =	swait.ge [sflag:s8], $0x2000  }
0x189: {  	s11 =	simm.s32 $0xA;
	[sflag:s8] =	ssyncset.done $0x0  }
0x18a: {  	s14 =	simm.s32 $0x6400;
	s9 =	rddreg [dreg:$0x1a];
	[sflag:s8] =	ssyncadd.s32 $0xFFFFE000  }
0x18b: {  	[tilespmem:s14], [sflag:$0xB] =	stream.indirect.gather.add.f32 [hbm:s20], $0x80, s9, s17, $0xb8;
	[tilespmem:$0x18400] =	vst v63  }
0x18c: {  	_ =	swait.ge [sflag:s11], $0x2000  }
0x18d: {  	[sflag:s11] =	ssyncset.done $0x0  }
0x18e: {  	[sflag:s11] =	ssyncadd.s32 $0xFFFFE000  }
0x18f: {  	_ =	swait.ge [sflag:s13], $0x400  }
0x190: {  	[sflag:s13] =	ssyncset.done $0x0  }
0x191: {  	s22 =	simm.s32 $0x4400;
	[sflag:s13] =	ssyncadd.s32 $0xFFFFFC00  }
0x192: {  	[spmem:s12] =	stream.linear.scatter [tilespmem:s22], [sflag:$0xE], $0x2000, $0x38;
	[tilespmem:$0x18400] =	vst v63  }
0x193: {  	_ =	swait.ge [sflag:s10], $0x2000  }
0x194: {  	s29 =	sld [smem:$0x7F3]  }
0x195: {  	s7 =	sld [smem:$0x7F4]  }
0x196: {  	s28 =	simm.s32 $0x2400;
	[sflag:s10] =	ssyncset.done $0x0  }
0x197: {  	s5 =	simm.s32 $0x6;
	s22 =	rddreg [dreg:$0xa];
	[sflag:s10] =	ssyncadd.s32 $0xFFFFE000  }
0x198: {  	[hbm:s22], [sflag:s29] =	dma.local [spmem:s7], $0x400  }
0x199: {  	[tilespmem:s28], [sflag:$0x3] =	stream.linear.gather [spmem:s16], $0x2000, $0x38;
	[tilespmem:$0x18400] =	vst v63  }
0x19a: {  	_ =	swait.ge [sflag:s5], $0x2000  }
0x19b: {  	s9 =	simm.s32 $0x8400;
	[sflag:s5] =	ssyncset.done $0x0  }
0x19c: {  	s13 =	simm.s32 $0xB;
	s28 =	rddreg [dreg:$0x1b];
	[sflag:s5] =	ssyncadd.s32 $0xFFFFE000  }
0x19d: {  	[tilespmem:s9], [sflag:$0xC] =	stream.indirect.gather.add.f32 [hbm:s20], $0x80, s28, s17, $0xb8;
	[tilespmem:$0x18400] =	vst v63  }
0x19e: {  	_ =	swait.ge [sflag:s13], $0x2000  }
0x19f: {  	[sflag:s13] =	ssyncset.done $0x0  }
0x1a0: {  	s10 =	simm.s32 $0x11;
	[sflag:s13] =	ssyncadd.s32 $0xFFFFE000  }
0x1a1: {  	_ =	swait.ge [sflag:s10], $0x400  }
0x1a2: {  	[sflag:s10] =	ssyncset.done $0x0  }
0x1a3: {  	[sflag:s10] =	ssyncadd.s32 $0xFFFFFC00  }
0x1a4: {  	[spmem:s24] =	stream.linear.scatter [tilespmem:s14], [sflag:$0xF], $0x2000, $0x38;
	[tilespmem:$0x18400] =	vst v63  }
0x1a5: {  	p1 =	sne.s32 s0, $0x1;
	_ =	swait.ge [sflag:s30], $0x2000  }
0x1a6: {  	s4 =	smov.u32 s24;
	s3 =	simm.s32 $0x4400;
	[sflag:s30] =	ssyncset.done $0x0  }
0x1a7: {  	s24 =	simm.s32 $0x7;
	s0 =	rddreg [dreg:$0xb];
	[sflag:s30] =	ssyncadd.s32 $0xFFFFE000  }
0x1a8: {  	[hbm:s0], [sflag:s21] =	dma.local [spmem:s26], $0x400  }
0x1a9: {  	[tilespmem:s3], [sflag:$0x4] =	stream.linear.gather [spmem:s31], $0x2000, $0x38;
	[tilespmem:$0x18400] =	vst v63  }
0x1aa: {  	_ =	swait.ge [sflag:s24], $0x2000  }
0x1ab: {  	[sflag:s24] =	ssyncset.done $0x0  }
0x1ac: {  	s14 =	simm.s32 $0xA400;
	s3 =	rddreg [dreg:$0x1c];
	[sflag:s24] =	ssyncadd.s32 $0xFFFFE000  }
0x1ad: {  	[tilespmem:s14], [sflag:$0xD] =	stream.indirect.gather.add.f32 [hbm:s20], $0x80, s3, s17, $0xb8;
	[tilespmem:$0x18400] =	vst v63  }
0x1ae: {  	s3 =	smov.u32 s20;
	s20 =	simm.s32 $0xC  }
0x1af: {  	_ =	swait.ge [sflag:s20], $0x2000  }
0x1b0: {  	[sflag:s20] =	ssyncset.done $0x0  }
0x1b1: {  	s8 =	simm.s32 $0x10;
	[sflag:s20] =	ssyncadd.s32 $0xFFFFE000  }
0x1b2: {  	_ =	swait.ge [sflag:s8], $0x400  }
0x1b3: {  	[sflag:s8] =	ssyncset.done $0x0  }
0x1b4: {  	s11 =	simm.s32 $0xF;
	[sflag:s8] =	ssyncadd.s32 $0xFFFFFC00  }
0x1b5: {  	[spmem:s12] =	stream.linear.scatter [tilespmem:s9], [sflag:$0xE], $0x2000, $0x38;
	[tilespmem:$0x18400] =	vst v63  }
0x1b6: {  	_ =	swait.ge [sflag:s11], $0x2000  }
0x1b7: {  	[sflag:s11] =	ssyncset.done $0x0  }
0x1b8: {  	s22 =	simm.s32 $0x6400;
	s9 =	rddreg [dreg:$0xc];
	[sflag:s11] =	ssyncadd.s32 $0xFFFFE000  }
0x1b9: {  	[hbm:s9], [sflag:s29] =	dma.local [spmem:s7], $0x400  }
0x1ba: {  	[tilespmem:s22], [sflag:$0x5] =	stream.linear.gather [spmem:s19], $0x2000, $0x38;
	[tilespmem:$0x18400] =	vst v63  }
0x1bb: {  	_ =	swait.ge [sflag:s2], $0x2000  }
0x1bc: {  	s0 =	simm.s32 $0xD;
	[sflag:s2] =	ssyncset.done $0x0  }
0x1bd: {  	s9 =	simm.s32 $0x400;
	s22 =	rddreg [dreg:$0x1d];
	[sflag:s2] =	ssyncadd.s32 $0xFFFFE000  }
0x1be: {  	[tilespmem:s9], [sflag:$0x8] =	stream.indirect.gather.add.f32 [hbm:s3], $0x80, s22, s17, $0xb8;
	[tilespmem:$0x18400] =	vst v63  }
0x1bf: {  	_ =	swait.ge [sflag:s0], $0x2000  }
0x1c0: {  	[sflag:s0] =	ssyncset.done $0x0  }
0x1c1: {  	[sflag:s0] =	ssyncadd.s32 $0xFFFFE000  }
0x1c2: {  	_ =	swait.ge [sflag:s10], $0x400  }
0x1c3: {  	[sflag:s10] =	ssyncset.done $0x0  }
0x1c4: {  	[sflag:s10] =	ssyncadd.s32 $0xFFFFFC00  }
0x1c5: {  	[spmem:s4] =	stream.linear.scatter [tilespmem:s14], [sflag:$0xF], $0x2000, $0x38;
	[tilespmem:$0x18400] =	vst v63  }
0x1c6: {  	_ =	swait.ge [sflag:s30], $0x2000  }
0x1c7: {  	[sflag:s30] =	ssyncset.done $0x0  }
0x1c8: {  	s28 =	simm.s32 $0x8400;
	s22 =	rddreg [dreg:$0xd];
	[sflag:s30] =	ssyncadd.s32 $0xFFFFE000  }
0x1c9: {  	[hbm:s22], [sflag:s21] =	dma.local [spmem:s26], $0x400  }
0x1ca: {  	[tilespmem:s28], [sflag:$0x6] =	stream.linear.gather [spmem:s18], $0x2000, $0x38;
	[tilespmem:$0x18400] =	vst v63  }
0x1cb: {  	_ =	swait.ge [sflag:s6], $0x2000  }
0x1cc: {  	[sflag:s6] =	ssyncset.done $0x0  }
0x1cd: {  	s28 =	simm.s32 $0x2400;
	s0 =	rddreg [dreg:$0x1e];
	[sflag:s6] =	ssyncadd.s32 $0xFFFFE000  }
0x1ce: {  	[tilespmem:s28], [sflag:$0x9] =	stream.indirect.gather.add.f32 [hbm:s3], $0x80, s0, s17, $0xb8;
	[tilespmem:$0x18400] =	vst v63  }
0x1cf: {  	_ =	swait.ge [sflag:s25], $0x2000  }
0x1d0: {  	[sflag:s25] =	ssyncset.done $0x0  }
0x1d1: {  	[sflag:s25] =	ssyncadd.s32 $0xFFFFE000  }
0x1d2: {  	_ =	swait.ge [sflag:s8], $0x400  }
0x1d3: {  	[sflag:s8] =	ssyncset.done $0x0  }
0x1d4: {  	[sflag:s8] =	ssyncadd.s32 $0xFFFFFC00  }
0x1d5: {  	[spmem:s12] =	stream.linear.scatter [tilespmem:s9], [sflag:$0xE], $0x2000, $0x38;
	[tilespmem:$0x18400] =	vst v63  }
0x1d6: {  	_ =	swait.ge [sflag:s11], $0x2000  }
0x1d7: {  	[sflag:s11] =	ssyncset.done $0x0  }
0x1d8: {  	s14 =	simm.s32 $0xA400;
	s9 =	rddreg [dreg:$0xe];
	[sflag:s11] =	ssyncadd.s32 $0xFFFFE000  }
0x1d9: {  	[hbm:s9], [sflag:s29] =	dma.local [spmem:s7], $0x400  }
0x1da: {  	[tilespmem:s14], [sflag:$0x7] =	stream.linear.gather [spmem:s16], $0x2000, $0x38;
	[tilespmem:$0x18400] =	vst v63  }
0x1db: {  	_ =	swait.ge [sflag:s15], $0x2000  }
0x1dc: {  	[sflag:s15] =	ssyncset.done $0x0  }
0x1dd: {  	s0 =	simm.s32 $0x4400;
	s14 =	rddreg [dreg:$0x1f];
	[sflag:s15] =	ssyncadd.s32 $0xFFFFE000  }
0x1de: {  	[tilespmem:s0], [sflag:$0xA] =	stream.indirect.gather.add.f32 [hbm:s3], $0x80, s14, s17, $0xb8;
	[tilespmem:$0x18400] =	vst v63  }
0x1df: {  	_ =	swait.ge [sflag:s23], $0x2000  }
0x1e0: {  	[sflag:s23] =	ssyncset.done $0x0  }
0x1e1: {  	[sflag:s23] =	ssyncadd.s32 $0xFFFFE000  }
0x1e2: {  	_ =	swait.ge [sflag:s10], $0x400  }
0x1e3: {  	[sflag:s10] =	ssyncset.done $0x0  }
0x1e4: {  	[sflag:s10] =	ssyncadd.s32 $0xFFFFFC00  }
0x1e5: {  	[spmem:s4] =	stream.linear.scatter [tilespmem:s28], [sflag:$0xF], $0x2000, $0x38;
	[tilespmem:$0x18400] =	vst v63  }
0x1e6: {  	_ =	swait.ge [sflag:s30], $0x2000  }
0x1e7: {  	s22 =	simm.s32 $0x400;
	[sflag:s30] =	ssyncset.done $0x0  }
0x1e8: {  	s14 =	simm.s32 $0x5;
	s9 =	rddreg [dreg:$0xf];
	[sflag:s30] =	ssyncadd.s32 $0xFFFFE000  }
0x1e9: {  	[hbm:s9], [sflag:s21] =	dma.local [spmem:s26], $0x400  }
0x1ea: {  	[tilespmem:s22], [sflag:$0x2] =	stream.linear.gather [spmem:s31], $0x2000, $0x38;
	[tilespmem:$0x18400] =	vst v63  }
0x1eb: {  	_ =	swait.ge [sflag:s14], $0x2000  }
0x1ec: {  	s1 =	sld [smem:$0x7F7]  }
0x1ed: {  	[sflag:s14] =	ssyncset.done $0x0  }
0x1ee: {  	[sflag:s14] =	ssyncadd.s32 $0xFFFFE000;
	s14 =	simm.s32 $0x6400  }
0x1ef: {  	[tilespmem:s14], [sflag:$0xB] =	stream.indirect.gather.add.f32 [hbm:s3], $0x80, s1, s17, $0xb8;
	[tilespmem:$0x18400] =	vst v63  }
0x1f0: {  	s1 =	simm.s32 $0xA  }
0x1f1: {  	_ =	swait.ge [sflag:s1], $0x2000  }
0x1f2: {  	[sflag:s1] =	ssyncset.done $0x0  }
0x1f3: {  	[sflag:s1] =	ssyncadd.s32 $0xFFFFE000  }
0x1f4: {  	_ =	swait.ge [sflag:s8], $0x400  }
0x1f5: {  	[sflag:s8] =	ssyncset.done $0x0  }
0x1f6: {  	[sflag:s8] =	ssyncadd.s32 $0xFFFFFC00  }
0x1f7: {  	[spmem:s12] =	stream.linear.scatter [tilespmem:s0], [sflag:$0xE], $0x2000, $0x38;
	[tilespmem:$0x18400] =	vst v63  }
0x1f8: {  	_ =	swait.ge [sflag:s11], $0x2000  }
0x1f9: {  	[sflag:s11] =	ssyncset.done $0x0  }
0x1fa: {  	s28 =	simm.s32 $0x2400;
	s1 =	rddreg [dreg:$0x10];
	[sflag:s11] =	ssyncadd.s32 $0xFFFFE000  }
0x1fb: {  	[hbm:s1], [sflag:s29] =	dma.local [spmem:s7], $0x400  }
0x1fc: {  	[tilespmem:s28], [sflag:$0x3] =	stream.linear.gather [spmem:s19], $0x2000, $0x38;
	[tilespmem:$0x18400] =	vst v63  }
0x1fd: {  	_ =	swait.ge [sflag:s5], $0x2000  }
0x1fe: {  	s28 =	sld [smem:$0x7F8]  }
0x1ff: {  	[sflag:s5] =	ssyncset.done $0x0  }
0x200: {  	s19 =	simm.s32 $0x8400;
	[sflag:s5] =	ssyncadd.s32 $0xFFFFE000  }
0x201: {  	[tilespmem:s19], [sflag:$0xC] =	stream.indirect.gather.add.f32 [hbm:s3], $0x80, s28, s17, $0xb8;
	[tilespmem:$0x18400] =	vst v63  }
0x202: {  	_ =	swait.ge [sflag:s13], $0x2000  }
0x203: {  	[sflag:s13] =	ssyncset.done $0x0  }
0x204: {  	[sflag:s13] =	ssyncadd.s32 $0xFFFFE000  }
0x205: {  	_ =	swait.ge [sflag:s10], $0x400  }
0x206: {  	[sflag:s10] =	ssyncset.done $0x0  }
0x207: {  	[sflag:s10] =	ssyncadd.s32 $0xFFFFFC00  }
0x208: {  	[spmem:s4] =	stream.linear.scatter [tilespmem:s14], [sflag:$0xF], $0x2000, $0x38;
	[tilespmem:$0x18400] =	vst v63  }
0x209: {  	_ =	swait.ge [sflag:s30], $0x2000  }
0x20a: {  	[sflag:s30] =	ssyncset.done $0x0  }
0x20b: {  	s0 =	simm.s32 $0x4400;
	s28 =	rddreg [dreg:$0x11];
	[sflag:s30] =	ssyncadd.s32 $0xFFFFE000  }
0x20c: {  	[hbm:s28], [sflag:s21] =	dma.local [spmem:s26], $0x400  }
0x20d: {  	[tilespmem:s0], [sflag:$0x4] =	stream.linear.gather [spmem:s18], $0x2000, $0x38;
	[tilespmem:$0x18400] =	vst v63  }
0x20e: {  	_ =	swait.ge [sflag:s24], $0x2000  }
0x20f: {  	s14 =	sld [smem:$0x7F9]  }
0x210: {  	[sflag:s24] =	ssyncset.done $0x0  }
0x211: {  	s18 =	simm.s32 $0xA400;
	[sflag:s24] =	ssyncadd.s32 $0xFFFFE000  }
0x212: {  	[tilespmem:s18], [sflag:$0xD] =	stream.indirect.gather.add.f32 [hbm:s3], $0x80, s14, s17, $0xb8;
	[tilespmem:$0x18400] =	vst v63  }
0x213: {  	_ =	swait.ge [sflag:s20], $0x2000  }
0x214: {  	[sflag:s20] =	ssyncset.done $0x0  }
0x215: {  	[sflag:s20] =	ssyncadd.s32 $0xFFFFE000  }
0x216: {  	_ =	swait.ge [sflag:s8], $0x400  }
0x217: {  	[sflag:s8] =	ssyncset.done $0x0  }
0x218: {  	[sflag:s8] =	ssyncadd.s32 $0xFFFFFC00  }
0x219: {  	[spmem:s12] =	stream.linear.scatter [tilespmem:s19], [sflag:$0xE], $0x2000, $0x38;
	[tilespmem:$0x18400] =	vst v63  }
0x21a: {  	_ =	swait.ge [sflag:s11], $0x2000  }
0x21b: {  	[sflag:s11] =	ssyncset.done $0x0  }
0x21c: {  	s5 =	simm.s32 $0x6400;
	s28 =	rddreg [dreg:$0x12];
	[sflag:s11] =	ssyncadd.s32 $0xFFFFE000  }
0x21d: {  	[hbm:s28], [sflag:s29] =	dma.local [spmem:s7], $0x400  }
0x21e: {  	[tilespmem:s5], [sflag:$0x5] =	stream.linear.gather [spmem:s16], $0x2000, $0x38;
	[tilespmem:$0x18400] =	vst v63  }
0x21f: {  	_ =	swait.ge [sflag:s2], $0x2000  }
0x220: {  	s0 =	sld [smem:$0x7FA]  }
0x221: {  	[sflag:s2] =	ssyncset.done $0x0  }
0x222: {  	s5 =	simm.s32 $0xD;
	[sflag:s2] =	ssyncadd.s32 $0xFFFFE000  }
0x223: {  	[tilespmem:s22], [sflag:$0x8] =	stream.indirect.gather.add.f32 [hbm:s3], $0x80, s0, s17, $0xb8;
	[tilespmem:$0x18400] =	vst v63  }
0x224: {  	_ =	swait.ge [sflag:s5], $0x2000  }
0x225: {  	s16 =	simm.s32 $0xD;
	[sflag:s5] =	ssyncset.done $0x0  }
0x226: {  	[sflag:s16] =	ssyncadd.s32 $0xFFFFE000  }
0x227: {  	_ =	swait.ge [sflag:s10], $0x400  }
0x228: {  	[sflag:s10] =	ssyncset.done $0x0  }
0x229: {  	[sflag:s10] =	ssyncadd.s32 $0xFFFFFC00  }
0x22a: {  	[spmem:s4] =	stream.linear.scatter [tilespmem:s18], [sflag:$0xF], $0x2000, $0x38;
	[tilespmem:$0x18400] =	vst v63  }
0x22b: {  	_ =	swait.ge [sflag:s30], $0x2000  }
0x22c: {  	[sflag:s30] =	ssyncset.done $0x0  }
0x22d: {  	s18 =	rddreg [dreg:$0x13];
	[sflag:s30] =	ssyncadd.s32 $0xFFFFE000  }
0x22e: {  	[hbm:s18], [sflag:s21] =	dma.local [spmem:s26], $0x400  }
0x22f: {  	_ =	swait.ge [sflag:s6], $0x2000  }
0x230: {  	s19 =	sld [smem:$0x7FB]  }
0x231: {  	[sflag:s6] =	ssyncset.done $0x0  }
0x232: {  	s28 =	simm.s32 $0x2400;
	[sflag:s6] =	ssyncadd.s32 $0xFFFFE000  }
0x233: {  	[tilespmem:s28], [sflag:$0x9] =	stream.indirect.gather.add.f32 [hbm:s3], $0x80, s19, s17, $0xb8;
	[tilespmem:$0x18400] =	vst v63  }
0x234: {  	_ =	swait.ge [sflag:s25], $0x2000  }
0x235: {  	[sflag:s25] =	ssyncset.done $0x0  }
0x236: {  	[sflag:s25] =	ssyncadd.s32 $0xFFFFE000  }
0x237: {  	_ =	swait.ge [sflag:s8], $0x400  }
0x238: {  	[sflag:s8] =	ssyncset.done $0x0  }
0x239: {  	[sflag:s8] =	ssyncadd.s32 $0xFFFFFC00  }
0x23a: {  	[spmem:s12] =	stream.linear.scatter [tilespmem:s22], [sflag:$0xE], $0x2000, $0x38;
	[tilespmem:$0x18400] =	vst v63  }
0x23b: {  	_ =	swait.ge [sflag:s11], $0x2000  }
0x23c: {  	[sflag:s11] =	ssyncset.done $0x0  }
0x23d: {  	s2 =	rddreg [dreg:$0x14];
	[sflag:s11] =	ssyncadd.s32 $0xFFFFE000  }
0x23e: {  	[hbm:s2], [sflag:s29] =	dma.local [spmem:s7], $0x400  }
0x23f: {  	_ =	swait.ge [sflag:s15], $0x2000  }
0x240: {  	s5 =	sld [smem:$0x7FC]  }
0x241: {  	[sflag:s15] =	ssyncset.done $0x0  }
0x242: {  	s14 =	simm.s32 $0x4400;
	[sflag:s15] =	ssyncadd.s32 $0xFFFFE000  }
0x243: {  	[tilespmem:s14], [sflag:$0xA] =	stream.indirect.gather.add.f32 [hbm:s3], $0x80, s5, s17, $0xb8;
	[tilespmem:$0x18400] =	vst v63  }
0x244: {  	_ =	swait.ge [sflag:s23], $0x2000  }
0x245: {  	[sflag:s23] =	ssyncset.done $0x0  }
0x246: {  	[sflag:s23] =	ssyncadd.s32 $0xFFFFE000  }
0x247: {  	_ =	swait.ge [sflag:s10], $0x400  }
0x248: {  	[sflag:s10] =	ssyncset.done $0x0  }
0x249: {  	s11 =	simm.s32 $0xE;
	[sflag:s10] =	ssyncadd.s32 $0xFFFFFC00  }
0x24a: {  	[spmem:s4] =	stream.linear.scatter [tilespmem:s28], [sflag:$0xF], $0x2000, $0x38;
	[tilespmem:$0x18400] =	vst v63  }
0x24b: {  	_ =	swait.ge [sflag:s11], $0x2000  }
0x24c: {  	[sflag:s11] =	ssyncset.done $0x0  }
0x24d: {  	s9 =	simm.s32 $0x5;
	s15 =	rddreg [dreg:$0x15];
	[sflag:s11] =	ssyncadd.s32 $0xFFFFE000  }
0x24e: {  	[hbm:s15], [sflag:s21] =	dma.local [spmem:s26], $0x400  }
0x24f: {  	_ =	swait.ge [sflag:s9], $0x2000  }
0x250: {  	s16 =	sld [smem:$0x7FD]  }
0x251: {  	[sflag:s9] =	ssyncset.done $0x0  }
0x252: {  	s31 =	simm.s32 $0xA;
	s18 =	simm.s32 $0x6400;
	[sflag:s9] =	ssyncadd.s32 $0xFFFFE000  }
0x253: {  	[tilespmem:s18], [sflag:$0xB] =	stream.indirect.gather.add.f32 [hbm:s3], $0x80, s16, s17, $0xb8;
	[tilespmem:$0x18400] =	vst v63  }
0x254: {  	_ =	swait.ge [sflag:s31], $0x2000  }
0x255: {  	[sflag:s31] =	ssyncset.done $0x0  }
0x256: {  	[sflag:s31] =	ssyncadd.s32 $0xFFFFE000  }
0x257: {  	_ =	swait.ge [sflag:s8], $0x400  }
0x258: {  	[sflag:s8] =	ssyncset.done $0x0  }
0x259: {  	s10 =	simm.s32 $0xF;
	[sflag:s8] =	ssyncadd.s32 $0xFFFFFC00  }
0x25a: {  	[spmem:s12] =	stream.linear.scatter [tilespmem:s14], [sflag:$0xE], $0x2000, $0x38;
	[tilespmem:$0x18400] =	vst v63  }
0x25b: {  	_ =	swait.ge [sflag:s10], $0x2000  }
0x25c: {  	[sflag:s10] =	ssyncset.done $0x0  }
0x25d: {  	s19 =	rddreg [dreg:$0x16];
	[sflag:s10] =	ssyncadd.s32 $0xFFFFE000  }
0x25e: {  	[hbm:s19], [sflag:s29] =	dma.local [spmem:s7], $0x400  }
0x25f: {  	_ =	swait.ge [sflag:s13], $0x2000  }
0x260: {  	[sflag:s13] =	ssyncset.done $0x0  }
0x261: {  	s8 =	simm.s32 $0x11;
	[sflag:s13] =	ssyncadd.s32 $0xFFFFE000  }
0x262: {  	_ =	swait.ge [sflag:s8], $0x400  }
0x263: {  	[sflag:s8] =	ssyncset.done $0x0  }
0x264: {  	[sflag:s8] =	ssyncadd.s32 $0xFFFFFC00  }
0x265: {  	[spmem:s4] =	stream.linear.scatter [tilespmem:s18], [sflag:$0xF], $0x2000, $0x38;
	[tilespmem:$0x18400] =	vst v63  }
0x266: {  	s0 =	sld [smem:$0x7EA];
	_ =	swait.ge [sflag:s11], $0x2000  }
0x267: {  	[sflag:s11] =	ssyncset.done $0x0  }
0x268: {  	s22 =	rddreg [dreg:$0x17];
	[sflag:s11] =	ssyncadd.s32 $0xFFFFE000  }
0x269: {  	[hbm:s22], [sflag:s21] =	dma.local [spmem:s26], $0x400  }
0x26a: {  	_ =	swait.ge [sflag:s10], $0x2000  }
0x26b: {  	[sflag:s10] =	ssyncset.done $0x0  }
0x26c: {  	s13 =	simm.s32 $0x10;
	s28 =	rddreg [dreg:$0x18];
	[sflag:s10] =	ssyncadd.s32 $0xFFFFE000  }
0x26d: {  	[hbm:s28], [sflag:s29] =	dma.local [spmem:s7], $0x400  }
.Ltmp2:
0x26e: {  	_ =	swait.ge [sflag:s13], $0x400;
	(pc) =	sbr.rel @p1 .LBB2_4-.Ltmp2, $4  }
0x26f: {  	[sflag:s13] =	ssyncset.done $0x0  }
0x270: {  	[sflag:s13] =	ssyncadd.s32 $0xFFFFFC00  }
0x271: {  	s24 =	smov.u32 s4;
	_ =	swait.ge [sflag:s8], $0x400  }
0x272: {  	s20 =	smov.u32 s3;
	s31 =	rddreg [dreg:$0x9];
	[sflag:s8] =	ssyncset.done $0x0  }
0x273: {  	s22 =	sld [smem:$0x7F6]  }
0x274: {  	s24 =	sld [smem:$0x7F0]  }
0x275: {  	s15 =	sld [smem:$0x7EF]  }
0x276: {  	s2 =	smov.u32 s12;
	s20 =	sld [smem:$0x7EE]  }
0x277: {  	s26 =	simm.s32 $0xA400;
	s29 =	simm.s32 $0x8400;
	s5 =	sld [smem:$0x7ED]  }
0x278: {  	s6 =	simm.s32 $0x6400;
	s9 =	simm.s32 $0x4400;
	s7 =	simm.s32 $0x2400  }
0x279: {  	s14 =	simm.s32 $0x400;
	s16 =	simm.s32 $0xA;
	s17 =	simm.s32 $0x5  }
0x27a: {  	s18 =	simm.s32 $0x4;
	s19 =	simm.s32 $0x9;
	s28 =	simm.s32 $0x8  }
0x27b: {  	s23 =	simm.s32 $0x3;
	s25 =	simm.s32 $0x2;
	s21 =	sld [smem:$0x7EC]  }
.LBB2_6:
0x27c: {  	s0 =	rddreg [dreg:$0x7];
	[sflag:s8] =	ssyncadd.s32 @p0 $0xFFFFFC00  }
0x27d: {  	s1 =	rddreg [dreg:$0x8];
	s30 =	simm.s32 $0x0;
	s12 =	sshrl.u32 s5, $0x3  }
0x27e: {  	[tilespmem:s30], [sflag:$0x1] =	stream.linear.gather [hbm4b:s0+s30], $0x400, $0x38;
	[tilespmem:$0x18400] =	vst v63  }
0x27f: {  	[spmem:s12], [sflag:s31] =	dma.local [hbm:s1], $0x1000  }
0x280: {  	s1 =	simm.s32 $0x12  }
0x281: {  	_ =	swait.ge [sflag:s1], $0x1000  }
0x282: {  	[sflag:s1] =	ssyncset.done $0x0  }
0x283: {  	[sflag:s1] =	ssyncadd.s32 $0xFFFFF000  }
0x284: {  	[tilespmem:s14], [sflag:$0x2] =	stream.linear.gather [spmem:s5], $0x2000, $0x38;
	[tilespmem:$0x18400] =	vst v63  }
0x285: {  	_ = 	snop  }
0x286: {  	[tilespmem:s7], [sflag:$0x3] =	stream.linear.gather [spmem:s20], $0x2000, $0x38;
	[tilespmem:$0x18400] =	vst v63  }
0x287: {  	_ = 	snop  }
0x288: {  	[tilespmem:s9], [sflag:$0x4] =	stream.linear.gather [spmem:s15], $0x2000, $0x38;
	[tilespmem:$0x18400] =	vst v63  }
0x289: {  	_ = 	snop  }
0x28a: {  	[tilespmem:s6], [sflag:$0x5] =	stream.linear.gather [spmem:s24], $0x2000, $0x38;
	[tilespmem:$0x18400] =	vst v63  }
0x28b: {  	_ = 	snop  }
0x28c: {  	[tilespmem:s29], [sflag:$0x6] =	stream.linear.gather [spmem:s5], $0x2000, $0x38;
	[tilespmem:$0x18400] =	vst v63  }
0x28d: {  	s12 =	simm.s32 $0x1  }
0x28e: {  	[tilespmem:s26], [sflag:$0x7] =	stream.linear.gather [spmem:s20], $0x2000, $0x38;
	[tilespmem:$0x18400] =	vst v63  }
0x28f: {  	_ =	swait.ge [sflag:s12], $0x400  }
0x290: {  	[sflag:s12] =	ssyncset.done $0x0  }
0x291: {  	[sflag:s12] =	ssyncadd.s32 $0xFFFFFC00  }
0x292: {  	_ =	swait.ge [sflag:s25], $0x2000  }
0x293: {  	[sflag:s25] =	ssyncset.done $0x0  }
0x294: {  	s12 =	simm.s32 $0x40;
	[sflag:s25] =	ssyncadd.s32 $0xFFFFE000  }
0x295: {  	[tilespmem:s14], [sflag:$0x8] =	stream.indirect.gather.add.f32 [hbm:s3], $0x80, s30, s12, $0xb8;
	[tilespmem:$0x18400] =	vst v63  }
0x296: {  	_ =	swait.ge [sflag:s23], $0x2000  }
0x297: {  	[sflag:s23] =	ssyncset.done $0x0  }
0x298: {  	[sflag:s23] =	ssyncadd.s32 $0xFFFFE000  }
0x299: {  	[tilespmem:s7], [sflag:$0x9] =	stream.indirect.gather.add.f32 [hbm:s3], $0x80, s12, s12, $0xb8;
	[tilespmem:$0x18400] =	vst v63  }
0x29a: {  	_ =	swait.ge [sflag:s28], $0x2000  }
0x29b: {  	[sflag:s28] =	ssyncset.done $0x0  }
0x29c: {  	[sflag:s28] =	ssyncadd.s32 $0xFFFFE000  }
0x29d: {  	[spmem:s2] =	stream.linear.scatter [tilespmem:s14], [sflag:$0xE], $0x2000, $0x38;
	[tilespmem:$0x18400] =	vst v63  }
0x29e: {  	_ =	swait.ge [sflag:s18], $0x2000  }
0x29f: {  	[sflag:s18] =	ssyncset.done $0x0  }
0x2a0: {  	s26 =	rddreg [dreg:$0x19];
	[sflag:s18] =	ssyncadd.s32 $0xFFFFE000  }
0x2a1: {  	[tilespmem:s9], [sflag:$0xA] =	stream.indirect.gather.add.f32 [hbm:s3], $0x80, s26, s12, $0xb8;
	[tilespmem:$0x18400] =	vst v63  }
0x2a2: {  	_ =	swait.ge [sflag:s19], $0x2000  }
0x2a3: {  	[sflag:s19] =	ssyncset.done $0x0  }
0x2a4: {  	[sflag:s19] =	ssyncadd.s32 $0xFFFFE000  }
0x2a5: {  	[spmem:s4] =	stream.linear.scatter [tilespmem:s7], [sflag:$0xF], $0x2000, $0x38;
	[tilespmem:$0x18400] =	vst v63  }
0x2a6: {  	s0 =	sor.u32 $0x1C10, s21;
	_ =	swait.ge [sflag:s11], $0x2000  }
0x2a7: {  	s14 =	smov.u32 s21;
	s21 =	sshrl.u32 s2, $0x3;
	[sflag:s11] =	ssyncset.done $0x0  }
0x2a8: {  	s18 =	smov.u32 s5;
	s5 =	simm.s32 $0x400;
	[sflag:s11] =	ssyncadd.s32 $0xFFFFE000  }
0x2a9: {  	[hbm:s22], [sflag:s0] =	dma.local [spmem:s21], $0x400  }
0x2aa: {  	[tilespmem:s5], [sflag:$0x2] =	stream.linear.gather [spmem:s15], $0x2000, $0x38;
	[tilespmem:$0x18400] =	vst v63  }
0x2ab: {  	_ =	swait.ge [sflag:s17], $0x2000  }
0x2ac: {  	[sflag:s17] =	ssyncset.done $0x0  }
0x2ad: {  	s28 =	simm.s32 $0x6400;
	s23 =	rddreg [dreg:$0x1a];
	[sflag:s17] =	ssyncadd.s32 $0xFFFFE000  }
0x2ae: {  	[tilespmem:s28], [sflag:$0xB] =	stream.indirect.gather.add.f32 [hbm:s3], $0x80, s23, s12, $0xb8;
	[tilespmem:$0x18400] =	vst v63  }
0x2af: {  	_ =	swait.ge [sflag:s16], $0x2000  }
0x2b0: {  	[sflag:s16] =	ssyncset.done $0x0  }
0x2b1: {  	[sflag:s16] =	ssyncadd.s32 $0xFFFFE000  }
0x2b2: {  	_ =	swait.ge [sflag:s13], $0x400  }
0x2b3: {  	[sflag:s13] =	ssyncset.done $0x0  }
0x2b4: {  	s29 =	simm.s32 $0x4400;
	[sflag:s13] =	ssyncadd.s32 $0xFFFFFC00  }
0x2b5: {  	[spmem:s2] =	stream.linear.scatter [tilespmem:s29], [sflag:$0xE], $0x2000, $0x38;
	[tilespmem:$0x18400] =	vst v63  }
0x2b6: {  	s30 =	simm.s32 $0x2400;
	_ =	swait.ge [sflag:s10], $0x2000  }
0x2b7: {  	s26 =	sor.u32 $0x1C11, s14;
	s14 =	simm.s32 $0x6;
	[sflag:s10] =	ssyncset.done $0x0  }
0x2b8: {  	s29 =	sshrl.u32 s4, $0x3;
	s25 =	rddreg [dreg:$0xa];
	[sflag:s10] =	ssyncadd.s32 $0xFFFFE000  }
0x2b9: {  	[hbm:s25], [sflag:s26] =	dma.local [spmem:s29], $0x400  }
0x2ba: {  	[tilespmem:s30], [sflag:$0x3] =	stream.linear.gather [spmem:s24], $0x2000, $0x38;
	[tilespmem:$0x18400] =	vst v63  }
0x2bb: {  	_ =	swait.ge [sflag:s14], $0x2000  }
0x2bc: {  	s31 =	simm.s32 $0x8400;
	[sflag:s14] =	ssyncset.done $0x0  }
0x2bd: {  	s16 =	simm.s32 $0xB;
	s30 =	rddreg [dreg:$0x1b];
	[sflag:s14] =	ssyncadd.s32 $0xFFFFE000  }
0x2be: {  	[tilespmem:s31], [sflag:$0xC] =	stream.indirect.gather.add.f32 [hbm:s3], $0x80, s30, s12, $0xb8;
	[tilespmem:$0x18400] =	vst v63  }
0x2bf: {  	_ =	swait.ge [sflag:s16], $0x2000  }
0x2c0: {  	[sflag:s16] =	ssyncset.done $0x0  }
0x2c1: {  	[sflag:s16] =	ssyncadd.s32 $0xFFFFE000  }
0x2c2: {  	_ =	swait.ge [sflag:s8], $0x400  }
0x2c3: {  	[sflag:s8] =	ssyncset.done $0x0  }
0x2c4: {  	s19 =	simm.s32 $0x6400;
	[sflag:s8] =	ssyncadd.s32 $0xFFFFFC00  }
0x2c5: {  	[spmem:s4] =	stream.linear.scatter [tilespmem:s19], [sflag:$0xF], $0x2000, $0x38;
	[tilespmem:$0x18400] =	vst v63  }
0x2c6: {  	_ =	swait.ge [sflag:s11], $0x2000  }
0x2c7: {  	s6 =	simm.s32 $0x4400;
	s22 =	smov.u32 s15;
	[sflag:s11] =	ssyncset.done $0x0  }
0x2c8: {  	s15 =	simm.s32 $0x7;
	s5 =	rddreg [dreg:$0xb];
	[sflag:s11] =	ssyncadd.s32 $0xFFFFE000  }
0x2c9: {  	[hbm:s5], [sflag:s0] =	dma.local [spmem:s21], $0x400  }
0x2ca: {  	[tilespmem:s6], [sflag:$0x4] =	stream.linear.gather [spmem:s18], $0x2000, $0x38;
	[tilespmem:$0x18400] =	vst v63  }
0x2cb: {  	_ =	swait.ge [sflag:s15], $0x2000  }
0x2cc: {  	[sflag:s15] =	ssyncset.done $0x0  }
0x2cd: {  	s9 =	simm.s32 $0xA400;
	s6 =	rddreg [dreg:$0x1c];
	[sflag:s15] =	ssyncadd.s32 $0xFFFFE000  }
0x2ce: {  	[tilespmem:s9], [sflag:$0xD] =	stream.indirect.gather.add.f32 [hbm:s3], $0x80, s6, s12, $0xb8;
	[tilespmem:$0x18400] =	vst v63  }
0x2cf: {  	s9 =	simm.s32 $0xC  }
0x2d0: {  	_ =	swait.ge [sflag:s9], $0x2000  }
0x2d1: {  	[sflag:s9] =	ssyncset.done $0x0  }
0x2d2: {  	[sflag:s9] =	ssyncadd.s32 $0xFFFFE000  }
0x2d3: {  	_ =	swait.ge [sflag:s13], $0x400  }
0x2d4: {  	[sflag:s13] =	ssyncset.done $0x0  }
0x2d5: {  	[sflag:s13] =	ssyncadd.s32 $0xFFFFFC00  }
0x2d6: {  	[spmem:s2] =	stream.linear.scatter [tilespmem:s31], [sflag:$0xE], $0x2000, $0x38;
	[tilespmem:$0x18400] =	vst v63  }
0x2d7: {  	_ =	swait.ge [sflag:s10], $0x2000  }
0x2d8: {  	s17 =	simm.s32 $0x2;
	[sflag:s10] =	ssyncset.done $0x0  }
0x2d9: {  	s28 =	smov.u32 s20;
	s7 =	rddreg [dreg:$0xc];
	[sflag:s10] =	ssyncadd.s32 $0xFFFFE000  }
0x2da: {  	[hbm:s7], [sflag:s26] =	dma.local [spmem:s29], $0x400  }
0x2db: {  	[tilespmem:s19], [sflag:$0x5] =	stream.linear.gather [spmem:s28], $0x2000, $0x38;
	[tilespmem:$0x18400] =	vst v63  }
0x2dc: {  	_ =	swait.ge [sflag:s17], $0x2000  }
0x2dd: {  	s5 =	simm.s32 $0x400;
	[sflag:s17] =	ssyncset.done $0x0  }
0x2de: {  	s7 =	simm.s32 $0xD;
	s19 =	rddreg [dreg:$0x1d];
	[sflag:s17] =	ssyncadd.s32 $0xFFFFE000  }
0x2df: {  	[tilespmem:s5], [sflag:$0x8] =	stream.indirect.gather.add.f32 [hbm:s3], $0x80, s19, s12, $0xb8;
	[tilespmem:$0x18400] =	vst v63  }
0x2e0: {  	_ =	swait.ge [sflag:s7], $0x2000  }
0x2e1: {  	[sflag:s7] =	ssyncset.done $0x0  }
0x2e2: {  	[sflag:s7] =	ssyncadd.s32 $0xFFFFE000  }
0x2e3: {  	_ =	swait.ge [sflag:s8], $0x400  }
0x2e4: {  	[sflag:s8] =	ssyncset.done $0x0  }
0x2e5: {  	s6 =	simm.s32 $0xA400;
	[sflag:s8] =	ssyncadd.s32 $0xFFFFFC00  }
0x2e6: {  	[spmem:s4] =	stream.linear.scatter [tilespmem:s6], [sflag:$0xF], $0x2000, $0x38;
	[tilespmem:$0x18400] =	vst v63  }
0x2e7: {  	_ =	swait.ge [sflag:s11], $0x2000  }
0x2e8: {  	[sflag:s11] =	ssyncset.done $0x0  }
0x2e9: {  	s25 =	simm.s32 $0x3;
	s6 =	rddreg [dreg:$0xd];
	[sflag:s11] =	ssyncadd.s32 $0xFFFFE000  }
0x2ea: {  	[hbm:s6], [sflag:s0] =	dma.local [spmem:s21], $0x400  }
0x2eb: {  	[tilespmem:s31], [sflag:$0x6] =	stream.linear.gather [spmem:s22], $0x2000, $0x38;
	[tilespmem:$0x18400] =	vst v63  }
0x2ec: {  	_ =	swait.ge [sflag:s25], $0x2000  }
0x2ed: {  	s23 =	simm.s32 $0x8;
	[sflag:s25] =	ssyncset.done $0x0  }
0x2ee: {  	s6 =	simm.s32 $0x2400;
	s1 =	rddreg [dreg:$0x1e];
	[sflag:s25] =	ssyncadd.s32 $0xFFFFE000  }
0x2ef: {  	[tilespmem:s6], [sflag:$0x9] =	stream.indirect.gather.add.f32 [hbm:s3], $0x80, s1, s12, $0xb8;
	[tilespmem:$0x18400] =	vst v63  }
0x2f0: {  	_ =	swait.ge [sflag:s23], $0x2000  }
0x2f1: {  	[sflag:s23] =	ssyncset.done $0x0  }
0x2f2: {  	[sflag:s23] =	ssyncadd.s32 $0xFFFFE000  }
0x2f3: {  	_ =	swait.ge [sflag:s13], $0x400  }
0x2f4: {  	[sflag:s13] =	ssyncset.done $0x0  }
0x2f5: {  	[sflag:s13] =	ssyncadd.s32 $0xFFFFFC00  }
0x2f6: {  	[spmem:s2] =	stream.linear.scatter [tilespmem:s5], [sflag:$0xE], $0x2000, $0x38;
	[tilespmem:$0x18400] =	vst v63  }
0x2f7: {  	_ =	swait.ge [sflag:s10], $0x2000  }
0x2f8: {  	s20 =	simm.s32 $0x4;
	[sflag:s10] =	ssyncset.done $0x0  }
0x2f9: {  	s19 =	simm.s32 $0xA400;
	s1 =	rddreg [dreg:$0xe];
	[sflag:s10] =	ssyncadd.s32 $0xFFFFE000  }
0x2fa: {  	[hbm:s1], [sflag:s26] =	dma.local [spmem:s29], $0x400  }
0x2fb: {  	[tilespmem:s19], [sflag:$0x7] =	stream.linear.gather [spmem:s24], $0x2000, $0x38;
	[tilespmem:$0x18400] =	vst v63  }
0x2fc: {  	_ =	swait.ge [sflag:s20], $0x2000  }
0x2fd: {  	s30 =	simm.s32 $0x9;
	[sflag:s20] =	ssyncset.done $0x0  }
0x2fe: {  	s19 =	simm.s32 $0x4400;
	s1 =	rddreg [dreg:$0x1f];
	[sflag:s20] =	ssyncadd.s32 $0xFFFFE000  }
0x2ff: {  	[tilespmem:s19], [sflag:$0xA] =	stream.indirect.gather.add.f32 [hbm:s3], $0x80, s1, s12, $0xb8;
	[tilespmem:$0x18400] =	vst v63  }
0x300: {  	_ =	swait.ge [sflag:s30], $0x2000  }
0x301: {  	[sflag:s30] =	ssyncset.done $0x0  }
0x302: {  	[sflag:s30] =	ssyncadd.s32 $0xFFFFE000  }
0x303: {  	_ =	swait.ge [sflag:s8], $0x400  }
0x304: {  	[sflag:s8] =	ssyncset.done $0x0  }
0x305: {  	[sflag:s8] =	ssyncadd.s32 $0xFFFFFC00  }
0x306: {  	[spmem:s4] =	stream.linear.scatter [tilespmem:s6], [sflag:$0xF], $0x2000, $0x38;
	[tilespmem:$0x18400] =	vst v63  }
0x307: {  	_ =	swait.ge [sflag:s11], $0x2000  }
0x308: {  	s5 =	simm.s32 $0x400;
	[sflag:s11] =	ssyncset.done $0x0  }
0x309: {  	s1 =	simm.s32 $0x5;
	s19 =	rddreg [dreg:$0xf];
	[sflag:s11] =	ssyncadd.s32 $0xFFFFE000  }
0x30a: {  	[hbm:s19], [sflag:s0] =	dma.local [spmem:s21], $0x400  }
0x30b: {  	[tilespmem:s5], [sflag:$0x2] =	stream.linear.gather [spmem:s18], $0x2000, $0x38;
	[tilespmem:$0x18400] =	vst v63  }
0x30c: {  	_ =	swait.ge [sflag:s1], $0x2000  }
0x30d: {  	s18 =	sld [smem:$0x7F7]  }
0x30e: {  	[sflag:s1] =	ssyncset.done $0x0  }
0x30f: {  	s19 =	simm.s32 $0x6400;
	s5 =	simm.s32 $0xA;
	[sflag:s1] =	ssyncadd.s32 $0xFFFFE000  }
0x310: {  	[tilespmem:s19], [sflag:$0xB] =	stream.indirect.gather.add.f32 [hbm:s3], $0x80, s18, s12, $0xb8;
	[tilespmem:$0x18400] =	vst v63  }
0x311: {  	_ =	swait.ge [sflag:s5], $0x2000  }
0x312: {  	[sflag:s5] =	ssyncset.done $0x0  }
0x313: {  	[sflag:s5] =	ssyncadd.s32 $0xFFFFE000  }
0x314: {  	_ =	swait.ge [sflag:s13], $0x400  }
0x315: {  	[sflag:s13] =	ssyncset.done $0x0  }
0x316: {  	s18 =	simm.s32 $0x4400;
	[sflag:s13] =	ssyncadd.s32 $0xFFFFFC00  }
0x317: {  	[spmem:s2] =	stream.linear.scatter [tilespmem:s18], [sflag:$0xE], $0x2000, $0x38;
	[tilespmem:$0x18400] =	vst v63  }
0x318: {  	_ =	swait.ge [sflag:s10], $0x2000  }
0x319: {  	[sflag:s10] =	ssyncset.done $0x0  }
0x31a: {  	s6 =	simm.s32 $0x2400;
	s1 =	rddreg [dreg:$0x10];
	[sflag:s10] =	ssyncadd.s32 $0xFFFFE000  }
0x31b: {  	[hbm:s1], [sflag:s26] =	dma.local [spmem:s29], $0x400  }
0x31c: {  	[tilespmem:s6], [sflag:$0x3] =	stream.linear.gather [spmem:s28], $0x2000, $0x38;
	[tilespmem:$0x18400] =	vst v63  }
0x31d: {  	_ =	swait.ge [sflag:s14], $0x2000  }
0x31e: {  	s6 =	sld [smem:$0x7F8]  }
0x31f: {  	[sflag:s14] =	ssyncset.done $0x0  }
0x320: {  	[sflag:s14] =	ssyncadd.s32 $0xFFFFE000  }
0x321: {  	[tilespmem:s31], [sflag:$0xC] =	stream.indirect.gather.add.f32 [hbm:s3], $0x80, s6, s12, $0xb8;
	[tilespmem:$0x18400] =	vst v63  }
0x322: {  	_ =	swait.ge [sflag:s16], $0x2000  }
0x323: {  	[sflag:s16] =	ssyncset.done $0x0  }
0x324: {  	[sflag:s16] =	ssyncadd.s32 $0xFFFFE000  }
0x325: {  	_ =	swait.ge [sflag:s8], $0x400  }
0x326: {  	[sflag:s8] =	ssyncset.done $0x0  }
0x327: {  	[sflag:s8] =	ssyncadd.s32 $0xFFFFFC00  }
0x328: {  	[spmem:s4] =	stream.linear.scatter [tilespmem:s19], [sflag:$0xF], $0x2000, $0x38;
	[tilespmem:$0x18400] =	vst v63  }
0x329: {  	_ =	swait.ge [sflag:s11], $0x2000  }
0x32a: {  	[sflag:s11] =	ssyncset.done $0x0  }
0x32b: {  	s14 =	rddreg [dreg:$0x11];
	[sflag:s11] =	ssyncadd.s32 $0xFFFFE000  }
0x32c: {  	[hbm:s14], [sflag:s0] =	dma.local [spmem:s21], $0x400  }
0x32d: {  	[tilespmem:s18], [sflag:$0x4] =	stream.linear.gather [spmem:s22], $0x2000, $0x38;
	[tilespmem:$0x18400] =	vst v63  }
0x32e: {  	_ =	swait.ge [sflag:s15], $0x2000  }
0x32f: {  	s6 =	sld [smem:$0x7F9]  }
0x330: {  	[sflag:s15] =	ssyncset.done $0x0  }
0x331: {  	s18 =	simm.s32 $0xA400;
	[sflag:s15] =	ssyncadd.s32 $0xFFFFE000  }
0x332: {  	[tilespmem:s18], [sflag:$0xD] =	stream.indirect.gather.add.f32 [hbm:s3], $0x80, s6, s12, $0xb8;
	[tilespmem:$0x18400] =	vst v63  }
0x333: {  	_ =	swait.ge [sflag:s9], $0x2000  }
0x334: {  	[sflag:s9] =	ssyncset.done $0x0  }
0x335: {  	[sflag:s9] =	ssyncadd.s32 $0xFFFFE000  }
0x336: {  	_ =	swait.ge [sflag:s13], $0x400  }
0x337: {  	[sflag:s13] =	ssyncset.done $0x0  }
0x338: {  	[sflag:s13] =	ssyncadd.s32 $0xFFFFFC00  }
0x339: {  	[spmem:s2] =	stream.linear.scatter [tilespmem:s31], [sflag:$0xE], $0x2000, $0x38;
	[tilespmem:$0x18400] =	vst v63  }
0x33a: {  	_ =	swait.ge [sflag:s10], $0x2000  }
0x33b: {  	[sflag:s10] =	ssyncset.done $0x0  }
0x33c: {  	s19 =	simm.s32 $0x6400;
	s22 =	rddreg [dreg:$0x12];
	[sflag:s10] =	ssyncadd.s32 $0xFFFFE000  }
0x33d: {  	[hbm:s22], [sflag:s26] =	dma.local [spmem:s29], $0x400  }
0x33e: {  	[tilespmem:s19], [sflag:$0x5] =	stream.linear.gather [spmem:s24], $0x2000, $0x38;
	[tilespmem:$0x18400] =	vst v63  }
0x33f: {  	_ =	swait.ge [sflag:s17], $0x2000  }
0x340: {  	s24 =	sld [smem:$0x7FA]  }
0x341: {  	[sflag:s17] =	ssyncset.done $0x0  }
0x342: {  	s31 =	simm.s32 $0x400;
	[sflag:s17] =	ssyncadd.s32 $0xFFFFE000  }
0x343: {  	[tilespmem:s31], [sflag:$0x8] =	stream.indirect.gather.add.f32 [hbm:s3], $0x80, s24, s12, $0xb8;
	[tilespmem:$0x18400] =	vst v63  }
0x344: {  	_ =	swait.ge [sflag:s7], $0x2000  }
0x345: {  	[sflag:s7] =	ssyncset.done $0x0  }
0x346: {  	[sflag:s7] =	ssyncadd.s32 $0xFFFFE000  }
0x347: {  	_ =	swait.ge [sflag:s8], $0x400  }
0x348: {  	[sflag:s8] =	ssyncset.done $0x0  }
0x349: {  	[sflag:s8] =	ssyncadd.s32 $0xFFFFFC00  }
0x34a: {  	[spmem:s4] =	stream.linear.scatter [tilespmem:s18], [sflag:$0xF], $0x2000, $0x38;
	[tilespmem:$0x18400] =	vst v63  }
0x34b: {  	_ =	swait.ge [sflag:s11], $0x2000  }
0x34c: {  	[sflag:s11] =	ssyncset.done $0x0  }
0x34d: {  	s7 =	rddreg [dreg:$0x13];
	[sflag:s11] =	ssyncadd.s32 $0xFFFFE000  }
0x34e: {  	[hbm:s7], [sflag:s0] =	dma.local [spmem:s21], $0x400  }
0x34f: {  	_ =	swait.ge [sflag:s25], $0x2000  }
0x350: {  	s15 =	sld [smem:$0x7FB]  }
0x351: {  	[sflag:s25] =	ssyncset.done $0x0  }
0x352: {  	s28 =	simm.s32 $0x2400;
	[sflag:s25] =	ssyncadd.s32 $0xFFFFE000  }
0x353: {  	[tilespmem:s28], [sflag:$0x9] =	stream.indirect.gather.add.f32 [hbm:s3], $0x80, s15, s12, $0xb8;
	[tilespmem:$0x18400] =	vst v63  }
0x354: {  	_ =	swait.ge [sflag:s23], $0x2000  }
0x355: {  	[sflag:s23] =	ssyncset.done $0x0  }
0x356: {  	[sflag:s23] =	ssyncadd.s32 $0xFFFFE000  }
0x357: {  	_ =	swait.ge [sflag:s13], $0x400  }
0x358: {  	[sflag:s13] =	ssyncset.done $0x0  }
0x359: {  	[sflag:s13] =	ssyncadd.s32 $0xFFFFFC00  }
0x35a: {  	[spmem:s2] =	stream.linear.scatter [tilespmem:s31], [sflag:$0xE], $0x2000, $0x38;
	[tilespmem:$0x18400] =	vst v63  }
0x35b: {  	_ =	swait.ge [sflag:s10], $0x2000  }
0x35c: {  	[sflag:s10] =	ssyncset.done $0x0  }
0x35d: {  	s17 =	rddreg [dreg:$0x14];
	[sflag:s10] =	ssyncadd.s32 $0xFFFFE000  }
0x35e: {  	[hbm:s17], [sflag:s26] =	dma.local [spmem:s29], $0x400  }
0x35f: {  	_ =	swait.ge [sflag:s20], $0x2000  }
0x360: {  	s18 =	sld [smem:$0x7FC]  }
0x361: {  	[sflag:s20] =	ssyncset.done $0x0  }
0x362: {  	s14 =	simm.s32 $0x4400;
	[sflag:s20] =	ssyncadd.s32 $0xFFFFE000  }
0x363: {  	[tilespmem:s14], [sflag:$0xA] =	stream.indirect.gather.add.f32 [hbm:s3], $0x80, s18, s12, $0xb8;
	[tilespmem:$0x18400] =	vst v63  }
0x364: {  	_ =	swait.ge [sflag:s30], $0x2000  }
0x365: {  	[sflag:s30] =	ssyncset.done $0x0  }
0x366: {  	[sflag:s30] =	ssyncadd.s32 $0xFFFFE000  }
0x367: {  	_ =	swait.ge [sflag:s8], $0x400  }
0x368: {  	[sflag:s8] =	ssyncset.done $0x0  }
0x369: {  	[sflag:s8] =	ssyncadd.s32 $0xFFFFFC00  }
0x36a: {  	[spmem:s4] =	stream.linear.scatter [tilespmem:s28], [sflag:$0xF], $0x2000, $0x38;
	[tilespmem:$0x18400] =	vst v63  }
0x36b: {  	_ =	swait.ge [sflag:s11], $0x2000  }
0x36c: {  	[sflag:s11] =	ssyncset.done $0x0  }
0x36d: {  	s23 =	simm.s32 $0x5;
	s22 =	rddreg [dreg:$0x15];
	[sflag:s11] =	ssyncadd.s32 $0xFFFFE000  }
0x36e: {  	[hbm:s22], [sflag:s0] =	dma.local [spmem:s21], $0x400  }
0x36f: {  	_ =	swait.ge [sflag:s23], $0x2000  }
0x370: {  	s24 =	sld [smem:$0x7FD]  }
0x371: {  	[sflag:s23] =	ssyncset.done $0x0  }
0x372: {  	s5 =	simm.s32 $0xA;
	[sflag:s23] =	ssyncadd.s32 $0xFFFFE000  }
0x373: {  	[tilespmem:s19], [sflag:$0xB] =	stream.indirect.gather.add.f32 [hbm:s3], $0x80, s24, s12, $0xb8;
	[tilespmem:$0x18400] =	vst v63  }
0x374: {  	_ =	swait.ge [sflag:s5], $0x2000  }
0x375: {  	[sflag:s5] =	ssyncset.done $0x0  }
0x376: {  	[sflag:s5] =	ssyncadd.s32 $0xFFFFE000  }
0x377: {  	_ =	swait.ge [sflag:s13], $0x400  }
0x378: {  	[sflag:s13] =	ssyncset.done $0x0  }
0x379: {  	[sflag:s13] =	ssyncadd.s32 $0xFFFFFC00  }
0x37a: {  	[spmem:s2] =	stream.linear.scatter [tilespmem:s14], [sflag:$0xE], $0x2000, $0x38;
	[tilespmem:$0x18400] =	vst v63  }
0x37b: {  	_ =	swait.ge [sflag:s10], $0x2000  }
0x37c: {  	[sflag:s10] =	ssyncset.done $0x0  }
0x37d: {  	s25 =	rddreg [dreg:$0x16];
	[sflag:s10] =	ssyncadd.s32 $0xFFFFE000  }
0x37e: {  	[hbm:s25], [sflag:s26] =	dma.local [spmem:s29], $0x400  }
0x37f: {  	_ =	swait.ge [sflag:s16], $0x2000  }
0x380: {  	[sflag:s16] =	ssyncset.done $0x0  }
0x381: {  	[sflag:s16] =	ssyncadd.s32 $0xFFFFE000  }
0x382: {  	_ =	swait.ge [sflag:s8], $0x400  }
0x383: {  	[sflag:s8] =	ssyncset.done $0x0  }
0x384: {  	[sflag:s8] =	ssyncadd.s32 $0xFFFFFC00  }
0x385: {  	[spmem:s4] =	stream.linear.scatter [tilespmem:s19], [sflag:$0xF], $0x2000, $0x38;
	[tilespmem:$0x18400] =	vst v63  }
0x386: {  	_ =	swait.ge [sflag:s11], $0x2000  }
0x387: {  	[sflag:s11] =	ssyncset.done $0x0  }
0x388: {  	s28 =	rddreg [dreg:$0x17];
	[sflag:s11] =	ssyncadd.s32 $0xFFFFE000  }
0x389: {  	[hbm:s28], [sflag:s0] =	dma.local [spmem:s21], $0x400  }
0x38a: {  	_ =	swait.ge [sflag:s10], $0x2000  }
0x38b: {  	[sflag:s10] =	ssyncset.done $0x0  }
0x38c: {  	s30 =	rddreg [dreg:$0x18];
	[sflag:s10] =	ssyncadd.s32 $0xFFFFE000  }
0x38d: {  	[hbm:s30], [sflag:s26] =	dma.local [spmem:s29], $0x400  }
0x38e: {  	_ =	swait.ge [sflag:s13], $0x400  }
0x38f: {  	[sflag:s13] =	ssyncset.done $0x0  }
0x390: {  	[sflag:s13] =	ssyncadd.s32 $0xFFFFFC00  }
0x391: {  	_ =	swait.ge [sflag:s8], $0x400  }
0x392: {  	[sflag:s8] =	ssyncset.done $0x0  }
0x393: {  	[sflag:s8] =	ssyncadd.s32 $0xFFFFFC00  }
0x394: {  	_ =	sfence.sel $0x180000  }
0x395: {  	[bflag:$0x0] =	sbarrier.arrive $0xFFFF  }
0x396: {  	_ =	strace $0x90000047  }
0x397: {  	s31 =	stileid.u32;
	[bflag:$0x2] =	sbarrier.arrive $0xFFFF  }
0x398: {  	p0 =	sne.s32 s31, $0x0;
	s0 =	rddreg [dreg:$0x6]  }
0x399: {  	s0 =	sadd.s32 @!p0 $0x100000, s0  }
0x39a: {  	[sflag:s0] =	ssyncadd.tile.s32 @!p0 $0x1;
	_ =	shalt  }
.LBB2_1:
.Ltmp3:
0x39b: {  	(pc) =	sbr.rel .LBB2_6-.Ltmp3, $2  }
0x39c: {  	_ =	sdelay $0x2  }
0x39d: {  	s2 =	smov.u32 s12;
	s3 =	smov.u32 s22;
	s22 =	sld [smem:$0x7F6]  }
.LBB2_7:
0x39e: {  	s22 =	sld [smem:$0x7F6]  }
0x39f: {  	s4 =	smov.u32 s24;
	s24 =	sld [smem:$0x7F0]  }
0x3a0: {  	s2 =	smov.u32 s12;
	s15 =	sld [smem:$0x7EF]  }
0x3a1: {  	s3 =	smov.u32 s20;
	s26 =	simm.s32 $0xA400;
	s20 =	sld [smem:$0x7EE]  }
.Ltmp4:
0x3a2: {  	s29 =	simm.s32 $0x8400;
	s5 =	sld [smem:$0x7ED];
	(pc) =	sbr.rel .LBB2_6-.Ltmp4, $4  }
0x3a3: {  	s6 =	simm.s32 $0x6400;
	s9 =	simm.s32 $0x4400;
	s7 =	simm.s32 $0x2400  }
0x3a4: {  	s14 =	simm.s32 $0x400;
	s16 =	simm.s32 $0xA;
	s17 =	simm.s32 $0x5  }
0x3a5: {  	s18 =	simm.s32 $0x4;
	s19 =	simm.s32 $0x9;
	s28 =	simm.s32 $0x8  }
0x3a6: {  	s23 =	simm.s32 $0x3;
	s25 =	simm.s32 $0x2;
	s21 =	sld [smem:$0x7EC]  }
.Lfunc_end2:
_tile_overlayer_lowered:
.L_overlay_start_2:
0x3a7: {  	(tag) =	ssettag $0x2  }
0x3a8: {  	s0 =	rddreg [dreg:$0x0];
	s2 =	stileid.u32  }
0x3a9: {  	s1 =	rddreg [dreg:$0x1];
	p0 =	sne.s32 s2, $0x0  }
0x3aa: {  	s3 =	rddreg [dreg:$0x2];
	[bflag:$0x3] =	sbarrier.arrive $0xFFFF;
	s2 =	simm.s32 @!p0 $0x1C13  }
0x3ab: {  	[timem:s3], [sflag:s2] =	dma.local @!p0 [hbm:s0], s1  }
0x3ac: {  	s0 =	simm.s32 @!p0 $0x13  }
0x3ad: {  	_ =	swait.ge @!p0 [sflag:s0], s1  }
0x3ae: {  	s1 =	ssub.s32 @!p0 $0x0, s1;
	[sflag:s0] =	ssyncset.done @!p0 $0x0  }
0x3af: {  	[sflag:s0] =	ssyncadd.s32 @!p0 s1  }
0x3b0: {  	[bflag:$0x3] =	sbarrier.arrive $0xFFFF  }
0x3b1: {  	_ =	shalt  }

</sc_bundles>
